<compile_context>
chip_gen: v7x
topology: tpu7x:2x2x1
jax: 0.10.2.dev20260603
libtpu: 0.0.44.dev20260713+nightly
codegen_flags: <defaults>
</compile_context>

<pallas_src>
import functools

import jax
import jax.numpy as jnp
from jax import lax
from jax.experimental import pallas as pl
from jax.experimental.pallas import tpu as pltpu
from jax.experimental.pallas import tpu_sc as plsc

B = 16
N = 2048
D = 128
S = 512
KNN = 32
OUT = 512
NPIX = B * S
NG = NPIX * KNN
NTOT = NG + NPIX



def _fps_body(xr, yr, zr, fps_ref, nx_ref, ny_ref, nz_ref):
    X = xr[...]
    Y = yr[...]
    Z = zr[...]
    iota_n = lax.broadcasted_iota(jnp.int32, (B, N), 1)
    iota_s = lax.broadcasted_iota(jnp.int32, (B, S), 1)
    boff = lax.broadcasted_iota(jnp.int32, (B, 1), 0) * N

    def step(i, st):
        dists, far, fps, nx, ny, nz = st
        sel = iota_n == far
        cx = jnp.sum(jnp.where(sel, X, 0.0), axis=1, keepdims=True)
        cy = jnp.sum(jnp.where(sel, Y, 0.0), axis=1, keepdims=True)
        cz = jnp.sum(jnp.where(sel, Z, 0.0), axis=1, keepdims=True)
        hit = iota_s == i
        fps = jnp.where(hit, far + boff, fps)
        nx = jnp.where(hit, cx, nx)
        ny = jnp.where(hit, cy, ny)
        nz = jnp.where(hit, cz, nz)
        dx = X - cx
        dy = Y - cy
        dz = Z - cz
        d = (dx * dx + dz * dz) + dy * dy
        dists = jnp.minimum(dists, d)
        far = jnp.argmax(dists, axis=1, keepdims=True).astype(jnp.int32)
        return (dists, far, fps, nx, ny, nz)

    st0 = (jnp.full((B, N), 1e10, jnp.float32),
           jnp.zeros((B, 1), jnp.int32),
           jnp.zeros((B, S), jnp.int32),
           jnp.zeros((B, S), jnp.float32),
           jnp.zeros((B, S), jnp.float32),
           jnp.zeros((B, S), jnp.float32))
    _, _, fps, nx, ny, nz = lax.fori_loop(0, S, step, st0)
    fps_ref[...] = fps
    nx_ref[...] = nx
    ny_ref[...] = ny
    nz_ref[...] = nz


def _fps_call(X, Y, Z):
    return pl.pallas_call(
        _fps_body,
        out_shape=[
            jax.ShapeDtypeStruct((B, S), jnp.int32),
            jax.ShapeDtypeStruct((B, S), jnp.float32),
            jax.ShapeDtypeStruct((B, S), jnp.float32),
            jax.ShapeDtypeStruct((B, S), jnp.float32),
        ],
    )(X, Y, Z)



_ST = 128


def _knn_body(b0, xr, yr, zr, nref, oref):
    b = pl.program_id(0) + b0
    xb = xr[0]
    yb = yr[0]
    zb = zr[0]
    p = nref[0]
    px = p[:, 0:1]
    py = p[:, 1:2]
    pz = p[:, 2:3]
    def b16(v):
        return v.astype(jnp.bfloat16).astype(jnp.float32)

    dot = b16(px) * b16(xb) + b16(py) * b16(yb) + b16(pz) * b16(zb)
    s2 = px * px + py * py + pz * pz
    n2 = xb * xb + yb * yb + zb * zb
    d = s2 - 2.0 * dot + n2
    fiota = (lax.broadcasted_iota(jnp.int32, (_ST, N), 1).astype(jnp.float32)
             + (b * N).astype(jnp.float32))
    big = jnp.float32(3e38)
    inf = jnp.float32(jnp.inf)
    mprev = jnp.full((_ST, 1), -inf, jnp.float32)
    for j in range(KNN):
        m = jnp.min(jnp.where(d > mprev, d, inf), axis=1, keepdims=True)
        idxf = jnp.min(jnp.where(d == m, fiota, big), axis=1, keepdims=True)
        oref[0, :, j:j + 1] = idxf.astype(jnp.int32)
        mprev = m


def _knn_call(X, Y, Z, new_xyz, b0, nb):
    return pl.pallas_call(
        functools.partial(_knn_body, b0),
        grid=(nb, S // _ST),
        in_specs=[
            pl.BlockSpec((1, 1, N), lambda b, s: (b, 0, 0)),
            pl.BlockSpec((1, 1, N), lambda b, s: (b, 0, 0)),
            pl.BlockSpec((1, 1, N), lambda b, s: (b, 0, 0)),
            pl.BlockSpec((1, _ST, 3), lambda b, s: (b, s, 0)),
        ],
        out_specs=pl.BlockSpec((1, _ST, KNN), lambda b, s: (b, s, 0)),
        out_shape=jax.ShapeDtypeStruct((nb, S, KNN), jnp.int32),
    )(X.reshape(nb, 1, N), Y.reshape(nb, 1, N), Z.reshape(nb, 1, N),
      new_xyz)



_NW = 32
_CH = 128
_NBUF = 2


def _sc_gather(table, idxg, idxf, ng, npx):
    gw = ng // _NW
    gc = gw // _CH
    fw = npx // _NW
    fc = max(fw // _CH, 1)
    fch = min(fw, _CH)
    mesh = plsc.VectorSubcoreMesh(core_axis_name="c", subcore_axis_name="s")

    @functools.partial(
        pl.kernel,
        out_type=[
            jax.ShapeDtypeStruct((ng, D), jnp.float32),
            jax.ShapeDtypeStruct((npx, D), jnp.float32),
        ],
        mesh=mesh,
        scratch_types=[
            pltpu.VMEM((_NBUF, _CH), jnp.int32),
            pltpu.VMEM((_NBUF, _CH, D), jnp.float32),
            [pltpu.SemaphoreType.DMA] * _NBUF,
            [pltpu.SemaphoreType.DMA] * _NBUF,
        ],
    )
    def gk(idxg_hbm, idxf_hbm, table_hbm, outg_hbm, outf_hbm,
           idx_v, rows_v, gsems, osems):
        wid = lax.axis_index("s") * 2 + lax.axis_index("c")

        def run_simple(idx_hbm, out_hbm, base, ch):
            pltpu.sync_copy(idx_hbm.at[pl.ds(base, ch)],
                            idx_v.at[0, pl.ds(0, ch)])
            pltpu.async_copy(table_hbm.at[idx_v.at[0, pl.ds(0, ch)]],
                             rows_v.at[0, pl.ds(0, ch)], gsems[0]).wait()
            pltpu.sync_copy(rows_v.at[0, pl.ds(0, ch)],
                            out_hbm.at[pl.ds(base, ch)])

        def run(idx_hbm, out_hbm, base, nchunk):
            def start(g, slot):
                off = base + g * _CH
                pltpu.sync_copy(idx_hbm.at[pl.ds(off, _CH)],
                                idx_v.at[slot])
                pltpu.async_copy(table_hbm.at[idx_v.at[slot]],
                                 rows_v.at[slot], gsems[slot])

            start(0, 0)
            npairs = nchunk // _NBUF

            def pair(pidx, carry):
                for b in range(_NBUF):
                    g = pidx * _NBUF + b
                    nb = (b + 1) % _NBUF
                    pltpu.make_async_copy(table_hbm.at[idx_v.at[b]],
                                          rows_v.at[b], gsems[b]).wait()
                    pltpu.async_copy(
                        rows_v.at[b],
                        out_hbm.at[pl.ds(base + g * _CH, _CH)], osems[b])

                    @pl.when(g + 1 < nchunk)
                    def _():
                        @pl.when(g >= 1)
                        def _():
                            pltpu.make_async_copy(
                                rows_v.at[nb],
                                out_hbm.at[pl.ds(base, _CH)],
                                osems[nb]).wait()

                        start(g + 1, nb)

                return carry

            lax.fori_loop(0, npairs, pair, 0)
            for s in range(_NBUF):
                g_last = nchunk - _NBUF + s
                pltpu.make_async_copy(
                    rows_v.at[g_last % _NBUF],
                    out_hbm.at[pl.ds(base + g_last * _CH, _CH)],
                    osems[g_last % _NBUF]).wait()

        run(idxg_hbm, outg_hbm, wid * gw, gc)
        if fc > 1:
            run(idxf_hbm, outf_hbm, wid * fw, fc)
        else:
            run_simple(idxf_hbm, outf_hbm, wid * fw, fch)

    return gk(idxg, idxf, table)



_PT = 64


def _mm_body(g_ref, f_ref, wa_ref, wd_ref, p_ref, ymax_ref, st_ref):
    i = pl.program_id(0)
    Gb = g_ref[...]
    Yl = jnp.dot(Gb, wa_ref[...],
                 preferred_element_type=jnp.float32)
    Cc = jnp.dot(f_ref[...], wd_ref[...],
                 preferred_element_type=jnp.float32)
    Y3 = Yl.reshape(_PT, KNN, OUT)
    ymx = jnp.max(Y3, axis=1) + Cc
    Gsum = jnp.dot(p_ref[...], Gb,
                   preferred_element_type=jnp.float32)
    ks = jnp.dot(Gsum, wa_ref[...],
                 preferred_element_type=jnp.float32)
    s1 = jnp.sum(ks + float(KNN) * Cc, axis=0, keepdims=True)
    s2 = (jnp.sum(Yl * Yl, axis=0, keepdims=True)
          + jnp.sum((2.0 * ks + float(KNN) * Cc) * Cc, axis=0,
                    keepdims=True))
    ymax_ref[...] = ymx

    @pl.when(i == 0)
    def _():
        st_ref[...] = jnp.zeros((8, OUT), jnp.float32)

    st_ref[0:1, :] += s1
    st_ref[1:2, :] += s2


def _mm_call(G, F, WaT, WdT, P):
    npx = F.shape[0]
    return pl.pallas_call(
        _mm_body,
        grid=(npx // _PT,),
        in_specs=[
            pl.BlockSpec((_PT * KNN, D), lambda i: (i, 0)),
            pl.BlockSpec((_PT, D), lambda i: (i, 0)),
            pl.BlockSpec((D, OUT), lambda i: (0, 0)),
            pl.BlockSpec((D, OUT), lambda i: (0, 0)),
            pl.BlockSpec((_PT, _PT * KNN), lambda i: (0, 0)),
        ],
        out_specs=[
            pl.BlockSpec((_PT, OUT), lambda i: (i, 0)),
            pl.BlockSpec((8, OUT), lambda i: (0, 0)),
        ],
        out_shape=[
            jax.ShapeDtypeStruct((npx, OUT), jnp.float32),
            jax.ShapeDtypeStruct((8, OUT), jnp.float32),
        ],
    )(G, F, WaT, WdT, P)



def _epi_body(ymax_ref, st0_ref, st1_ref, g_ref, b_ref, out_ref):
    cnt = float(NG)
    s1 = st0_ref[0:1, :] + st1_ref[0:1, :]
    s2 = st0_ref[1:2, :] + st1_ref[1:2, :]
    mean = s1 / cnt
    var = s2 / cnt - mean * mean
    rstd = lax.rsqrt(var + 1e-5)
    a = g_ref[...] * rstd
    c = b_ref[...] - mean * a
    o = jnp.maximum(ymax_ref[...] * a + c, 0.0)
    out_ref[0] = o.T


def _epi_call(ymax, stats4, gamma, beta):
    nb = ymax.shape[0] // S
    return pl.pallas_call(
        _epi_body,
        grid=(nb,),
        in_specs=[
            pl.BlockSpec((S, OUT), lambda b: (b, 0)),
            pl.BlockSpec((8, OUT), lambda b: (0, 0)),
            pl.BlockSpec((8, OUT), lambda b: (0, 0)),
            pl.BlockSpec((1, OUT), lambda b: (0, 0)),
            pl.BlockSpec((1, OUT), lambda b: (0, 0)),
        ],
        out_specs=pl.BlockSpec((1, OUT, S), lambda b: (b, 0, 0)),
        out_shape=jax.ShapeDtypeStruct((nb, OUT, S), jnp.float32),
    )(ymax, *stats4, gamma, beta)



def kernel(x, coords, k, W1, gamma1, beta1):
    X = coords[:, :, 0]
    Y = coords[:, :, 1]
    Z = coords[:, :, 2]
    fpsg, nx, ny, nz = _fps_call(X, Y, Z)
    new_xyz = jnp.stack([nx, ny, nz], axis=-1)
    feat = jnp.transpose(x, (0, 2, 1)).reshape(B * N, D)
    W1a = W1[:, :D]
    Wd = W1[:, D:] - W1a
    pool = (jax.lax.broadcasted_iota(jnp.int32, (_PT, _PT * KNN), 1) // KNN
            == jax.lax.broadcasted_iota(jnp.int32, (_PT, _PT * KNN), 0)
            ).astype(jnp.float32)
    ns = 2
    h = B // ns
    ymaxs, stats = [], []
    for part in range(ns):
        sl = slice(part * h, (part + 1) * h)
        idxg = _knn_call(X[sl], Y[sl], Z[sl], new_xyz[sl], part * h, h)
        G, F = _sc_gather(feat, idxg.reshape(-1), fpsg[sl].reshape(-1),
                          h * S * KNN, h * S)
        ym, st = _mm_call(G, F, W1a.T, Wd.T, pool)
        ymaxs.append(ym)
        stats.append(st)
    g1 = gamma1.reshape(1, OUT)
    b1 = beta1.reshape(1, OUT)
    y = jnp.concatenate(
        [_epi_call(ym, stats, g1, b1) for ym in ymaxs], axis=0)
    return (new_xyz, y)

# --- scband reference (transcript-rebuilt; emitter-appended) ---
"""Pipeline reference for scband-sg-24824910971041 (READ-ONLY COPY).

The authoritative reference and input builder live on the scoring server;
editing this copy changes nothing except your own understanding.
"""

import jax, jax.numpy as jnp
import numpy as np

S = 512
OUT = 512
IN = 256
K = 32

def farthest_point_sample(coords, s):
    B, N, _ = coords.shape
    def fps_one(xyz):
        def body(i, state):
            idxs, dists, farthest = state
            idxs = idxs.at[i].set(farthest)
            centroid = xyz[farthest]
            d = jnp.sum((xyz - centroid) ** 2, axis=-1)
            dists = jnp.minimum(dists, d)
            farthest = jnp.argmax(dists).astype(jnp.int32)
            return (idxs, dists, farthest)
        idxs0 = jnp.zeros((s,), dtype=jnp.int32)
        dists0 = jnp.full((N,), 1e10, dtype=jnp.float32)
        idxs, _, _ = jax.lax.fori_loop(0, s, body, (idxs0, dists0, jnp.int32(0)))
        return idxs
    return jax.vmap(fps_one)(coords)

def index_points(points, idx):
    return jax.vmap(lambda p, i: p[i])(points, idx)

def knn_idx(coords, new_xyz, k):
    d = (jnp.sum(new_xyz ** 2, axis=-1, keepdims=True)
         - 2.0 * jnp.einsum('bsd,bnd->bsn', new_xyz, coords)
         + jnp.sum(coords ** 2, axis=-1)[:, None, :])
    _, idx = jax.lax.top_k(-d, K)
    return idx + jnp.asarray(k - k, dtype=idx.dtype)

def setup_inputs(seed: int = 0):
    key = jax.random.key(seed)
    k1, k2, k3 = jax.random.split(key, 3)
    x = jax.random.normal(k1, (16, 128, 2048), dtype=jnp.float32)
    coords = jax.random.uniform(k2, (16, 2048, 3), dtype=jnp.float32)
    W1 = jax.random.normal(k3, (OUT, IN), dtype=jnp.float32) * (1.0 / np.sqrt(IN))
    gamma1 = jnp.ones((OUT,), dtype=jnp.float32)
    beta1 = jnp.zeros((OUT,), dtype=jnp.float32)
    return {"x": x, "coords": coords, "k": 32, "W1": W1, "gamma1": gamma1, "beta1": beta1}

def reference(x, coords, k, W1, gamma1, beta1):
    features = jnp.transpose(x, (0, 2, 1))  # [B, N, D]
    fps_idx = farthest_point_sample(coords, S)  # [B, S]
    new_xyz = index_points(coords, fps_idx)  # [B, S, 3]
    new_feat = index_points(features, fps_idx)  # [B, S, D]
    idx = knn_idx(coords, new_xyz, k)  # [B, S, k]
    grouped = index_points(features, idx)  # [B, S, k, D]
    grouped_norm = grouped - new_feat[:, :, None, :]
    agg = jnp.concatenate([grouped_norm, jnp.broadcast_to(new_feat[:, :, None, :], grouped.shape)], axis=-1)
    b, s, kk, d = agg.shape
    nf = jnp.transpose(agg, (0, 1, 3, 2)).reshape(-1, d, kk)  # [B*S, 2D, k]
    y = jnp.einsum('oc,bck->bok', W1, nf)
    mean = jnp.mean(y, axis=(0, 2), keepdims=True)
    var = jnp.var(y, axis=(0, 2), keepdims=True)
    y = (y - mean) / jnp.sqrt(var + 1e-5)
    y = y * gamma1[None, :, None] + beta1[None, :, None]
    y = jax.nn.relu(y)
    y = jnp.max(y, axis=-1)  # adaptive_max_pool1d to 1
    y = y.reshape(b, s, -1).transpose(0, 2, 1)  # [B, OUT, S]
    return (new_xyz, y)

if __name__ == "__main__":
    import jax
    _d = setup_inputs()
    print(jax.jit(kernel)(*tuple(_d.values())))

</pallas_src>

<mosaic_0001>
#map = affine_map<(d0, d1) -> (0)>
#map1 = affine_map<(d0, d1) -> (0, 0)>
module attributes {stable_mosaic.version = 14 : i64} {
  func.func @gk(%arg0: i32, %arg1: i32, %arg2: memref<131072xi32, #tpu.memory_space<hbm>>, %arg3: memref<4096xi32, #tpu.memory_space<hbm>>, %arg4: memref<32768x128xf32, #tpu.memory_space<hbm>>, %arg5: memref<131072x128xf32, #tpu.memory_space<hbm>>, %arg6: memref<4096x128xf32, #tpu.memory_space<hbm>>, %arg7: memref<2x128xi32, #tpu.memory_space<vmem>>, %arg8: memref<2x128x128xf32, #tpu.memory_space<vmem>>, %arg9: memref<!tpu.dma_semaphore, #tpu.memory_space<semaphore_mem>>, %arg10: memref<!tpu.dma_semaphore, #tpu.memory_space<semaphore_mem>>, %arg11: memref<!tpu.dma_semaphore, #tpu.memory_space<semaphore_mem>>, %arg12: memref<!tpu.dma_semaphore, #tpu.memory_space<semaphore_mem>>) attributes {dimension_semantics = [#tpu.dimension_semantics<core_parallel>, #tpu.dimension_semantics<subcore_parallel>], iteration_bounds = array<i64: 2, 16>, scalar_prefetch = 0 : i64, scratch_operands = 6 : i64, tpu.core_type = #tpu.core_type<sc_vector_subcore>, window_params = [{transform_indices = #map}, {transform_indices = #map}, {transform_indices = #map1}, {transform_indices = #map1}, {transform_indices = #map1}]} {
    %mul3A = arith.constant 2 : i32
    %mul3A_0 = arith.muli %arg1, %mul3A : i32
    %add3A = arith.addi %mul3A_0, %arg0 : i32
    %mul3A_1 = arith.constant 4096 : i32
    %mul3A_2 = arith.muli %add3A, %mul3A_1 : i32
    %add3A_3 = arith.constant 0 : i32
    %add3A_4 = arith.addi %mul3A_2, %add3A_3 : i32
    %run_scoped3A = arith.constant 0 : i32
    "tpu.region"() ({
      %run_scoped3A_78 = tpu.sem_alloc : memref<!tpu.dma_semaphore, #tpu.memory_space<semaphore_mem>>
      %dma_start3A_79 = arith.constant 0 : i32
      %dma_start3A_80 = tpu.memref_slice %arg7[%run_scoped3A, %dma_start3A_79] : memref<2x128xi32, #tpu.memory_space<vmem>> -> memref<1x128xi32, #tpu.memory_space<vmem>>
      %dma_start3A_81 = tpu.memref_squeeze %dma_start3A_80 : memref<1x128xi32, #tpu.memory_space<vmem>> -> memref<128xi32, #tpu.memory_space<vmem>>
      %dma_start3A_82 = tpu.memref_slice %arg2[%add3A_4] : memref<131072xi32, #tpu.memory_space<hbm>> -> memref<128xi32, #tpu.memory_space<hbm>>
      %dma_start3A_83 = arith.constant 0 : i32
      %dma_start3A_84 = tpu.memref_slice %arg7[%run_scoped3A, %dma_start3A_83] : memref<2x128xi32, #tpu.memory_space<vmem>> -> memref<1x128xi32, #tpu.memory_space<vmem>>
      %dma_start3A_85 = tpu.memref_squeeze %dma_start3A_84 : memref<1x128xi32, #tpu.memory_space<vmem>> -> memref<128xi32, #tpu.memory_space<vmem>>
      %dma_start3A_86 = tpu.memref_slice %arg2[%add3A_4] : memref<131072xi32, #tpu.memory_space<hbm>> -> memref<128xi32, #tpu.memory_space<hbm>>
      tpu.enqueue_dma source(%dma_start3A_86 : memref<128xi32, #tpu.memory_space<hbm>>) target(%dma_start3A_85 : memref<128xi32, #tpu.memory_space<vmem>>) target_semaphore(%run_scoped3A_78 : memref<!tpu.dma_semaphore, #tpu.memory_space<semaphore_mem>>)
      %dma_wait3A_87 = arith.constant 0 : i32
      %dma_wait3A_88 = tpu.memref_slice %arg7[%run_scoped3A, %dma_wait3A_87] : memref<2x128xi32, #tpu.memory_space<vmem>> -> memref<1x128xi32, #tpu.memory_space<vmem>>
      %dma_wait3A_89 = tpu.memref_squeeze %dma_wait3A_88 : memref<1x128xi32, #tpu.memory_space<vmem>> -> memref<128xi32, #tpu.memory_space<vmem>>
      %dma_wait3A_90 = tpu.memref_slice %arg2[%add3A_4] : memref<131072xi32, #tpu.memory_space<hbm>> -> memref<128xi32, #tpu.memory_space<hbm>>
      %dma_wait3A_91 = arith.constant 0 : i32
      %dma_wait3A_92 = tpu.memref_slice %arg7[%run_scoped3A, %dma_wait3A_91] : memref<2x128xi32, #tpu.memory_space<vmem>> -> memref<1x128xi32, #tpu.memory_space<vmem>>
      %dma_wait3A_93 = tpu.memref_squeeze %dma_wait3A_92 : memref<1x128xi32, #tpu.memory_space<vmem>> -> memref<128xi32, #tpu.memory_space<vmem>>
      %dma_wait3A_94 = tpu.memref_slice %arg2[%add3A_4] : memref<131072xi32, #tpu.memory_space<hbm>> -> memref<128xi32, #tpu.memory_space<hbm>>
      tpu.wait_dma2 semaphore(%run_scoped3A_78 : memref<!tpu.dma_semaphore, #tpu.memory_space<semaphore_mem>>) src(%dma_wait3A_94 : memref<128xi32, #tpu.memory_space<hbm>>) dst(%dma_wait3A_93 : memref<128xi32, #tpu.memory_space<vmem>>)
      tpu.yield
    }) : () -> ()
    %dma_start3A = arith.constant 0 : i32
    %dma_start3A_5 = arith.constant 0 : i32
    %dma_start3A_6 = arith.constant 0 : i32
    %dma_start3A_7 = arith.constant 0 : i32
    %dma_start3A_8 = tpu.memref_slice %arg8[%dma_start3A_5, %dma_start3A_6, %dma_start3A_7] : memref<2x128x128xf32, #tpu.memory_space<vmem>> -> memref<1x128x128xf32, #tpu.memory_space<vmem>>
    %dma_start3A_9 = tpu.memref_squeeze %dma_start3A_8 : memref<1x128x128xf32, #tpu.memory_space<vmem>> -> memref<128x128xf32, #tpu.memory_space<vmem>>
    %dma_start3A_10 = arith.constant 0 : i32
    %dma_start3A_11 = tpu.memref_slice %arg7[%dma_start3A, %dma_start3A_10] : memref<2x128xi32, #tpu.memory_space<vmem>> -> memref<1x128xi32, #tpu.memory_space<vmem>>
    %dma_start3A_12 = tpu.memref_squeeze %dma_start3A_11 : memref<1x128xi32, #tpu.memory_space<vmem>> -> memref<128xi32, #tpu.memory_space<vmem>>
    %dma_start3A_13 = arith.constant 0 : i32
    %dma_start3A_14 = arith.constant 0 : i32
    %dma_start3A_15 = tpu.memref_slice %arg4[%dma_start3A_13, %dma_start3A_14] : memref<32768x128xf32, #tpu.memory_space<hbm>> -> memref<32768x128xf32, #tpu.memory_space<hbm>>
    tpu.enqueue_indirect_dma source(%dma_start3A_15 : memref<32768x128xf32, #tpu.memory_space<hbm>>) target(%dma_start3A_9 : memref<128x128xf32, #tpu.memory_space<vmem>>) offsets(%dma_start3A_12 : memref<128xi32, #tpu.memory_space<vmem>>) semaphore(%arg9 : memref<!tpu.dma_semaphore, #tpu.memory_space<semaphore_mem>>)
    %scan3A = arith.constant 0 : i32
    %scan3A_16 = arith.constant 0 : i32
    %scan3A_17 = arith.constant 16 : i32
    %scan3A_18 = arith.addi %scan3A_16, %scan3A_17 : i32
    %scan3A_19 = arith.constant 1 : i32
    scf.for %scan3A_78 = %scan3A_16 to %scan3A_18 step %scan3A_19  : i32 {
      %mul3A_79 = arith.constant 2 : i32
      %mul3A_80 = arith.muli %scan3A_78, %mul3A_79 : i32
      %add3A_81 = arith.constant 0 : i32
      %add3A_82 = arith.addi %mul3A_80, %add3A_81 : i32
      %dma_wait3A_83 = arith.constant 0 : i32
      %dma_wait3A_84 = arith.constant 0 : i32
      %dma_wait3A_85 = arith.constant 0 : i32
      %dma_wait3A_86 = arith.constant 0 : i32
      %dma_wait3A_87 = tpu.memref_slice %arg8[%dma_wait3A_84, %dma_wait3A_85, %dma_wait3A_86] : memref<2x128x128xf32, #tpu.memory_space<vmem>> -> memref<1x128x128xf32, #tpu.memory_space<vmem>>
      %dma_wait3A_88 = tpu.memref_squeeze %dma_wait3A_87 : memref<1x128x128xf32, #tpu.memory_space<vmem>> -> memref<128x128xf32, #tpu.memory_space<vmem>>
      %dma_wait3A_89 = arith.constant 0 : i32
      %dma_wait3A_90 = tpu.memref_slice %arg7[%dma_wait3A_83, %dma_wait3A_89] : memref<2x128xi32, #tpu.memory_space<vmem>> -> memref<1x128xi32, #tpu.memory_space<vmem>>
      %dma_wait3A_91 = tpu.memref_squeeze %dma_wait3A_90 : memref<1x128xi32, #tpu.memory_space<vmem>> -> memref<128xi32, #tpu.memory_space<vmem>>
      %dma_wait3A_92 = arith.constant 0 : i32
      %dma_wait3A_93 = arith.constant 0 : i32
      %dma_wait3A_94 = tpu.memref_slice %arg4[%dma_wait3A_92, %dma_wait3A_93] : memref<32768x128xf32, #tpu.memory_space<hbm>> -> memref<32768x128xf32, #tpu.memory_space<hbm>>
      tpu.wait_indirect_dma semaphore(%arg9 : memref<!tpu.dma_semaphore, #tpu.memory_space<semaphore_mem>>) src(%dma_wait3A_94 : memref<32768x128xf32, #tpu.memory_space<hbm>>) dst(%dma_wait3A_88 : memref<128x128xf32, #tpu.memory_space<vmem>>)
      %mul3A_95 = arith.constant 128 : i32
      %mul3A_96 = arith.muli %add3A_82, %mul3A_95 : i32
      %add3A_97 = arith.addi %mul3A_2, %mul3A_96 : i32
      %dma_start3A_98 = arith.constant 0 : i32
      %dma_start3A_99 = arith.constant 0 : i32
      %dma_start3A_100 = arith.constant 0 : i32
      %dma_start3A_101 = tpu.memref_slice %arg8[%dma_start3A_98, %dma_start3A_99, %dma_start3A_100] : memref<2x128x128xf32, #tpu.memory_space<vmem>> -> memref<1x128x128xf32, #tpu.memory_space<vmem>>
      %dma_start3A_102 = tpu.memref_squeeze %dma_start3A_101 : memref<1x128x128xf32, #tpu.memory_space<vmem>> -> memref<128x128xf32, #tpu.memory_space<vmem>>
      %dma_start3A_103 = arith.constant 0 : i32
      %dma_start3A_104 = tpu.memref_slice %arg5[%add3A_97, %dma_start3A_103] : memref<131072x128xf32, #tpu.memory_space<hbm>> -> memref<128x128xf32, #tpu.memory_space<hbm>>
      %dma_start3A_105 = arith.constant 0 : i32
      %dma_start3A_106 = tpu.memref_slice %arg5[%add3A_97, %dma_start3A_105] : memref<131072x128xf32, #tpu.memory_space<hbm>> -> memref<128x128xf32, #tpu.memory_space<hbm>>
      %dma_start3A_107 = arith.constant 0 : i32
      %dma_start3A_108 = arith.constant 0 : i32
      %dma_start3A_109 = tpu.memref_slice %arg8[%dma_start3A_98, %dma_start3A_107, %dma_start3A_108] : memref<2x128x128xf32, #tpu.memory_space<vmem>> -> memref<1x128x128xf32, #tpu.memory_space<vmem>>
      %dma_start3A_110 = tpu.memref_squeeze %dma_start3A_109 : memref<1x128x128xf32, #tpu.memory_space<vmem>> -> memref<128x128xf32, #tpu.memory_space<vmem>>
      tpu.enqueue_dma source(%dma_start3A_110 : memref<128x128xf32, #tpu.memory_space<vmem>>) target(%dma_start3A_106 : memref<128x128xf32, #tpu.memory_space<hbm>>) target_semaphore(%arg11 : memref<!tpu.dma_semaphore, #tpu.memory_space<semaphore_mem>>)
      %add3A_111 = arith.constant 1 : i32
      %add3A_112 = arith.addi %add3A_82, %add3A_111 : i32
      %lt3A = arith.constant 32 : i32
      %lt3A_113 = arith.cmpi slt, %add3A_112, %lt3A : i32
      %convert_element_type3A = arith.extui %lt3A_113 : i1 to i32
      %cond3A = arith.constant 0 : i32
      %cond3A_114 = arith.cmpi ne, %convert_element_type3A, %cond3A : i32
      scf.if %cond3A_114 {
        %ge3A = arith.constant 1 : i32
        %ge3A_154 = arith.cmpi sge, %add3A_82, %ge3A : i32
        %convert_element_type3A_155 = arith.extui %ge3A_154 : i1 to i32
        %cond3A_156 = arith.constant 0 : i32
        %cond3A_157 = arith.cmpi ne, %convert_element_type3A_155, %cond3A_156 : i32
        scf.if %cond3A_157 {
          %dma_wait3A_176 = arith.constant 1 : i32
          %dma_wait3A_177 = arith.constant 0 : i32
          %dma_wait3A_178 = arith.constant 0 : i32
          %dma_wait3A_179 = tpu.memref_slice %arg8[%dma_wait3A_176, %dma_wait3A_177, %dma_wait3A_178] : memref<2x128x128xf32, #tpu.memory_space<vmem>> -> memref<1x128x128xf32, #tpu.memory_space<vmem>>
          %dma_wait3A_180 = tpu.memref_squeeze %dma_wait3A_179 : memref<1x128x128xf32, #tpu.memory_space<vmem>> -> memref<128x128xf32, #tpu.memory_space<vmem>>
          %dma_wait3A_181 = arith.constant 0 : i32
          %dma_wait3A_182 = tpu.memref_slice %arg5[%mul3A_2, %dma_wait3A_181] : memref<131072x128xf32, #tpu.memory_space<hbm>> -> memref<128x128xf32, #tpu.memory_space<hbm>>
          %dma_wait3A_183 = arith.constant 0 : i32
          %dma_wait3A_184 = tpu.memref_slice %arg5[%mul3A_2, %dma_wait3A_183] : memref<131072x128xf32, #tpu.memory_space<hbm>> -> memref<128x128xf32, #tpu.memory_space<hbm>>
          %dma_wait3A_185 = arith.constant 0 : i32
          %dma_wait3A_186 = arith.constant 0 : i32
          %dma_wait3A_187 = tpu.memref_slice %arg8[%dma_wait3A_176, %dma_wait3A_185, %dma_wait3A_186] : memref<2x128x128xf32, #tpu.memory_space<vmem>> -> memref<1x128x128xf32, #tpu.memory_space<vmem>>
          %dma_wait3A_188 = tpu.memref_squeeze %dma_wait3A_187 : memref<1x128x128xf32, #tpu.memory_space<vmem>> -> memref<128x128xf32, #tpu.memory_space<vmem>>
          tpu.wait_dma2 semaphore(%arg12 : memref<!tpu.dma_semaphore, #tpu.memory_space<semaphore_mem>>) src(%dma_wait3A_188 : memref<128x128xf32, #tpu.memory_space<vmem>>) dst(%dma_wait3A_184 : memref<128x128xf32, #tpu.memory_space<hbm>>)
        } else {
        }
        %add3A_158 = arith.constant 1 : i32
        %add3A_159 = arith.addi %add3A_82, %add3A_158 : i32
        %mul3A_160 = arith.constant 128 : i32
        %mul3A_161 = arith.muli %add3A_159, %mul3A_160 : i32
        %add3A_162 = arith.addi %mul3A_2, %mul3A_161 : i32
        %run_scoped3A_163 = arith.constant 1 : i32
        "tpu.region"() ({
          %run_scoped3A_176 = tpu.sem_alloc : memref<!tpu.dma_semaphore, #tpu.memory_space<semaphore_mem>>
          %dma_start3A_177 = arith.constant 0 : i32
          %dma_start3A_178 = tpu.memref_slice %arg7[%run_scoped3A_163, %dma_start3A_177] : memref<2x128xi32, #tpu.memory_space<vmem>> -> memref<1x128xi32, #tpu.memory_space<vmem>>
          %dma_start3A_179 = tpu.memref_squeeze %dma_start3A_178 : memref<1x128xi32, #tpu.memory_space<vmem>> -> memref<128xi32, #tpu.memory_space<vmem>>
          %dma_start3A_180 = tpu.memref_slice %arg2[%add3A_162] : memref<131072xi32, #tpu.memory_space<hbm>> -> memref<128xi32, #tpu.memory_space<hbm>>
          %dma_start3A_181 = arith.constant 0 : i32
          %dma_start3A_182 = tpu.memref_slice %arg7[%run_scoped3A_163, %dma_start3A_181] : memref<2x128xi32, #tpu.memory_space<vmem>> -> memref<1x128xi32, #tpu.memory_space<vmem>>
          %dma_start3A_183 = tpu.memref_squeeze %dma_start3A_182 : memref<1x128xi32, #tpu.memory_space<vmem>> -> memref<128xi32, #tpu.memory_space<vmem>>
          %dma_start3A_184 = tpu.memref_slice %arg2[%add3A_162] : memref<131072xi32, #tpu.memory_space<hbm>> -> memref<128xi32, #tpu.memory_space<hbm>>
          tpu.enqueue_dma source(%dma_start3A_184 : memref<128xi32, #tpu.memory_space<hbm>>) target(%dma_start3A_183 : memref<128xi32, #tpu.memory_space<vmem>>) target_semaphore(%run_scoped3A_176 : memref<!tpu.dma_semaphore, #tpu.memory_space<semaphore_mem>>)
          %dma_wait3A_185 = arith.constant 0 : i32
          %dma_wait3A_186 = tpu.memref_slice %arg7[%run_scoped3A_163, %dma_wait3A_185] : memref<2x128xi32, #tpu.memory_space<vmem>> -> memref<1x128xi32, #tpu.memory_space<vmem>>
          %dma_wait3A_187 = tpu.memref_squeeze %dma_wait3A_186 : memref<1x128xi32, #tpu.memory_space<vmem>> -> memref<128xi32, #tpu.memory_space<vmem>>
          %dma_wait3A_188 = tpu.memref_slice %arg2[%add3A_162] : memref<131072xi32, #tpu.memory_space<hbm>> -> memref<128xi32, #tpu.memory_space<hbm>>
          %dma_wait3A_189 = arith.constant 0 : i32
          %dma_wait3A_190 = tpu.memref_slice %arg7[%run_scoped3A_163, %dma_wait3A_189] : memref<2x128xi32, #tpu.memory_space<vmem>> -> memref<1x128xi32, #tpu.memory_space<vmem>>
          %dma_wait3A_191 = tpu.memref_squeeze %dma_wait3A_190 : memref<1x128xi32, #tpu.memory_space<vmem>> -> memref<128xi32, #tpu.memory_space<vmem>>
          %dma_wait3A_192 = tpu.memref_slice %arg2[%add3A_162] : memref<131072xi32, #tpu.memory_space<hbm>> -> memref<128xi32, #tpu.memory_space<hbm>>
          tpu.wait_dma2 semaphore(%run_scoped3A_176 : memref<!tpu.dma_semaphore, #tpu.memory_space<semaphore_mem>>) src(%dma_wait3A_192 : memref<128xi32, #tpu.memory_space<hbm>>) dst(%dma_wait3A_191 : memref<128xi32, #tpu.memory_space<vmem>>)
          tpu.yield
        }) : () -> ()
        %dma_start3A_164 = arith.constant 1 : i32
        %dma_start3A_165 = arith.constant 1 : i32
        %dma_start3A_166 = arith.constant 0 : i32
        %dma_start3A_167 = arith.constant 0 : i32
        %dma_start3A_168 = tpu.memref_slice %arg8[%dma_start3A_165, %dma_start3A_166, %dma_start3A_167] : memref<2x128x128xf32, #tpu.memory_space<vmem>> -> memref<1x128x128xf32, #tpu.memory_space<vmem>>
        %dma_start3A_169 = tpu.memref_squeeze %dma_start3A_168 : memref<1x128x128xf32, #tpu.memory_space<vmem>> -> memref<128x128xf32, #tpu.memory_space<vmem>>
        %dma_start3A_170 = arith.constant 0 : i32
        %dma_start3A_171 = tpu.memref_slice %arg7[%dma_start3A_164, %dma_start3A_170] : memref<2x128xi32, #tpu.memory_space<vmem>> -> memref<1x128xi32, #tpu.memory_space<vmem>>
        %dma_start3A_172 = tpu.memref_squeeze %dma_start3A_171 : memref<1x128xi32, #tpu.memory_space<vmem>> -> memref<128xi32, #tpu.memory_space<vmem>>
        %dma_start3A_173 = arith.constant 0 : i32
        %dma_start3A_174 = arith.constant 0 : i32
        %dma_start3A_175 = tpu.memref_slice %arg4[%dma_start3A_173, %dma_start3A_174] : memref<32768x128xf32, #tpu.memory_space<hbm>> -> memref<32768x128xf32, #tpu.memory_space<hbm>>
        tpu.enqueue_indirect_dma source(%dma_start3A_175 : memref<32768x128xf32, #tpu.memory_space<hbm>>) target(%dma_start3A_169 : memref<128x128xf32, #tpu.memory_space<vmem>>) offsets(%dma_start3A_172 : memref<128xi32, #tpu.memory_space<vmem>>) semaphore(%arg10 : memref<!tpu.dma_semaphore, #tpu.memory_space<semaphore_mem>>)
      } else {
      }
      %mul3A_115 = arith.constant 2 : i32
      %mul3A_116 = arith.muli %scan3A_78, %mul3A_115 : i32
      %add3A_117 = arith.constant 1 : i32
      %add3A_118 = arith.addi %mul3A_116, %add3A_117 : i32
      %dma_wait3A_119 = arith.constant 1 : i32
      %dma_wait3A_120 = arith.constant 1 : i32
      %dma_wait3A_121 = arith.constant 0 : i32
      %dma_wait3A_122 = arith.constant 0 : i32
      %dma_wait3A_123 = tpu.memref_slice %arg8[%dma_wait3A_120, %dma_wait3A_121, %dma_wait3A_122] : memref<2x128x128xf32, #tpu.memory_space<vmem>> -> memref<1x128x128xf32, #tpu.memory_space<vmem>>
      %dma_wait3A_124 = tpu.memref_squeeze %dma_wait3A_123 : memref<1x128x128xf32, #tpu.memory_space<vmem>> -> memref<128x128xf32, #tpu.memory_space<vmem>>
      %dma_wait3A_125 = arith.constant 0 : i32
      %dma_wait3A_126 = tpu.memref_slice %arg7[%dma_wait3A_119, %dma_wait3A_125] : memref<2x128xi32, #tpu.memory_space<vmem>> -> memref<1x128xi32, #tpu.memory_space<vmem>>
      %dma_wait3A_127 = tpu.memref_squeeze %dma_wait3A_126 : memref<1x128xi32, #tpu.memory_space<vmem>> -> memref<128xi32, #tpu.memory_space<vmem>>
      %dma_wait3A_128 = arith.constant 0 : i32
      %dma_wait3A_129 = arith.constant 0 : i32
      %dma_wait3A_130 = tpu.memref_slice %arg4[%dma_wait3A_128, %dma_wait3A_129] : memref<32768x128xf32, #tpu.memory_space<hbm>> -> memref<32768x128xf32, #tpu.memory_space<hbm>>
      tpu.wait_indirect_dma semaphore(%arg10 : memref<!tpu.dma_semaphore, #tpu.memory_space<semaphore_mem>>) src(%dma_wait3A_130 : memref<32768x128xf32, #tpu.memory_space<hbm>>) dst(%dma_wait3A_124 : memref<128x128xf32, #tpu.memory_space<vmem>>)
      %mul3A_131 = arith.constant 128 : i32
      %mul3A_132 = arith.muli %add3A_118, %mul3A_131 : i32
      %add3A_133 = arith.addi %mul3A_2, %mul3A_132 : i32
      %dma_start3A_134 = arith.constant 1 : i32
      %dma_start3A_135 = arith.constant 0 : i32
      %dma_start3A_136 = arith.constant 0 : i32
      %dma_start3A_137 = tpu.memref_slice %arg8[%dma_start3A_134, %dma_start3A_135, %dma_start3A_136] : memref<2x128x128xf32, #tpu.memory_space<vmem>> -> memref<1x128x128xf32, #tpu.memory_space<vmem>>
      %dma_start3A_138 = tpu.memref_squeeze %dma_start3A_137 : memref<1x128x128xf32, #tpu.memory_space<vmem>> -> memref<128x128xf32, #tpu.memory_space<vmem>>
      %dma_start3A_139 = arith.constant 0 : i32
      %dma_start3A_140 = tpu.memref_slice %arg5[%add3A_133, %dma_start3A_139] : memref<131072x128xf32, #tpu.memory_space<hbm>> -> memref<128x128xf32, #tpu.memory_space<hbm>>
      %dma_start3A_141 = arith.constant 0 : i32
      %dma_start3A_142 = tpu.memref_slice %arg5[%add3A_133, %dma_start3A_141] : memref<131072x128xf32, #tpu.memory_space<hbm>> -> memref<128x128xf32, #tpu.memory_space<hbm>>
      %dma_start3A_143 = arith.constant 0 : i32
      %dma_start3A_144 = arith.constant 0 : i32
      %dma_start3A_145 = tpu.memref_slice %arg8[%dma_start3A_134, %dma_start3A_143, %dma_start3A_144] : memref<2x128x128xf32, #tpu.memory_space<vmem>> -> memref<1x128x128xf32, #tpu.memory_space<vmem>>
      %dma_start3A_146 = tpu.memref_squeeze %dma_start3A_145 : memref<1x128x128xf32, #tpu.memory_space<vmem>> -> memref<128x128xf32, #tpu.memory_space<vmem>>
      tpu.enqueue_dma source(%dma_start3A_146 : memref<128x128xf32, #tpu.memory_space<vmem>>) target(%dma_start3A_142 : memref<128x128xf32, #tpu.memory_space<hbm>>) target_semaphore(%arg12 : memref<!tpu.dma_semaphore, #tpu.memory_space<semaphore_mem>>)
      %add3A_147 = arith.constant 1 : i32
      %add3A_148 = arith.addi %add3A_118, %add3A_147 : i32
      %lt3A_149 = arith.constant 32 : i32
      %lt3A_150 = arith.cmpi slt, %add3A_148, %lt3A_149 : i32
      %convert_element_type3A_151 = arith.extui %lt3A_150 : i1 to i32
      %cond3A_152 = arith.constant 0 : i32
      %cond3A_153 = arith.cmpi ne, %convert_element_type3A_151, %cond3A_152 : i32
      scf.if %cond3A_153 {
        %ge3A = arith.constant 1 : i32
        %ge3A_154 = arith.cmpi sge, %add3A_118, %ge3A : i32
        %convert_element_type3A_155 = arith.extui %ge3A_154 : i1 to i32
        %cond3A_156 = arith.constant 0 : i32
        %cond3A_157 = arith.cmpi ne, %convert_element_type3A_155, %cond3A_156 : i32
        scf.if %cond3A_157 {
          %dma_wait3A_176 = arith.constant 0 : i32
          %dma_wait3A_177 = arith.constant 0 : i32
          %dma_wait3A_178 = arith.constant 0 : i32
          %dma_wait3A_179 = tpu.memref_slice %arg8[%dma_wait3A_176, %dma_wait3A_177, %dma_wait3A_178] : memref<2x128x128xf32, #tpu.memory_space<vmem>> -> memref<1x128x128xf32, #tpu.memory_space<vmem>>
          %dma_wait3A_180 = tpu.memref_squeeze %dma_wait3A_179 : memref<1x128x128xf32, #tpu.memory_space<vmem>> -> memref<128x128xf32, #tpu.memory_space<vmem>>
          %dma_wait3A_181 = arith.constant 0 : i32
          %dma_wait3A_182 = tpu.memref_slice %arg5[%mul3A_2, %dma_wait3A_181] : memref<131072x128xf32, #tpu.memory_space<hbm>> -> memref<128x128xf32, #tpu.memory_space<hbm>>
          %dma_wait3A_183 = arith.constant 0 : i32
          %dma_wait3A_184 = tpu.memref_slice %arg5[%mul3A_2, %dma_wait3A_183] : memref<131072x128xf32, #tpu.memory_space<hbm>> -> memref<128x128xf32, #tpu.memory_space<hbm>>
          %dma_wait3A_185 = arith.constant 0 : i32
          %dma_wait3A_186 = arith.constant 0 : i32
          %dma_wait3A_187 = tpu.memref_slice %arg8[%dma_wait3A_176, %dma_wait3A_185, %dma_wait3A_186] : memref<2x128x128xf32, #tpu.memory_space<vmem>> -> memref<1x128x128xf32, #tpu.memory_space<vmem>>
          %dma_wait3A_188 = tpu.memref_squeeze %dma_wait3A_187 : memref<1x128x128xf32, #tpu.memory_space<vmem>> -> memref<128x128xf32, #tpu.memory_space<vmem>>
          tpu.wait_dma2 semaphore(%arg11 : memref<!tpu.dma_semaphore, #tpu.memory_space<semaphore_mem>>) src(%dma_wait3A_188 : memref<128x128xf32, #tpu.memory_space<vmem>>) dst(%dma_wait3A_184 : memref<128x128xf32, #tpu.memory_space<hbm>>)
        } else {
        }
        %add3A_158 = arith.constant 1 : i32
        %add3A_159 = arith.addi %add3A_118, %add3A_158 : i32
        %mul3A_160 = arith.constant 128 : i32
        %mul3A_161 = arith.muli %add3A_159, %mul3A_160 : i32
        %add3A_162 = arith.addi %mul3A_2, %mul3A_161 : i32
        %run_scoped3A_163 = arith.constant 0 : i32
        "tpu.region"() ({
          %run_scoped3A_176 = tpu.sem_alloc : memref<!tpu.dma_semaphore, #tpu.memory_space<semaphore_mem>>
          %dma_start3A_177 = arith.constant 0 : i32
          %dma_start3A_178 = tpu.memref_slice %arg7[%run_scoped3A_163, %dma_start3A_177] : memref<2x128xi32, #tpu.memory_space<vmem>> -> memref<1x128xi32, #tpu.memory_space<vmem>>
          %dma_start3A_179 = tpu.memref_squeeze %dma_start3A_178 : memref<1x128xi32, #tpu.memory_space<vmem>> -> memref<128xi32, #tpu.memory_space<vmem>>
          %dma_start3A_180 = tpu.memref_slice %arg2[%add3A_162] : memref<131072xi32, #tpu.memory_space<hbm>> -> memref<128xi32, #tpu.memory_space<hbm>>
          %dma_start3A_181 = arith.constant 0 : i32
          %dma_start3A_182 = tpu.memref_slice %arg7[%run_scoped3A_163, %dma_start3A_181] : memref<2x128xi32, #tpu.memory_space<vmem>> -> memref<1x128xi32, #tpu.memory_space<vmem>>
          %dma_start3A_183 = tpu.memref_squeeze %dma_start3A_182 : memref<1x128xi32, #tpu.memory_space<vmem>> -> memref<128xi32, #tpu.memory_space<vmem>>
          %dma_start3A_184 = tpu.memref_slice %arg2[%add3A_162] : memref<131072xi32, #tpu.memory_space<hbm>> -> memref<128xi32, #tpu.memory_space<hbm>>
          tpu.enqueue_dma source(%dma_start3A_184 : memref<128xi32, #tpu.memory_space<hbm>>) target(%dma_start3A_183 : memref<128xi32, #tpu.memory_space<vmem>>) target_semaphore(%run_scoped3A_176 : memref<!tpu.dma_semaphore, #tpu.memory_space<semaphore_mem>>)
          %dma_wait3A_185 = arith.constant 0 : i32
          %dma_wait3A_186 = tpu.memref_slice %arg7[%run_scoped3A_163, %dma_wait3A_185] : memref<2x128xi32, #tpu.memory_space<vmem>> -> memref<1x128xi32, #tpu.memory_space<vmem>>
          %dma_wait3A_187 = tpu.memref_squeeze %dma_wait3A_186 : memref<1x128xi32, #tpu.memory_space<vmem>> -> memref<128xi32, #tpu.memory_space<vmem>>
          %dma_wait3A_188 = tpu.memref_slice %arg2[%add3A_162] : memref<131072xi32, #tpu.memory_space<hbm>> -> memref<128xi32, #tpu.memory_space<hbm>>
          %dma_wait3A_189 = arith.constant 0 : i32
          %dma_wait3A_190 = tpu.memref_slice %arg7[%run_scoped3A_163, %dma_wait3A_189] : memref<2x128xi32, #tpu.memory_space<vmem>> -> memref<1x128xi32, #tpu.memory_space<vmem>>
          %dma_wait3A_191 = tpu.memref_squeeze %dma_wait3A_190 : memref<1x128xi32, #tpu.memory_space<vmem>> -> memref<128xi32, #tpu.memory_space<vmem>>
          %dma_wait3A_192 = tpu.memref_slice %arg2[%add3A_162] : memref<131072xi32, #tpu.memory_space<hbm>> -> memref<128xi32, #tpu.memory_space<hbm>>
          tpu.wait_dma2 semaphore(%run_scoped3A_176 : memref<!tpu.dma_semaphore, #tpu.memory_space<semaphore_mem>>) src(%dma_wait3A_192 : memref<128xi32, #tpu.memory_space<hbm>>) dst(%dma_wait3A_191 : memref<128xi32, #tpu.memory_space<vmem>>)
          tpu.yield
        }) : () -> ()
        %dma_start3A_164 = arith.constant 0 : i32
        %dma_start3A_165 = arith.constant 0 : i32
        %dma_start3A_166 = arith.constant 0 : i32
        %dma_start3A_167 = arith.constant 0 : i32
        %dma_start3A_168 = tpu.memref_slice %arg8[%dma_start3A_165, %dma_start3A_166, %dma_start3A_167] : memref<2x128x128xf32, #tpu.memory_space<vmem>> -> memref<1x128x128xf32, #tpu.memory_space<vmem>>
        %dma_start3A_169 = tpu.memref_squeeze %dma_start3A_168 : memref<1x128x128xf32, #tpu.memory_space<vmem>> -> memref<128x128xf32, #tpu.memory_space<vmem>>
        %dma_start3A_170 = arith.constant 0 : i32
        %dma_start3A_171 = tpu.memref_slice %arg7[%dma_start3A_164, %dma_start3A_170] : memref<2x128xi32, #tpu.memory_space<vmem>> -> memref<1x128xi32, #tpu.memory_space<vmem>>
        %dma_start3A_172 = tpu.memref_squeeze %dma_start3A_171 : memref<1x128xi32, #tpu.memory_space<vmem>> -> memref<128xi32, #tpu.memory_space<vmem>>
        %dma_start3A_173 = arith.constant 0 : i32
        %dma_start3A_174 = arith.constant 0 : i32
        %dma_start3A_175 = tpu.memref_slice %arg4[%dma_start3A_173, %dma_start3A_174] : memref<32768x128xf32, #tpu.memory_space<hbm>> -> memref<32768x128xf32, #tpu.memory_space<hbm>>
        tpu.enqueue_indirect_dma source(%dma_start3A_175 : memref<32768x128xf32, #tpu.memory_space<hbm>>) target(%dma_start3A_169 : memref<128x128xf32, #tpu.memory_space<vmem>>) offsets(%dma_start3A_172 : memref<128xi32, #tpu.memory_space<vmem>>) semaphore(%arg9 : memref<!tpu.dma_semaphore, #tpu.memory_space<semaphore_mem>>)
      } else {
      }
    }
    %scan3A_20 = arith.constant 16 : i32
    %add3A_21 = arith.constant 3840 : i32
    %add3A_22 = arith.addi %mul3A_2, %add3A_21 : i32
    %dma_wait3A = arith.constant 0 : i32
    %dma_wait3A_23 = arith.constant 0 : i32
    %dma_wait3A_24 = arith.constant 0 : i32
    %dma_wait3A_25 = tpu.memref_slice %arg8[%dma_wait3A, %dma_wait3A_23, %dma_wait3A_24] : memref<2x128x128xf32, #tpu.memory_space<vmem>> -> memref<1x128x128xf32, #tpu.memory_space<vmem>>
    %dma_wait3A_26 = tpu.memref_squeeze %dma_wait3A_25 : memref<1x128x128xf32, #tpu.memory_space<vmem>> -> memref<128x128xf32, #tpu.memory_space<vmem>>
    %dma_wait3A_27 = arith.constant 0 : i32
    %dma_wait3A_28 = tpu.memref_slice %arg5[%add3A_22, %dma_wait3A_27] : memref<131072x128xf32, #tpu.memory_space<hbm>> -> memref<128x128xf32, #tpu.memory_space<hbm>>
    %dma_wait3A_29 = arith.constant 0 : i32
    %dma_wait3A_30 = tpu.memref_slice %arg5[%add3A_22, %dma_wait3A_29] : memref<131072x128xf32, #tpu.memory_space<hbm>> -> memref<128x128xf32, #tpu.memory_space<hbm>>
    %dma_wait3A_31 = arith.constant 0 : i32
    %dma_wait3A_32 = arith.constant 0 : i32
    %dma_wait3A_33 = tpu.memref_slice %arg8[%dma_wait3A, %dma_wait3A_31, %dma_wait3A_32] : memref<2x128x128xf32, #tpu.memory_space<vmem>> -> memref<1x128x128xf32, #tpu.memory_space<vmem>>
    %dma_wait3A_34 = tpu.memref_squeeze %dma_wait3A_33 : memref<1x128x128xf32, #tpu.memory_space<vmem>> -> memref<128x128xf32, #tpu.memory_space<vmem>>
    tpu.wait_dma2 semaphore(%arg11 : memref<!tpu.dma_semaphore, #tpu.memory_space<semaphore_mem>>) src(%dma_wait3A_34 : memref<128x128xf32, #tpu.memory_space<vmem>>) dst(%dma_wait3A_30 : memref<128x128xf32, #tpu.memory_space<hbm>>)
    %add3A_35 = arith.constant 3968 : i32
    %add3A_36 = arith.addi %mul3A_2, %add3A_35 : i32
    %dma_wait3A_37 = arith.constant 1 : i32
    %dma_wait3A_38 = arith.constant 0 : i32
    %dma_wait3A_39 = arith.constant 0 : i32
    %dma_wait3A_40 = tpu.memref_slice %arg8[%dma_wait3A_37, %dma_wait3A_38, %dma_wait3A_39] : memref<2x128x128xf32, #tpu.memory_space<vmem>> -> memref<1x128x128xf32, #tpu.memory_space<vmem>>
    %dma_wait3A_41 = tpu.memref_squeeze %dma_wait3A_40 : memref<1x128x128xf32, #tpu.memory_space<vmem>> -> memref<128x128xf32, #tpu.memory_space<vmem>>
    %dma_wait3A_42 = arith.constant 0 : i32
    %dma_wait3A_43 = tpu.memref_slice %arg5[%add3A_36, %dma_wait3A_42] : memref<131072x128xf32, #tpu.memory_space<hbm>> -> memref<128x128xf32, #tpu.memory_space<hbm>>
    %dma_wait3A_44 = arith.constant 0 : i32
    %dma_wait3A_45 = tpu.memref_slice %arg5[%add3A_36, %dma_wait3A_44] : memref<131072x128xf32, #tpu.memory_space<hbm>> -> memref<128x128xf32, #tpu.memory_space<hbm>>
    %dma_wait3A_46 = arith.constant 0 : i32
    %dma_wait3A_47 = arith.constant 0 : i32
    %dma_wait3A_48 = tpu.memref_slice %arg8[%dma_wait3A_37, %dma_wait3A_46, %dma_wait3A_47] : memref<2x128x128xf32, #tpu.memory_space<vmem>> -> memref<1x128x128xf32, #tpu.memory_space<vmem>>
    %dma_wait3A_49 = tpu.memref_squeeze %dma_wait3A_48 : memref<1x128x128xf32, #tpu.memory_space<vmem>> -> memref<128x128xf32, #tpu.memory_space<vmem>>
    tpu.wait_dma2 semaphore(%arg12 : memref<!tpu.dma_semaphore, #tpu.memory_space<semaphore_mem>>) src(%dma_wait3A_49 : memref<128x128xf32, #tpu.memory_space<vmem>>) dst(%dma_wait3A_45 : memref<128x128xf32, #tpu.memory_space<hbm>>)
    %mul3A_50 = arith.constant 128 : i32
    %mul3A_51 = arith.muli %add3A, %mul3A_50 : i32
    %run_scoped3A_52 = arith.constant 0 : i32
    "tpu.region"() ({
      %run_scoped3A_78 = tpu.sem_alloc : memref<!tpu.dma_semaphore, #tpu.memory_space<semaphore_mem>>
      %dma_start3A_79 = arith.constant 0 : i32
      %dma_start3A_80 = tpu.memref_slice %arg7[%run_scoped3A_52, %dma_start3A_79] : memref<2x128xi32, #tpu.memory_space<vmem>> -> memref<1x128xi32, #tpu.memory_space<vmem>>
      %dma_start3A_81 = tpu.memref_squeeze %dma_start3A_80 : memref<1x128xi32, #tpu.memory_space<vmem>> -> memref<128xi32, #tpu.memory_space<vmem>>
      %dma_start3A_82 = tpu.memref_slice %arg3[%mul3A_51] : memref<4096xi32, #tpu.memory_space<hbm>> -> memref<128xi32, #tpu.memory_space<hbm>>
      %dma_start3A_83 = arith.constant 0 : i32
      %dma_start3A_84 = tpu.memref_slice %arg7[%run_scoped3A_52, %dma_start3A_83] : memref<2x128xi32, #tpu.memory_space<vmem>> -> memref<1x128xi32, #tpu.memory_space<vmem>>
      %dma_start3A_85 = tpu.memref_squeeze %dma_start3A_84 : memref<1x128xi32, #tpu.memory_space<vmem>> -> memref<128xi32, #tpu.memory_space<vmem>>
      %dma_start3A_86 = tpu.memref_slice %arg3[%mul3A_51] : memref<4096xi32, #tpu.memory_space<hbm>> -> memref<128xi32, #tpu.memory_space<hbm>>
      tpu.enqueue_dma source(%dma_start3A_86 : memref<128xi32, #tpu.memory_space<hbm>>) target(%dma_start3A_85 : memref<128xi32, #tpu.memory_space<vmem>>) target_semaphore(%run_scoped3A_78 : memref<!tpu.dma_semaphore, #tpu.memory_space<semaphore_mem>>)
      %dma_wait3A_87 = arith.constant 0 : i32
      %dma_wait3A_88 = tpu.memref_slice %arg7[%run_scoped3A_52, %dma_wait3A_87] : memref<2x128xi32, #tpu.memory_space<vmem>> -> memref<1x128xi32, #tpu.memory_space<vmem>>
      %dma_wait3A_89 = tpu.memref_squeeze %dma_wait3A_88 : memref<1x128xi32, #tpu.memory_space<vmem>> -> memref<128xi32, #tpu.memory_space<vmem>>
      %dma_wait3A_90 = tpu.memref_slice %arg3[%mul3A_51] : memref<4096xi32, #tpu.memory_space<hbm>> -> memref<128xi32, #tpu.memory_space<hbm>>
      %dma_wait3A_91 = arith.constant 0 : i32
      %dma_wait3A_92 = tpu.memref_slice %arg7[%run_scoped3A_52, %dma_wait3A_91] : memref<2x128xi32, #tpu.memory_space<vmem>> -> memref<1x128xi32, #tpu.memory_space<vmem>>
      %dma_wait3A_93 = tpu.memref_squeeze %dma_wait3A_92 : memref<1x128xi32, #tpu.memory_space<vmem>> -> memref<128xi32, #tpu.memory_space<vmem>>
      %dma_wait3A_94 = tpu.memref_slice %arg3[%mul3A_51] : memref<4096xi32, #tpu.memory_space<hbm>> -> memref<128xi32, #tpu.memory_space<hbm>>
      tpu.wait_dma2 semaphore(%run_scoped3A_78 : memref<!tpu.dma_semaphore, #tpu.memory_space<semaphore_mem>>) src(%dma_wait3A_94 : memref<128xi32, #tpu.memory_space<hbm>>) dst(%dma_wait3A_93 : memref<128xi32, #tpu.memory_space<vmem>>)
      tpu.yield
    }) : () -> ()
    %dma_start3A_53 = arith.constant 0 : i32
    %dma_start3A_54 = arith.constant 0 : i32
    %dma_start3A_55 = arith.constant 0 : i32
    %dma_start3A_56 = arith.constant 0 : i32
    %dma_start3A_57 = tpu.memref_slice %arg8[%dma_start3A_54, %dma_start3A_55, %dma_start3A_56] : memref<2x128x128xf32, #tpu.memory_space<vmem>> -> memref<1x128x128xf32, #tpu.memory_space<vmem>>
    %dma_start3A_58 = tpu.memref_squeeze %dma_start3A_57 : memref<1x128x128xf32, #tpu.memory_space<vmem>> -> memref<128x128xf32, #tpu.memory_space<vmem>>
    %dma_start3A_59 = arith.constant 0 : i32
    %dma_start3A_60 = tpu.memref_slice %arg7[%dma_start3A_53, %dma_start3A_59] : memref<2x128xi32, #tpu.memory_space<vmem>> -> memref<1x128xi32, #tpu.memory_space<vmem>>
    %dma_start3A_61 = tpu.memref_squeeze %dma_start3A_60 : memref<1x128xi32, #tpu.memory_space<vmem>> -> memref<128xi32, #tpu.memory_space<vmem>>
    %dma_start3A_62 = arith.constant 0 : i32
    %dma_start3A_63 = arith.constant 0 : i32
    %dma_start3A_64 = tpu.memref_slice %arg4[%dma_start3A_62, %dma_start3A_63] : memref<32768x128xf32, #tpu.memory_space<hbm>> -> memref<32768x128xf32, #tpu.memory_space<hbm>>
    tpu.enqueue_indirect_dma source(%dma_start3A_64 : memref<32768x128xf32, #tpu.memory_space<hbm>>) target(%dma_start3A_58 : memref<128x128xf32, #tpu.memory_space<vmem>>) offsets(%dma_start3A_61 : memref<128xi32, #tpu.memory_space<vmem>>) semaphore(%arg9 : memref<!tpu.dma_semaphore, #tpu.memory_space<semaphore_mem>>)
    %dma_wait3A_65 = arith.constant 0 : i32
    %dma_wait3A_66 = arith.constant 0 : i32
    %dma_wait3A_67 = arith.constant 0 : i32
    %dma_wait3A_68 = arith.constant 0 : i32
    %dma_wait3A_69 = tpu.memref_slice %arg8[%dma_wait3A_66, %dma_wait3A_67, %dma_wait3A_68] : memref<2x128x128xf32, #tpu.memory_space<vmem>> -> memref<1x128x128xf32, #tpu.memory_space<vmem>>
    %dma_wait3A_70 = tpu.memref_squeeze %dma_wait3A_69 : memref<1x128x128xf32, #tpu.memory_space<vmem>> -> memref<128x128xf32, #tpu.memory_space<vmem>>
    %dma_wait3A_71 = arith.constant 0 : i32
    %dma_wait3A_72 = tpu.memref_slice %arg7[%dma_wait3A_65, %dma_wait3A_71] : memref<2x128xi32, #tpu.memory_space<vmem>> -> memref<1x128xi32, #tpu.memory_space<vmem>>
    %dma_wait3A_73 = tpu.memref_squeeze %dma_wait3A_72 : memref<1x128xi32, #tpu.memory_space<vmem>> -> memref<128xi32, #tpu.memory_space<vmem>>
    %dma_wait3A_74 = arith.constant 0 : i32
    %dma_wait3A_75 = arith.constant 0 : i32
    %dma_wait3A_76 = tpu.memref_slice %arg4[%dma_wait3A_74, %dma_wait3A_75] : memref<32768x128xf32, #tpu.memory_space<hbm>> -> memref<32768x128xf32, #tpu.memory_space<hbm>>
    tpu.wait_indirect_dma semaphore(%arg9 : memref<!tpu.dma_semaphore, #tpu.memory_space<semaphore_mem>>) src(%dma_wait3A_76 : memref<32768x128xf32, #tpu.memory_space<hbm>>) dst(%dma_wait3A_70 : memref<128x128xf32, #tpu.memory_space<vmem>>)
    %run_scoped3A_77 = arith.constant 0 : i32
    "tpu.region"() ({
      %run_scoped3A_78 = tpu.sem_alloc : memref<!tpu.dma_semaphore, #tpu.memory_space<semaphore_mem>>
      %dma_start3A_79 = arith.constant 0 : i32
      %dma_start3A_80 = arith.constant 0 : i32
      %dma_start3A_81 = tpu.memref_slice %arg8[%run_scoped3A_77, %dma_start3A_79, %dma_start3A_80] : memref<2x128x128xf32, #tpu.memory_space<vmem>> -> memref<1x128x128xf32, #tpu.memory_space<vmem>>
      %dma_start3A_82 = tpu.memref_squeeze %dma_start3A_81 : memref<1x128x128xf32, #tpu.memory_space<vmem>> -> memref<128x128xf32, #tpu.memory_space<vmem>>
      %dma_start3A_83 = arith.constant 0 : i32
      %dma_start3A_84 = tpu.memref_slice %arg6[%mul3A_51, %dma_start3A_83] : memref<4096x128xf32, #tpu.memory_space<hbm>> -> memref<128x128xf32, #tpu.memory_space<hbm>>
      %dma_start3A_85 = arith.constant 0 : i32
      %dma_start3A_86 = tpu.memref_slice %arg6[%mul3A_51, %dma_start3A_85] : memref<4096x128xf32, #tpu.memory_space<hbm>> -> memref<128x128xf32, #tpu.memory_space<hbm>>
      %dma_start3A_87 = arith.constant 0 : i32
      %dma_start3A_88 = arith.constant 0 : i32
      %dma_start3A_89 = tpu.memref_slice %arg8[%run_scoped3A_77, %dma_start3A_87, %dma_start3A_88] : memref<2x128x128xf32, #tpu.memory_space<vmem>> -> memref<1x128x128xf32, #tpu.memory_space<vmem>>
      %dma_start3A_90 = tpu.memref_squeeze %dma_start3A_89 : memref<1x128x128xf32, #tpu.memory_space<vmem>> -> memref<128x128xf32, #tpu.memory_space<vmem>>
      tpu.enqueue_dma source(%dma_start3A_90 : memref<128x128xf32, #tpu.memory_space<vmem>>) target(%dma_start3A_86 : memref<128x128xf32, #tpu.memory_space<hbm>>) target_semaphore(%run_scoped3A_78 : memref<!tpu.dma_semaphore, #tpu.memory_space<semaphore_mem>>)
      %dma_wait3A_91 = arith.constant 0 : i32
      %dma_wait3A_92 = arith.constant 0 : i32
      %dma_wait3A_93 = tpu.memref_slice %arg8[%run_scoped3A_77, %dma_wait3A_91, %dma_wait3A_92] : memref<2x128x128xf32, #tpu.memory_space<vmem>> -> memref<1x128x128xf32, #tpu.memory_space<vmem>>
      %dma_wait3A_94 = tpu.memref_squeeze %dma_wait3A_93 : memref<1x128x128xf32, #tpu.memory_space<vmem>> -> memref<128x128xf32, #tpu.memory_space<vmem>>
      %dma_wait3A_95 = arith.constant 0 : i32
      %dma_wait3A_96 = tpu.memref_slice %arg6[%mul3A_51, %dma_wait3A_95] : memref<4096x128xf32, #tpu.memory_space<hbm>> -> memref<128x128xf32, #tpu.memory_space<hbm>>
      %dma_wait3A_97 = arith.constant 0 : i32
      %dma_wait3A_98 = tpu.memref_slice %arg6[%mul3A_51, %dma_wait3A_97] : memref<4096x128xf32, #tpu.memory_space<hbm>> -> memref<128x128xf32, #tpu.memory_space<hbm>>
      %dma_wait3A_99 = arith.constant 0 : i32
      %dma_wait3A_100 = arith.constant 0 : i32
      %dma_wait3A_101 = tpu.memref_slice %arg8[%run_scoped3A_77, %dma_wait3A_99, %dma_wait3A_100] : memref<2x128x128xf32, #tpu.memory_space<vmem>> -> memref<1x128x128xf32, #tpu.memory_space<vmem>>
      %dma_wait3A_102 = tpu.memref_squeeze %dma_wait3A_101 : memref<1x128x128xf32, #tpu.memory_space<vmem>> -> memref<128x128xf32, #tpu.memory_space<vmem>>
      tpu.wait_dma2 semaphore(%run_scoped3A_78 : memref<!tpu.dma_semaphore, #tpu.memory_space<semaphore_mem>>) src(%dma_wait3A_102 : memref<128x128xf32, #tpu.memory_space<vmem>>) dst(%dma_wait3A_98 : memref<128x128xf32, #tpu.memory_space<hbm>>)
      tpu.yield
    }) : () -> ()
    return
  }
}

#map = affine_map<(d0, d1) -> (0)>
#map1 = affine_map<(d0, d1) -> (0, 0)>
module attributes {stable_mosaic.version = 14 : i64} {
  func.func @gk(%arg0: i32, %arg1: i32, %arg2: memref<131072xi32, #tpu.memory_space<hbm>>, %arg3: memref<4096xi32, #tpu.memory_space<hbm>>, %arg4: memref<32768x128xf32, #tpu.memory_space<hbm>>, %arg5: memref<131072x128xf32, #tpu.memory_space<hbm>>, %arg6: memref<4096x128xf32, #tpu.memory_space<hbm>>, %arg7: memref<2x128xi32, #tpu.memory_space<vmem>>, %arg8: memref<2x128x128xf32, #tpu.memory_space<vmem>>, %arg9: memref<!tpu.dma_semaphore, #tpu.memory_space<semaphore_mem>>, %arg10: memref<!tpu.dma_semaphore, #tpu.memory_space<semaphore_mem>>, %arg11: memref<!tpu.dma_semaphore, #tpu.memory_space<semaphore_mem>>, %arg12: memref<!tpu.dma_semaphore, #tpu.memory_space<semaphore_mem>>) attributes {dimension_semantics = [#tpu.dimension_semantics<core_parallel>, #tpu.dimension_semantics<subcore_parallel>], iteration_bounds = array<i64: 2, 16>, scalar_prefetch = 0 : i64, scratch_operands = 6 : i64, tpu.core_type = #tpu.core_type<sc_vector_subcore>, window_params = [{transform_indices = #map}, {transform_indices = #map}, {transform_indices = #map1}, {transform_indices = #map1}, {transform_indices = #map1}]} {
    %mul3A = arith.constant 2 : i32
    %mul3A_0 = arith.muli %arg1, %mul3A : i32
    %add3A = arith.addi %mul3A_0, %arg0 : i32
    %mul3A_1 = arith.constant 4096 : i32
    %mul3A_2 = arith.muli %add3A, %mul3A_1 : i32
    %add3A_3 = arith.constant 0 : i32
    %add3A_4 = arith.addi %mul3A_2, %add3A_3 : i32
    %run_scoped3A = arith.constant 0 : i32
    "tpu.region"() ({
      %run_scoped3A_78 = tpu.sem_alloc : memref<!tpu.dma_semaphore, #tpu.memory_space<semaphore_mem>>
      %dma_start3A_79 = arith.constant 0 : i32
      %dma_start3A_80 = tpu.memref_slice %arg7[%run_scoped3A, %dma_start3A_79] : memref<2x128xi32, #tpu.memory_space<vmem>> -> memref<1x128xi32, #tpu.memory_space<vmem>>
      %dma_start3A_81 = tpu.memref_squeeze %dma_start3A_80 : memref<1x128xi32, #tpu.memory_space<vmem>> -> memref<128xi32, #tpu.memory_space<vmem>>
      %dma_start3A_82 = tpu.memref_slice %arg2[%add3A_4] : memref<131072xi32, #tpu.memory_space<hbm>> -> memref<128xi32, #tpu.memory_space<hbm>>
      %dma_start3A_83 = arith.constant 0 : i32
      %dma_start3A_84 = tpu.memref_slice %arg7[%run_scoped3A, %dma_start3A_83] : memref<2x128xi32, #tpu.memory_space<vmem>> -> memref<1x128xi32, #tpu.memory_space<vmem>>
      %dma_start3A_85 = tpu.memref_squeeze %dma_start3A_84 : memref<1x128xi32, #tpu.memory_space<vmem>> -> memref<128xi32, #tpu.memory_space<vmem>>
      %dma_start3A_86 = tpu.memref_slice %arg2[%add3A_4] : memref<131072xi32, #tpu.memory_space<hbm>> -> memref<128xi32, #tpu.memory_space<hbm>>
      tpu.enqueue_dma source(%dma_start3A_86 : memref<128xi32, #tpu.memory_space<hbm>>) target(%dma_start3A_85 : memref<128xi32, #tpu.memory_space<vmem>>) target_semaphore(%run_scoped3A_78 : memref<!tpu.dma_semaphore, #tpu.memory_space<semaphore_mem>>)
      %dma_wait3A_87 = arith.constant 0 : i32
      %dma_wait3A_88 = tpu.memref_slice %arg7[%run_scoped3A, %dma_wait3A_87] : memref<2x128xi32, #tpu.memory_space<vmem>> -> memref<1x128xi32, #tpu.memory_space<vmem>>
      %dma_wait3A_89 = tpu.memref_squeeze %dma_wait3A_88 : memref<1x128xi32, #tpu.memory_space<vmem>> -> memref<128xi32, #tpu.memory_space<vmem>>
      %dma_wait3A_90 = tpu.memref_slice %arg2[%add3A_4] : memref<131072xi32, #tpu.memory_space<hbm>> -> memref<128xi32, #tpu.memory_space<hbm>>
      %dma_wait3A_91 = arith.constant 0 : i32
      %dma_wait3A_92 = tpu.memref_slice %arg7[%run_scoped3A, %dma_wait3A_91] : memref<2x128xi32, #tpu.memory_space<vmem>> -> memref<1x128xi32, #tpu.memory_space<vmem>>
      %dma_wait3A_93 = tpu.memref_squeeze %dma_wait3A_92 : memref<1x128xi32, #tpu.memory_space<vmem>> -> memref<128xi32, #tpu.memory_space<vmem>>
      %dma_wait3A_94 = tpu.memref_slice %arg2[%add3A_4] : memref<131072xi32, #tpu.memory_space<hbm>> -> memref<128xi32, #tpu.memory_space<hbm>>
      tpu.wait_dma2 semaphore(%run_scoped3A_78 : memref<!tpu.dma_semaphore, #tpu.memory_space<semaphore_mem>>) src(%dma_wait3A_94 : memref<128xi32, #tpu.memory_space<hbm>>) dst(%dma_wait3A_93 : memref<128xi32, #tpu.memory_space<vmem>>)
      tpu.yield
    }) : () -> ()
    %dma_start3A = arith.constant 0 : i32
    %dma_start3A_5 = arith.constant 0 : i32
    %dma_start3A_6 = arith.constant 0 : i32
    %dma_start3A_7 = arith.constant 0 : i32
    %dma_start3A_8 = tpu.memref_slice %arg8[%dma_start3A_5, %dma_start3A_6, %dma_start3A_7] : memref<2x128x128xf32, #tpu.memory_space<vmem>> -> memref<1x128x128xf32, #tpu.memory_space<vmem>>
    %dma_start3A_9 = tpu.memref_squeeze %dma_start3A_8 : memref<1x128x128xf32, #tpu.memory_space<vmem>> -> memref<128x128xf32, #tpu.memory_space<vmem>>
    %dma_start3A_10 = arith.constant 0 : i32
    %dma_start3A_11 = tpu.memref_slice %arg7[%dma_start3A, %dma_start3A_10] : memref<2x128xi32, #tpu.memory_space<vmem>> -> memref<1x128xi32, #tpu.memory_space<vmem>>
    %dma_start3A_12 = tpu.memref_squeeze %dma_start3A_11 : memref<1x128xi32, #tpu.memory_space<vmem>> -> memref<128xi32, #tpu.memory_space<vmem>>
    %dma_start3A_13 = arith.constant 0 : i32
    %dma_start3A_14 = arith.constant 0 : i32
    %dma_start3A_15 = tpu.memref_slice %arg4[%dma_start3A_13, %dma_start3A_14] : memref<32768x128xf32, #tpu.memory_space<hbm>> -> memref<32768x128xf32, #tpu.memory_space<hbm>>
    tpu.enqueue_indirect_dma source(%dma_start3A_15 : memref<32768x128xf32, #tpu.memory_space<hbm>>) target(%dma_start3A_9 : memref<128x128xf32, #tpu.memory_space<vmem>>) offsets(%dma_start3A_12 : memref<128xi32, #tpu.memory_space<vmem>>) semaphore(%arg9 : memref<!tpu.dma_semaphore, #tpu.memory_space<semaphore_mem>>)
    %scan3A = arith.constant 0 : i32
    %scan3A_16 = arith.constant 0 : i32
    %scan3A_17 = arith.constant 16 : i32
    %scan3A_18 = arith.addi %scan3A_16, %scan3A_17 : i32
    %scan3A_19 = arith.constant 1 : i32
    scf.for %scan3A_78 = %scan3A_16 to %scan3A_18 step %scan3A_19  : i32 {
      %mul3A_79 = arith.constant 2 : i32
      %mul3A_80 = arith.muli %scan3A_78, %mul3A_79 : i32
      %add3A_81 = arith.constant 0 : i32
      %add3A_82 = arith.addi %mul3A_80, %add3A_81 : i32
      %dma_wait3A_83 = arith.constant 0 : i32
      %dma_wait3A_84 = arith.constant 0 : i32
      %dma_wait3A_85 = arith.constant 0 : i32
      %dma_wait3A_86 = arith.constant 0 : i32
      %dma_wait3A_87 = tpu.memref_slice %arg8[%dma_wait3A_84, %dma_wait3A_85, %dma_wait3A_86] : memref<2x128x128xf32, #tpu.memory_space<vmem>> -> memref<1x128x128xf32, #tpu.memory_space<vmem>>
      %dma_wait3A_88 = tpu.memref_squeeze %dma_wait3A_87 : memref<1x128x128xf32, #tpu.memory_space<vmem>> -> memref<128x128xf32, #tpu.memory_space<vmem>>
      %dma_wait3A_89 = arith.constant 0 : i32
      %dma_wait3A_90 = tpu.memref_slice %arg7[%dma_wait3A_83, %dma_wait3A_89] : memref<2x128xi32, #tpu.memory_space<vmem>> -> memref<1x128xi32, #tpu.memory_space<vmem>>
      %dma_wait3A_91 = tpu.memref_squeeze %dma_wait3A_90 : memref<1x128xi32, #tpu.memory_space<vmem>> -> memref<128xi32, #tpu.memory_space<vmem>>
      %dma_wait3A_92 = arith.constant 0 : i32
      %dma_wait3A_93 = arith.constant 0 : i32
      %dma_wait3A_94 = tpu.memref_slice %arg4[%dma_wait3A_92, %dma_wait3A_93] : memref<32768x128xf32, #tpu.memory_space<hbm>> -> memref<32768x128xf32, #tpu.memory_space<hbm>>
      tpu.wait_indirect_dma semaphore(%arg9 : memref<!tpu.dma_semaphore, #tpu.memory_space<semaphore_mem>>) src(%dma_wait3A_94 : memref<32768x128xf32, #tpu.memory_space<hbm>>) dst(%dma_wait3A_88 : memref<128x128xf32, #tpu.memory_space<vmem>>)
      %mul3A_95 = arith.constant 128 : i32
      %mul3A_96 = arith.muli %add3A_82, %mul3A_95 : i32
      %add3A_97 = arith.addi %mul3A_2, %mul3A_96 : i32
      %dma_start3A_98 = arith.constant 0 : i32
      %dma_start3A_99 = arith.constant 0 : i32
      %dma_start3A_100 = arith.constant 0 : i32
      %dma_start3A_101 = tpu.memref_slice %arg8[%dma_start3A_98, %dma_start3A_99, %dma_start3A_100] : memref<2x128x128xf32, #tpu.memory_space<vmem>> -> memref<1x128x128xf32, #tpu.memory_space<vmem>>
      %dma_start3A_102 = tpu.memref_squeeze %dma_start3A_101 : memref<1x128x128xf32, #tpu.memory_space<vmem>> -> memref<128x128xf32, #tpu.memory_space<vmem>>
      %dma_start3A_103 = arith.constant 0 : i32
      %dma_start3A_104 = tpu.memref_slice %arg5[%add3A_97, %dma_start3A_103] : memref<131072x128xf32, #tpu.memory_space<hbm>> -> memref<128x128xf32, #tpu.memory_space<hbm>>
      %dma_start3A_105 = arith.constant 0 : i32
      %dma_start3A_106 = tpu.memref_slice %arg5[%add3A_97, %dma_start3A_105] : memref<131072x128xf32, #tpu.memory_space<hbm>> -> memref<128x128xf32, #tpu.memory_space<hbm>>
      %dma_start3A_107 = arith.constant 0 : i32
      %dma_start3A_108 = arith.constant 0 : i32
      %dma_start3A_109 = tpu.memref_slice %arg8[%dma_start3A_98, %dma_start3A_107, %dma_start3A_108] : memref<2x128x128xf32, #tpu.memory_space<vmem>> -> memref<1x128x128xf32, #tpu.memory_space<vmem>>
      %dma_start3A_110 = tpu.memref_squeeze %dma_start3A_109 : memref<1x128x128xf32, #tpu.memory_space<vmem>> -> memref<128x128xf32, #tpu.memory_space<vmem>>
      tpu.enqueue_dma source(%dma_start3A_110 : memref<128x128xf32, #tpu.memory_space<vmem>>) target(%dma_start3A_106 : memref<128x128xf32, #tpu.memory_space<hbm>>) target_semaphore(%arg11 : memref<!tpu.dma_semaphore, #tpu.memory_space<semaphore_mem>>)
      %add3A_111 = arith.constant 1 : i32
      %add3A_112 = arith.addi %add3A_82, %add3A_111 : i32
      %lt3A = arith.constant 32 : i32
      %lt3A_113 = arith.cmpi slt, %add3A_112, %lt3A : i32
      %convert_element_type3A = arith.extui %lt3A_113 : i1 to i32
      %cond3A = arith.constant 0 : i32
      %cond3A_114 = arith.cmpi ne, %convert_element_type3A, %cond3A : i32
      scf.if %cond3A_114 {
        %ge3A = arith.constant 1 : i32
        %ge3A_154 = arith.cmpi sge, %add3A_82, %ge3A : i32
        %convert_element_type3A_155 = arith.extui %ge3A_154 : i1 to i32
        %cond3A_156 = arith.constant 0 : i32
        %cond3A_157 = arith.cmpi ne, %convert_element_type3A_155, %cond3A_156 : i32
        scf.if %cond3A_157 {
          %dma_wait3A_176 = arith.constant 1 : i32
          %dma_wait3A_177 = arith.constant 0 : i32
          %dma_wait3A_178 = arith.constant 0 : i32
          %dma_wait3A_179 = tpu.memref_slice %arg8[%dma_wait3A_176, %dma_wait3A_177, %dma_wait3A_178] : memref<2x128x128xf32, #tpu.memory_space<vmem>> -> memref<1x128x128xf32, #tpu.memory_space<vmem>>
          %dma_wait3A_180 = tpu.memref_squeeze %dma_wait3A_179 : memref<1x128x128xf32, #tpu.memory_space<vmem>> -> memref<128x128xf32, #tpu.memory_space<vmem>>
          %dma_wait3A_181 = arith.constant 0 : i32
          %dma_wait3A_182 = tpu.memref_slice %arg5[%mul3A_2, %dma_wait3A_181] : memref<131072x128xf32, #tpu.memory_space<hbm>> -> memref<128x128xf32, #tpu.memory_space<hbm>>
          %dma_wait3A_183 = arith.constant 0 : i32
          %dma_wait3A_184 = tpu.memref_slice %arg5[%mul3A_2, %dma_wait3A_183] : memref<131072x128xf32, #tpu.memory_space<hbm>> -> memref<128x128xf32, #tpu.memory_space<hbm>>
          %dma_wait3A_185 = arith.constant 0 : i32
          %dma_wait3A_186 = arith.constant 0 : i32
          %dma_wait3A_187 = tpu.memref_slice %arg8[%dma_wait3A_176, %dma_wait3A_185, %dma_wait3A_186] : memref<2x128x128xf32, #tpu.memory_space<vmem>> -> memref<1x128x128xf32, #tpu.memory_space<vmem>>
          %dma_wait3A_188 = tpu.memref_squeeze %dma_wait3A_187 : memref<1x128x128xf32, #tpu.memory_space<vmem>> -> memref<128x128xf32, #tpu.memory_space<vmem>>
          tpu.wait_dma2 semaphore(%arg12 : memref<!tpu.dma_semaphore, #tpu.memory_space<semaphore_mem>>) src(%dma_wait3A_188 : memref<128x128xf32, #tpu.memory_space<vmem>>) dst(%dma_wait3A_184 : memref<128x128xf32, #tpu.memory_space<hbm>>)
        } else {
        }
        %add3A_158 = arith.constant 1 : i32
        %add3A_159 = arith.addi %add3A_82, %add3A_158 : i32
        %mul3A_160 = arith.constant 128 : i32
        %mul3A_161 = arith.muli %add3A_159, %mul3A_160 : i32
        %add3A_162 = arith.addi %mul3A_2, %mul3A_161 : i32
        %run_scoped3A_163 = arith.constant 1 : i32
        "tpu.region"() ({
          %run_scoped3A_176 = tpu.sem_alloc : memref<!tpu.dma_semaphore, #tpu.memory_space<semaphore_mem>>
          %dma_start3A_177 = arith.constant 0 : i32
          %dma_start3A_178 = tpu.memref_slice %arg7[%run_scoped3A_163, %dma_start3A_177] : memref<2x128xi32, #tpu.memory_space<vmem>> -> memref<1x128xi32, #tpu.memory_space<vmem>>
          %dma_start3A_179 = tpu.memref_squeeze %dma_start3A_178 : memref<1x128xi32, #tpu.memory_space<vmem>> -> memref<128xi32, #tpu.memory_space<vmem>>
          %dma_start3A_180 = tpu.memref_slice %arg2[%add3A_162] : memref<131072xi32, #tpu.memory_space<hbm>> -> memref<128xi32, #tpu.memory_space<hbm>>
          %dma_start3A_181 = arith.constant 0 : i32
          %dma_start3A_182 = tpu.memref_slice %arg7[%run_scoped3A_163, %dma_start3A_181] : memref<2x128xi32, #tpu.memory_space<vmem>> -> memref<1x128xi32, #tpu.memory_space<vmem>>
          %dma_start3A_183 = tpu.memref_squeeze %dma_start3A_182 : memref<1x128xi32, #tpu.memory_space<vmem>> -> memref<128xi32, #tpu.memory_space<vmem>>
          %dma_start3A_184 = tpu.memref_slice %arg2[%add3A_162] : memref<131072xi32, #tpu.memory_space<hbm>> -> memref<128xi32, #tpu.memory_space<hbm>>
          tpu.enqueue_dma source(%dma_start3A_184 : memref<128xi32, #tpu.memory_space<hbm>>) target(%dma_start3A_183 : memref<128xi32, #tpu.memory_space<vmem>>) target_semaphore(%run_scoped3A_176 : memref<!tpu.dma_semaphore, #tpu.memory_space<semaphore_mem>>)
          %dma_wait3A_185 = arith.constant 0 : i32
          %dma_wait3A_186 = tpu.memref_slice %arg7[%run_scoped3A_163, %dma_wait3A_185] : memref<2x128xi32, #tpu.memory_space<vmem>> -> memref<1x128xi32, #tpu.memory_space<vmem>>
          %dma_wait3A_187 = tpu.memref_squeeze %dma_wait3A_186 : memref<1x128xi32, #tpu.memory_space<vmem>> -> memref<128xi32, #tpu.memory_space<vmem>>
          %dma_wait3A_188 = tpu.memref_slice %arg2[%add3A_162] : memref<131072xi32, #tpu.memory_space<hbm>> -> memref<128xi32, #tpu.memory_space<hbm>>
          %dma_wait3A_189 = arith.constant 0 : i32
          %dma_wait3A_190 = tpu.memref_slice %arg7[%run_scoped3A_163, %dma_wait3A_189] : memref<2x128xi32, #tpu.memory_space<vmem>> -> memref<1x128xi32, #tpu.memory_space<vmem>>
          %dma_wait3A_191 = tpu.memref_squeeze %dma_wait3A_190 : memref<1x128xi32, #tpu.memory_space<vmem>> -> memref<128xi32, #tpu.memory_space<vmem>>
          %dma_wait3A_192 = tpu.memref_slice %arg2[%add3A_162] : memref<131072xi32, #tpu.memory_space<hbm>> -> memref<128xi32, #tpu.memory_space<hbm>>
          tpu.wait_dma2 semaphore(%run_scoped3A_176 : memref<!tpu.dma_semaphore, #tpu.memory_space<semaphore_mem>>) src(%dma_wait3A_192 : memref<128xi32, #tpu.memory_space<hbm>>) dst(%dma_wait3A_191 : memref<128xi32, #tpu.memory_space<vmem>>)
          tpu.yield
        }) : () -> ()
        %dma_start3A_164 = arith.constant 1 : i32
        %dma_start3A_165 = arith.constant 1 : i32
        %dma_start3A_166 = arith.constant 0 : i32
        %dma_start3A_167 = arith.constant 0 : i32
        %dma_start3A_168 = tpu.memref_slice %arg8[%dma_start3A_165, %dma_start3A_166, %dma_start3A_167] : memref<2x128x128xf32, #tpu.memory_space<vmem>> -> memref<1x128x128xf32, #tpu.memory_space<vmem>>
        %dma_start3A_169 = tpu.memref_squeeze %dma_start3A_168 : memref<1x128x128xf32, #tpu.memory_space<vmem>> -> memref<128x128xf32, #tpu.memory_space<vmem>>
        %dma_start3A_170 = arith.constant 0 : i32
        %dma_start3A_171 = tpu.memref_slice %arg7[%dma_start3A_164, %dma_start3A_170] : memref<2x128xi32, #tpu.memory_space<vmem>> -> memref<1x128xi32, #tpu.memory_space<vmem>>
        %dma_start3A_172 = tpu.memref_squeeze %dma_start3A_171 : memref<1x128xi32, #tpu.memory_space<vmem>> -> memref<128xi32, #tpu.memory_space<vmem>>
        %dma_start3A_173 = arith.constant 0 : i32
        %dma_start3A_174 = arith.constant 0 : i32
        %dma_start3A_175 = tpu.memref_slice %arg4[%dma_start3A_173, %dma_start3A_174] : memref<32768x128xf32, #tpu.memory_space<hbm>> -> memref<32768x128xf32, #tpu.memory_space<hbm>>
        tpu.enqueue_indirect_dma source(%dma_start3A_175 : memref<32768x128xf32, #tpu.memory_space<hbm>>) target(%dma_start3A_169 : memref<128x128xf32, #tpu.memory_space<vmem>>) offsets(%dma_start3A_172 : memref<128xi32, #tpu.memory_space<vmem>>) semaphore(%arg10 : memref<!tpu.dma_semaphore, #tpu.memory_space<semaphore_mem>>)
      } else {
      }
      %mul3A_115 = arith.constant 2 : i32
      %mul3A_116 = arith.muli %scan3A_78, %mul3A_115 : i32
      %add3A_117 = arith.constant 1 : i32
      %add3A_118 = arith.addi %mul3A_116, %add3A_117 : i32
      %dma_wait3A_119 = arith.constant 1 : i32
      %dma_wait3A_120 = arith.constant 1 : i32
      %dma_wait3A_121 = arith.constant 0 : i32
      %dma_wait3A_122 = arith.constant 0 : i32
      %dma_wait3A_123 = tpu.memref_slice %arg8[%dma_wait3A_120, %dma_wait3A_121, %dma_wait3A_122] : memref<2x128x128xf32, #tpu.memory_space<vmem>> -> memref<1x128x128xf32, #tpu.memory_space<vmem>>
      %dma_wait3A_124 = tpu.memref_squeeze %dma_wait3A_123 : memref<1x128x128xf32, #tpu.memory_space<vmem>> -> memref<128x128xf32, #tpu.memory_space<vmem>>
      %dma_wait3A_125 = arith.constant 0 : i32
      %dma_wait3A_126 = tpu.memref_slice %arg7[%dma_wait3A_119, %dma_wait3A_125] : memref<2x128xi32, #tpu.memory_space<vmem>> -> memref<1x128xi32, #tpu.memory_space<vmem>>
      %dma_wait3A_127 = tpu.memref_squeeze %dma_wait3A_126 : memref<1x128xi32, #tpu.memory_space<vmem>> -> memref<128xi32, #tpu.memory_space<vmem>>
      %dma_wait3A_128 = arith.constant 0 : i32
      %dma_wait3A_129 = arith.constant 0 : i32
      %dma_wait3A_130 = tpu.memref_slice %arg4[%dma_wait3A_128, %dma_wait3A_129] : memref<32768x128xf32, #tpu.memory_space<hbm>> -> memref<32768x128xf32, #tpu.memory_space<hbm>>
      tpu.wait_indirect_dma semaphore(%arg10 : memref<!tpu.dma_semaphore, #tpu.memory_space<semaphore_mem>>) src(%dma_wait3A_130 : memref<32768x128xf32, #tpu.memory_space<hbm>>) dst(%dma_wait3A_124 : memref<128x128xf32, #tpu.memory_space<vmem>>)
      %mul3A_131 = arith.constant 128 : i32
      %mul3A_132 = arith.muli %add3A_118, %mul3A_131 : i32
      %add3A_133 = arith.addi %mul3A_2, %mul3A_132 : i32
      %dma_start3A_134 = arith.constant 1 : i32
      %dma_start3A_135 = arith.constant 0 : i32
      %dma_start3A_136 = arith.constant 0 : i32
      %dma_start3A_137 = tpu.memref_slice %arg8[%dma_start3A_134, %dma_start3A_135, %dma_start3A_136] : memref<2x128x128xf32, #tpu.memory_space<vmem>> -> memref<1x128x128xf32, #tpu.memory_space<vmem>>
      %dma_start3A_138 = tpu.memref_squeeze %dma_start3A_137 : memref<1x128x128xf32, #tpu.memory_space<vmem>> -> memref<128x128xf32, #tpu.memory_space<vmem>>
      %dma_start3A_139 = arith.constant 0 : i32
      %dma_start3A_140 = tpu.memref_slice %arg5[%add3A_133, %dma_start3A_139] : memref<131072x128xf32, #tpu.memory_space<hbm>> -> memref<128x128xf32, #tpu.memory_space<hbm>>
      %dma_start3A_141 = arith.constant 0 : i32
      %dma_start3A_142 = tpu.memref_slice %arg5[%add3A_133, %dma_start3A_141] : memref<131072x128xf32, #tpu.memory_space<hbm>> -> memref<128x128xf32, #tpu.memory_space<hbm>>
      %dma_start3A_143 = arith.constant 0 : i32
      %dma_start3A_144 = arith.constant 0 : i32
      %dma_start3A_145 = tpu.memref_slice %arg8[%dma_start3A_134, %dma_start3A_143, %dma_start3A_144] : memref<2x128x128xf32, #tpu.memory_space<vmem>> -> memref<1x128x128xf32, #tpu.memory_space<vmem>>
      %dma_start3A_146 = tpu.memref_squeeze %dma_start3A_145 : memref<1x128x128xf32, #tpu.memory_space<vmem>> -> memref<128x128xf32, #tpu.memory_space<vmem>>
      tpu.enqueue_dma source(%dma_start3A_146 : memref<128x128xf32, #tpu.memory_space<vmem>>) target(%dma_start3A_142 : memref<128x128xf32, #tpu.memory_space<hbm>>) target_semaphore(%arg12 : memref<!tpu.dma_semaphore, #tpu.memory_space<semaphore_mem>>)
      %add3A_147 = arith.constant 1 : i32
      %add3A_148 = arith.addi %add3A_118, %add3A_147 : i32
      %lt3A_149 = arith.constant 32 : i32
      %lt3A_150 = arith.cmpi slt, %add3A_148, %lt3A_149 : i32
      %convert_element_type3A_151 = arith.extui %lt3A_150 : i1 to i32
      %cond3A_152 = arith.constant 0 : i32
      %cond3A_153 = arith.cmpi ne, %convert_element_type3A_151, %cond3A_152 : i32
      scf.if %cond3A_153 {
        %ge3A = arith.constant 1 : i32
        %ge3A_154 = arith.cmpi sge, %add3A_118, %ge3A : i32
        %convert_element_type3A_155 = arith.extui %ge3A_154 : i1 to i32
        %cond3A_156 = arith.constant 0 : i32
        %cond3A_157 = arith.cmpi ne, %convert_element_type3A_155, %cond3A_156 : i32
        scf.if %cond3A_157 {
          %dma_wait3A_176 = arith.constant 0 : i32
          %dma_wait3A_177 = arith.constant 0 : i32
          %dma_wait3A_178 = arith.constant 0 : i32
          %dma_wait3A_179 = tpu.memref_slice %arg8[%dma_wait3A_176, %dma_wait3A_177, %dma_wait3A_178] : memref<2x128x128xf32, #tpu.memory_space<vmem>> -> memref<1x128x128xf32, #tpu.memory_space<vmem>>
          %dma_wait3A_180 = tpu.memref_squeeze %dma_wait3A_179 : memref<1x128x128xf32, #tpu.memory_space<vmem>> -> memref<128x128xf32, #tpu.memory_space<vmem>>
          %dma_wait3A_181 = arith.constant 0 : i32
          %dma_wait3A_182 = tpu.memref_slice %arg5[%mul3A_2, %dma_wait3A_181] : memref<131072x128xf32, #tpu.memory_space<hbm>> -> memref<128x128xf32, #tpu.memory_space<hbm>>
          %dma_wait3A_183 = arith.constant 0 : i32
          %dma_wait3A_184 = tpu.memref_slice %arg5[%mul3A_2, %dma_wait3A_183] : memref<131072x128xf32, #tpu.memory_space<hbm>> -> memref<128x128xf32, #tpu.memory_space<hbm>>
          %dma_wait3A_185 = arith.constant 0 : i32
          %dma_wait3A_186 = arith.constant 0 : i32
          %dma_wait3A_187 = tpu.memref_slice %arg8[%dma_wait3A_176, %dma_wait3A_185, %dma_wait3A_186] : memref<2x128x128xf32, #tpu.memory_space<vmem>> -> memref<1x128x128xf32, #tpu.memory_space<vmem>>
          %dma_wait3A_188 = tpu.memref_squeeze %dma_wait3A_187 : memref<1x128x128xf32, #tpu.memory_space<vmem>> -> memref<128x128xf32, #tpu.memory_space<vmem>>
          tpu.wait_dma2 semaphore(%arg11 : memref<!tpu.dma_semaphore, #tpu.memory_space<semaphore_mem>>) src(%dma_wait3A_188 : memref<128x128xf32, #tpu.memory_space<vmem>>) dst(%dma_wait3A_184 : memref<128x128xf32, #tpu.memory_space<hbm>>)
        } else {
        }
        %add3A_158 = arith.constant 1 : i32
        %add3A_159 = arith.addi %add3A_118, %add3A_158 : i32
        %mul3A_160 = arith.constant 128 : i32
        %mul3A_161 = arith.muli %add3A_159, %mul3A_160 : i32
        %add3A_162 = arith.addi %mul3A_2, %mul3A_161 : i32
        %run_scoped3A_163 = arith.constant 0 : i32
        "tpu.region"() ({
          %run_scoped3A_176 = tpu.sem_alloc : memref<!tpu.dma_semaphore, #tpu.memory_space<semaphore_mem>>
          %dma_start3A_177 = arith.constant 0 : i32
          %dma_start3A_178 = tpu.memref_slice %arg7[%run_scoped3A_163, %dma_start3A_177] : memref<2x128xi32, #tpu.memory_space<vmem>> -> memref<1x128xi32, #tpu.memory_space<vmem>>
          %dma_start3A_179 = tpu.memref_squeeze %dma_start3A_178 : memref<1x128xi32, #tpu.memory_space<vmem>> -> memref<128xi32, #tpu.memory_space<vmem>>
          %dma_start3A_180 = tpu.memref_slice %arg2[%add3A_162] : memref<131072xi32, #tpu.memory_space<hbm>> -> memref<128xi32, #tpu.memory_space<hbm>>
          %dma_start3A_181 = arith.constant 0 : i32
          %dma_start3A_182 = tpu.memref_slice %arg7[%run_scoped3A_163, %dma_start3A_181] : memref<2x128xi32, #tpu.memory_space<vmem>> -> memref<1x128xi32, #tpu.memory_space<vmem>>
          %dma_start3A_183 = tpu.memref_squeeze %dma_start3A_182 : memref<1x128xi32, #tpu.memory_space<vmem>> -> memref<128xi32, #tpu.memory_space<vmem>>
          %dma_start3A_184 = tpu.memref_slice %arg2[%add3A_162] : memref<131072xi32, #tpu.memory_space<hbm>> -> memref<128xi32, #tpu.memory_space<hbm>>
          tpu.enqueue_dma source(%dma_start3A_184 : memref<128xi32, #tpu.memory_space<hbm>>) target(%dma_start3A_183 : memref<128xi32, #tpu.memory_space<vmem>>) target_semaphore(%run_scoped3A_176 : memref<!tpu.dma_semaphore, #tpu.memory_space<semaphore_mem>>)
          %dma_wait3A_185 = arith.constant 0 : i32
          %dma_wait3A_186 = tpu.memref_slice %arg7[%run_scoped3A_163, %dma_wait3A_185] : memref<2x128xi32, #tpu.memory_space<vmem>> -> memref<1x128xi32, #tpu.memory_space<vmem>>
          %dma_wait3A_187 = tpu.memref_squeeze %dma_wait3A_186 : memref<1x128xi32, #tpu.memory_space<vmem>> -> memref<128xi32, #tpu.memory_space<vmem>>
          %dma_wait3A_188 = tpu.memref_slice %arg2[%add3A_162] : memref<131072xi32, #tpu.memory_space<hbm>> -> memref<128xi32, #tpu.memory_space<hbm>>
          %dma_wait3A_189 = arith.constant 0 : i32
          %dma_wait3A_190 = tpu.memref_slice %arg7[%run_scoped3A_163, %dma_wait3A_189] : memref<2x128xi32, #tpu.memory_space<vmem>> -> memref<1x128xi32, #tpu.memory_space<vmem>>
          %dma_wait3A_191 = tpu.memref_squeeze %dma_wait3A_190 : memref<1x128xi32, #tpu.memory_space<vmem>> -> memref<128xi32, #tpu.memory_space<vmem>>
          %dma_wait3A_192 = tpu.memref_slice %arg2[%add3A_162] : memref<131072xi32, #tpu.memory_space<hbm>> -> memref<128xi32, #tpu.memory_space<hbm>>
          tpu.wait_dma2 semaphore(%run_scoped3A_176 : memref<!tpu.dma_semaphore, #tpu.memory_space<semaphore_mem>>) src(%dma_wait3A_192 : memref<128xi32, #tpu.memory_space<hbm>>) dst(%dma_wait3A_191 : memref<128xi32, #tpu.memory_space<vmem>>)
          tpu.yield
        }) : () -> ()
        %dma_start3A_164 = arith.constant 0 : i32
        %dma_start3A_165 = arith.constant 0 : i32
        %dma_start3A_166 = arith.constant 0 : i32
        %dma_start3A_167 = arith.constant 0 : i32
        %dma_start3A_168 = tpu.memref_slice %arg8[%dma_start3A_165, %dma_start3A_166, %dma_start3A_167] : memref<2x128x128xf32, #tpu.memory_space<vmem>> -> memref<1x128x128xf32, #tpu.memory_space<vmem>>
        %dma_start3A_169 = tpu.memref_squeeze %dma_start3A_168 : memref<1x128x128xf32, #tpu.memory_space<vmem>> -> memref<128x128xf32, #tpu.memory_space<vmem>>
        %dma_start3A_170 = arith.constant 0 : i32
        %dma_start3A_171 = tpu.memref_slice %arg7[%dma_start3A_164, %dma_start3A_170] : memref<2x128xi32, #tpu.memory_space<vmem>> -> memref<1x128xi32, #tpu.memory_space<vmem>>
        %dma_start3A_172 = tpu.memref_squeeze %dma_start3A_171 : memref<1x128xi32, #tpu.memory_space<vmem>> -> memref<128xi32, #tpu.memory_space<vmem>>
        %dma_start3A_173 = arith.constant 0 : i32
        %dma_start3A_174 = arith.constant 0 : i32
        %dma_start3A_175 = tpu.memref_slice %arg4[%dma_start3A_173, %dma_start3A_174] : memref<32768x128xf32, #tpu.memory_space<hbm>> -> memref<32768x128xf32, #tpu.memory_space<hbm>>
        tpu.enqueue_indirect_dma source(%dma_start3A_175 : memref<32768x128xf32, #tpu.memory_space<hbm>>) target(%dma_start3A_169 : memref<128x128xf32, #tpu.memory_space<vmem>>) offsets(%dma_start3A_172 : memref<128xi32, #tpu.memory_space<vmem>>) semaphore(%arg9 : memref<!tpu.dma_semaphore, #tpu.memory_space<semaphore_mem>>)
      } else {
      }
    }
    %scan3A_20 = arith.constant 16 : i32
    %add3A_21 = arith.constant 3840 : i32
    %add3A_22 = arith.addi %mul3A_2, %add3A_21 : i32
    %dma_wait3A = arith.constant 0 : i32
    %dma_wait3A_23 = arith.constant 0 : i32
    %dma_wait3A_24 = arith.constant 0 : i32
    %dma_wait3A_25 = tpu.memref_slice %arg8[%dma_wait3A, %dma_wait3A_23, %dma_wait3A_24] : memref<2x128x128xf32, #tpu.memory_space<vmem>> -> memref<1x128x128xf32, #tpu.memory_space<vmem>>
    %dma_wait3A_26 = tpu.memref_squeeze %dma_wait3A_25 : memref<1x128x128xf32, #tpu.memory_space<vmem>> -> memref<128x128xf32, #tpu.memory_space<vmem>>
    %dma_wait3A_27 = arith.constant 0 : i32
    %dma_wait3A_28 = tpu.memref_slice %arg5[%add3A_22, %dma_wait3A_27] : memref<131072x128xf32, #tpu.memory_space<hbm>> -> memref<128x128xf32, #tpu.memory_space<hbm>>
    %dma_wait3A_29 = arith.constant 0 : i32
    %dma_wait3A_30 = tpu.memref_slice %arg5[%add3A_22, %dma_wait3A_29] : memref<131072x128xf32, #tpu.memory_space<hbm>> -> memref<128x128xf32, #tpu.memory_space<hbm>>
    %dma_wait3A_31 = arith.constant 0 : i32
    %dma_wait3A_32 = arith.constant 0 : i32
    %dma_wait3A_33 = tpu.memref_slice %arg8[%dma_wait3A, %dma_wait3A_31, %dma_wait3A_32] : memref<2x128x128xf32, #tpu.memory_space<vmem>> -> memref<1x128x128xf32, #tpu.memory_space<vmem>>
    %dma_wait3A_34 = tpu.memref_squeeze %dma_wait3A_33 : memref<1x128x128xf32, #tpu.memory_space<vmem>> -> memref<128x128xf32, #tpu.memory_space<vmem>>
    tpu.wait_dma2 semaphore(%arg11 : memref<!tpu.dma_semaphore, #tpu.memory_space<semaphore_mem>>) src(%dma_wait3A_34 : memref<128x128xf32, #tpu.memory_space<vmem>>) dst(%dma_wait3A_30 : memref<128x128xf32, #tpu.memory_space<hbm>>)
    %add3A_35 = arith.constant 3968 : i32
    %add3A_36 = arith.addi %mul3A_2, %add3A_35 : i32
    %dma_wait3A_37 = arith.constant 1 : i32
    %dma_wait3A_38 = arith.constant 0 : i32
    %dma_wait3A_39 = arith.constant 0 : i32
    %dma_wait3A_40 = tpu.memref_slice %arg8[%dma_wait3A_37, %dma_wait3A_38, %dma_wait3A_39] : memref<2x128x128xf32, #tpu.memory_space<vmem>> -> memref<1x128x128xf32, #tpu.memory_space<vmem>>
    %dma_wait3A_41 = tpu.memref_squeeze %dma_wait3A_40 : memref<1x128x128xf32, #tpu.memory_space<vmem>> -> memref<128x128xf32, #tpu.memory_space<vmem>>
    %dma_wait3A_42 = arith.constant 0 : i32
    %dma_wait3A_43 = tpu.memref_slice %arg5[%add3A_36, %dma_wait3A_42] : memref<131072x128xf32, #tpu.memory_space<hbm>> -> memref<128x128xf32, #tpu.memory_space<hbm>>
    %dma_wait3A_44 = arith.constant 0 : i32
    %dma_wait3A_45 = tpu.memref_slice %arg5[%add3A_36, %dma_wait3A_44] : memref<131072x128xf32, #tpu.memory_space<hbm>> -> memref<128x128xf32, #tpu.memory_space<hbm>>
    %dma_wait3A_46 = arith.constant 0 : i32
    %dma_wait3A_47 = arith.constant 0 : i32
    %dma_wait3A_48 = tpu.memref_slice %arg8[%dma_wait3A_37, %dma_wait3A_46, %dma_wait3A_47] : memref<2x128x128xf32, #tpu.memory_space<vmem>> -> memref<1x128x128xf32, #tpu.memory_space<vmem>>
    %dma_wait3A_49 = tpu.memref_squeeze %dma_wait3A_48 : memref<1x128x128xf32, #tpu.memory_space<vmem>> -> memref<128x128xf32, #tpu.memory_space<vmem>>
    tpu.wait_dma2 semaphore(%arg12 : memref<!tpu.dma_semaphore, #tpu.memory_space<semaphore_mem>>) src(%dma_wait3A_49 : memref<128x128xf32, #tpu.memory_space<vmem>>) dst(%dma_wait3A_45 : memref<128x128xf32, #tpu.memory_space<hbm>>)
    %mul3A_50 = arith.constant 128 : i32
    %mul3A_51 = arith.muli %add3A, %mul3A_50 : i32
    %run_scoped3A_52 = arith.constant 0 : i32
    "tpu.region"() ({
      %run_scoped3A_78 = tpu.sem_alloc : memref<!tpu.dma_semaphore, #tpu.memory_space<semaphore_mem>>
      %dma_start3A_79 = arith.constant 0 : i32
      %dma_start3A_80 = tpu.memref_slice %arg7[%run_scoped3A_52, %dma_start3A_79] : memref<2x128xi32, #tpu.memory_space<vmem>> -> memref<1x128xi32, #tpu.memory_space<vmem>>
      %dma_start3A_81 = tpu.memref_squeeze %dma_start3A_80 : memref<1x128xi32, #tpu.memory_space<vmem>> -> memref<128xi32, #tpu.memory_space<vmem>>
      %dma_start3A_82 = tpu.memref_slice %arg3[%mul3A_51] : memref<4096xi32, #tpu.memory_space<hbm>> -> memref<128xi32, #tpu.memory_space<hbm>>
      %dma_start3A_83 = arith.constant 0 : i32
      %dma_start3A_84 = tpu.memref_slice %arg7[%run_scoped3A_52, %dma_start3A_83] : memref<2x128xi32, #tpu.memory_space<vmem>> -> memref<1x128xi32, #tpu.memory_space<vmem>>
      %dma_start3A_85 = tpu.memref_squeeze %dma_start3A_84 : memref<1x128xi32, #tpu.memory_space<vmem>> -> memref<128xi32, #tpu.memory_space<vmem>>
      %dma_start3A_86 = tpu.memref_slice %arg3[%mul3A_51] : memref<4096xi32, #tpu.memory_space<hbm>> -> memref<128xi32, #tpu.memory_space<hbm>>
      tpu.enqueue_dma source(%dma_start3A_86 : memref<128xi32, #tpu.memory_space<hbm>>) target(%dma_start3A_85 : memref<128xi32, #tpu.memory_space<vmem>>) target_semaphore(%run_scoped3A_78 : memref<!tpu.dma_semaphore, #tpu.memory_space<semaphore_mem>>)
      %dma_wait3A_87 = arith.constant 0 : i32
      %dma_wait3A_88 = tpu.memref_slice %arg7[%run_scoped3A_52, %dma_wait3A_87] : memref<2x128xi32, #tpu.memory_space<vmem>> -> memref<1x128xi32, #tpu.memory_space<vmem>>
      %dma_wait3A_89 = tpu.memref_squeeze %dma_wait3A_88 : memref<1x128xi32, #tpu.memory_space<vmem>> -> memref<128xi32, #tpu.memory_space<vmem>>
      %dma_wait3A_90 = tpu.memref_slice %arg3[%mul3A_51] : memref<4096xi32, #tpu.memory_space<hbm>> -> memref<128xi32, #tpu.memory_space<hbm>>
      %dma_wait3A_91 = arith.constant 0 : i32
      %dma_wait3A_92 = tpu.memref_slice %arg7[%run_scoped3A_52, %dma_wait3A_91] : memref<2x128xi32, #tpu.memory_space<vmem>> -> memref<1x128xi32, #tpu.memory_space<vmem>>
      %dma_wait3A_93 = tpu.memref_squeeze %dma_wait3A_92 : memref<1x128xi32, #tpu.memory_space<vmem>> -> memref<128xi32, #tpu.memory_space<vmem>>
      %dma_wait3A_94 = tpu.memref_slice %arg3[%mul3A_51] : memref<4096xi32, #tpu.memory_space<hbm>> -> memref<128xi32, #tpu.memory_space<hbm>>
      tpu.wait_dma2 semaphore(%run_scoped3A_78 : memref<!tpu.dma_semaphore, #tpu.memory_space<semaphore_mem>>) src(%dma_wait3A_94 : memref<128xi32, #tpu.memory_space<hbm>>) dst(%dma_wait3A_93 : memref<128xi32, #tpu.memory_space<vmem>>)
      tpu.yield
    }) : () -> ()
    %dma_start3A_53 = arith.constant 0 : i32
    %dma_start3A_54 = arith.constant 0 : i32
    %dma_start3A_55 = arith.constant 0 : i32
    %dma_start3A_56 = arith.constant 0 : i32
    %dma_start3A_57 = tpu.memref_slice %arg8[%dma_start3A_54, %dma_start3A_55, %dma_start3A_56] : memref<2x128x128xf32, #tpu.memory_space<vmem>> -> memref<1x128x128xf32, #tpu.memory_space<vmem>>
    %dma_start3A_58 = tpu.memref_squeeze %dma_start3A_57 : memref<1x128x128xf32, #tpu.memory_space<vmem>> -> memref<128x128xf32, #tpu.memory_space<vmem>>
    %dma_start3A_59 = arith.constant 0 : i32
    %dma_start3A_60 = tpu.memref_slice %arg7[%dma_start3A_53, %dma_start3A_59] : memref<2x128xi32, #tpu.memory_space<vmem>> -> memref<1x128xi32, #tpu.memory_space<vmem>>
    %dma_start3A_61 = tpu.memref_squeeze %dma_start3A_60 : memref<1x128xi32, #tpu.memory_space<vmem>> -> memref<128xi32, #tpu.memory_space<vmem>>
    %dma_start3A_62 = arith.constant 0 : i32
    %dma_start3A_63 = arith.constant 0 : i32
    %dma_start3A_64 = tpu.memref_slice %arg4[%dma_start3A_62, %dma_start3A_63] : memref<32768x128xf32, #tpu.memory_space<hbm>> -> memref<32768x128xf32, #tpu.memory_space<hbm>>
    tpu.enqueue_indirect_dma source(%dma_start3A_64 : memref<32768x128xf32, #tpu.memory_space<hbm>>) target(%dma_start3A_58 : memref<128x128xf32, #tpu.memory_space<vmem>>) offsets(%dma_start3A_61 : memref<128xi32, #tpu.memory_space<vmem>>) semaphore(%arg9 : memref<!tpu.dma_semaphore, #tpu.memory_space<semaphore_mem>>)
    %dma_wait3A_65 = arith.constant 0 : i32
    %dma_wait3A_66 = arith.constant 0 : i32
    %dma_wait3A_67 = arith.constant 0 : i32
    %dma_wait3A_68 = arith.constant 0 : i32
    %dma_wait3A_69 = tpu.memref_slice %arg8[%dma_wait3A_66, %dma_wait3A_67, %dma_wait3A_68] : memref<2x128x128xf32, #tpu.memory_space<vmem>> -> memref<1x128x128xf32, #tpu.memory_space<vmem>>
    %dma_wait3A_70 = tpu.memref_squeeze %dma_wait3A_69 : memref<1x128x128xf32, #tpu.memory_space<vmem>> -> memref<128x128xf32, #tpu.memory_space<vmem>>
    %dma_wait3A_71 = arith.constant 0 : i32
    %dma_wait3A_72 = tpu.memref_slice %arg7[%dma_wait3A_65, %dma_wait3A_71] : memref<2x128xi32, #tpu.memory_space<vmem>> -> memref<1x128xi32, #tpu.memory_space<vmem>>
    %dma_wait3A_73 = tpu.memref_squeeze %dma_wait3A_72 : memref<1x128xi32, #tpu.memory_space<vmem>> -> memref<128xi32, #tpu.memory_space<vmem>>
    %dma_wait3A_74 = arith.constant 0 : i32
    %dma_wait3A_75 = arith.constant 0 : i32
    %dma_wait3A_76 = tpu.memref_slice %arg4[%dma_wait3A_74, %dma_wait3A_75] : memref<32768x128xf32, #tpu.memory_space<hbm>> -> memref<32768x128xf32, #tpu.memory_space<hbm>>
    tpu.wait_indirect_dma semaphore(%arg9 : memref<!tpu.dma_semaphore, #tpu.memory_space<semaphore_mem>>) src(%dma_wait3A_76 : memref<32768x128xf32, #tpu.memory_space<hbm>>) dst(%dma_wait3A_70 : memref<128x128xf32, #tpu.memory_space<vmem>>)
    %run_scoped3A_77 = arith.constant 0 : i32
    "tpu.region"() ({
      %run_scoped3A_78 = tpu.sem_alloc : memref<!tpu.dma_semaphore, #tpu.memory_space<semaphore_mem>>
      %dma_start3A_79 = arith.constant 0 : i32
      %dma_start3A_80 = arith.constant 0 : i32
      %dma_start3A_81 = tpu.memref_slice %arg8[%run_scoped3A_77, %dma_start3A_79, %dma_start3A_80] : memref<2x128x128xf32, #tpu.memory_space<vmem>> -> memref<1x128x128xf32, #tpu.memory_space<vmem>>
      %dma_start3A_82 = tpu.memref_squeeze %dma_start3A_81 : memref<1x128x128xf32, #tpu.memory_space<vmem>> -> memref<128x128xf32, #tpu.memory_space<vmem>>
      %dma_start3A_83 = arith.constant 0 : i32
      %dma_start3A_84 = tpu.memref_slice %arg6[%mul3A_51, %dma_start3A_83] : memref<4096x128xf32, #tpu.memory_space<hbm>> -> memref<128x128xf32, #tpu.memory_space<hbm>>
      %dma_start3A_85 = arith.constant 0 : i32
      %dma_start3A_86 = tpu.memref_slice %arg6[%mul3A_51, %dma_start3A_85] : memref<4096x128xf32, #tpu.memory_space<hbm>> -> memref<128x128xf32, #tpu.memory_space<hbm>>
      %dma_start3A_87 = arith.constant 0 : i32
      %dma_start3A_88 = arith.constant 0 : i32
      %dma_start3A_89 = tpu.memref_slice %arg8[%run_scoped3A_77, %dma_start3A_87, %dma_start3A_88] : memref<2x128x128xf32, #tpu.memory_space<vmem>> -> memref<1x128x128xf32, #tpu.memory_space<vmem>>
      %dma_start3A_90 = tpu.memref_squeeze %dma_start3A_89 : memref<1x128x128xf32, #tpu.memory_space<vmem>> -> memref<128x128xf32, #tpu.memory_space<vmem>>
      tpu.enqueue_dma source(%dma_start3A_90 : memref<128x128xf32, #tpu.memory_space<vmem>>) target(%dma_start3A_86 : memref<128x128xf32, #tpu.memory_space<hbm>>) target_semaphore(%run_scoped3A_78 : memref<!tpu.dma_semaphore, #tpu.memory_space<semaphore_mem>>)
      %dma_wait3A_91 = arith.constant 0 : i32
      %dma_wait3A_92 = arith.constant 0 : i32
      %dma_wait3A_93 = tpu.memref_slice %arg8[%run_scoped3A_77, %dma_wait3A_91, %dma_wait3A_92] : memref<2x128x128xf32, #tpu.memory_space<vmem>> -> memref<1x128x128xf32, #tpu.memory_space<vmem>>
      %dma_wait3A_94 = tpu.memref_squeeze %dma_wait3A_93 : memref<1x128x128xf32, #tpu.memory_space<vmem>> -> memref<128x128xf32, #tpu.memory_space<vmem>>
      %dma_wait3A_95 = arith.constant 0 : i32
      %dma_wait3A_96 = tpu.memref_slice %arg6[%mul3A_51, %dma_wait3A_95] : memref<4096x128xf32, #tpu.memory_space<hbm>> -> memref<128x128xf32, #tpu.memory_space<hbm>>
      %dma_wait3A_97 = arith.constant 0 : i32
      %dma_wait3A_98 = tpu.memref_slice %arg6[%mul3A_51, %dma_wait3A_97] : memref<4096x128xf32, #tpu.memory_space<hbm>> -> memref<128x128xf32, #tpu.memory_space<hbm>>
      %dma_wait3A_99 = arith.constant 0 : i32
      %dma_wait3A_100 = arith.constant 0 : i32
      %dma_wait3A_101 = tpu.memref_slice %arg8[%run_scoped3A_77, %dma_wait3A_99, %dma_wait3A_100] : memref<2x128x128xf32, #tpu.memory_space<vmem>> -> memref<1x128x128xf32, #tpu.memory_space<vmem>>
      %dma_wait3A_102 = tpu.memref_squeeze %dma_wait3A_101 : memref<1x128x128xf32, #tpu.memory_space<vmem>> -> memref<128x128xf32, #tpu.memory_space<vmem>>
      tpu.wait_dma2 semaphore(%run_scoped3A_78 : memref<!tpu.dma_semaphore, #tpu.memory_space<semaphore_mem>>) src(%dma_wait3A_102 : memref<128x128xf32, #tpu.memory_space<vmem>>) dst(%dma_wait3A_98 : memref<128x128xf32, #tpu.memory_space<hbm>>)
      tpu.yield
    }) : () -> ()
    return
  }
}

module attributes {stable_mosaic.version = 14 : i64} {
  func.func @_fps_body(%arg0: memref<16x2048xf32, #tpu.memory_space<vmem>>, %arg1: memref<16x2048xf32, #tpu.memory_space<vmem>>, %arg2: memref<16x2048xf32, #tpu.memory_space<vmem>>, %arg3: memref<16x512xi32, #tpu.memory_space<vmem>>, %arg4: memref<16x512xf32, #tpu.memory_space<vmem>>, %arg5: memref<16x512xf32, #tpu.memory_space<vmem>>, %arg6: memref<16x512xf32, #tpu.memory_space<vmem>>) attributes {dimension_semantics = [], scalar_prefetch = 0 : i64, scratch_operands = 0 : i64, tpu.core_type = #tpu.core_type<tc>} {
    %get3A = arith.constant 0 : index
    %get3A_0 = arith.constant 0 : index
    %get3A_1 = vector.load %arg0[%get3A, %get3A_0] : memref<16x2048xf32, #tpu.memory_space<vmem>>, vector<16x2048xf32>
    %get3A_2 = arith.constant 0 : index
    %get3A_3 = arith.constant 0 : index
    %get3A_4 = vector.load %arg1[%get3A_2, %get3A_3] : memref<16x2048xf32, #tpu.memory_space<vmem>>, vector<16x2048xf32>
    %get3A_5 = arith.constant 0 : index
    %get3A_6 = arith.constant 0 : index
    %get3A_7 = vector.load %arg2[%get3A_5, %get3A_6] : memref<16x2048xf32, #tpu.memory_space<vmem>>, vector<16x2048xf32>
    %iota3A = tpu.iota {dimensions = array<i32: 1>} : vector<16x2048xi32>
    %iota3A_8 = tpu.iota {dimensions = array<i32: 1>} : vector<16x512xi32>
    %iota3A_9 = tpu.iota {dimensions = array<i32: 0>} : vector<16x1xi32>
    %mul3A = arith.constant 2048 : i32
    %mul3A_10 = vector.broadcast %mul3A : i32 to vector<16x1xi32>
    %mul3A_11 = arith.muli %iota3A_9, %mul3A_10 : vector<16x1xi32>
    %broadcast_in_dim3A = arith.constant 1.000000e+10 : f32
    %broadcast_in_dim3A_12 = vector.broadcast %broadcast_in_dim3A : f32 to vector<16x2048xf32>
    %broadcast_in_dim3A_13 = arith.constant 0 : i32
    %broadcast_in_dim3A_14 = vector.broadcast %broadcast_in_dim3A_13 : i32 to vector<16x1xi32>
    %broadcast_in_dim3A_15 = arith.constant 0 : i32
    %broadcast_in_dim3A_16 = vector.broadcast %broadcast_in_dim3A_15 : i32 to vector<16x512xi32>
    %broadcast_in_dim3A_17 = arith.constant 0.000000e+00 : f32
    %broadcast_in_dim3A_18 = vector.broadcast %broadcast_in_dim3A_17 : f32 to vector<16x512xf32>
    %broadcast_in_dim3A_19 = arith.constant 0.000000e+00 : f32
    %broadcast_in_dim3A_20 = vector.broadcast %broadcast_in_dim3A_19 : f32 to vector<16x512xf32>
    %broadcast_in_dim3A_21 = arith.constant 0.000000e+00 : f32
    %broadcast_in_dim3A_22 = vector.broadcast %broadcast_in_dim3A_21 : f32 to vector<16x512xf32>
    %scan3A = arith.constant 0 : i32
    %scan3A_23 = arith.constant 512 : i32
    %scan3A_24 = arith.addi %scan3A, %scan3A_23 : i32
    %scan3A_25 = arith.constant 1 : i32
    %scan3A_26:6 = scf.for %scan3A_39 = %scan3A to %scan3A_24 step %scan3A_25 iter_args(%scan3A_40 = %broadcast_in_dim3A_12, %scan3A_41 = %broadcast_in_dim3A_14, %scan3A_42 = %broadcast_in_dim3A_16, %scan3A_43 = %broadcast_in_dim3A_18, %scan3A_44 = %broadcast_in_dim3A_20, %scan3A_45 = %broadcast_in_dim3A_22) -> (vector<16x2048xf32>, vector<16x1xi32>, vector<16x512xi32>, vector<16x512xf32>, vector<16x512xf32>, vector<16x512xf32>)  : i32 {
      %eq3A = vector.broadcast %scan3A_41 : vector<16x1xi32> to vector<16x2048xi32>
      %eq3A_46 = arith.cmpi eq, %iota3A, %eq3A : vector<16x2048xi32>
      %jit3A = arith.constant 0.000000e+00 : f32
      %broadcast_in_dim3A_47 = vector.broadcast %jit3A : f32 to vector<16x2048xf32>
      %select_n3A = arith.select %eq3A_46, %get3A_1, %broadcast_in_dim3A_47 : vector<16x2048xi1>, vector<16x2048xf32>
      %reduce_sum3A = arith.constant dense<0.000000e+00> : vector<16xf32>
      %reduce_sum3A_48 = vector.multi_reduction <add>, %select_n3A, %reduce_sum3A [1] : vector<16x2048xf32> to vector<16xf32>
      %broadcast_in_dim3A_49 = vector.shape_cast %reduce_sum3A_48 : vector<16xf32> to vector<16x1xf32>
      %jit3A_50 = arith.constant 0.000000e+00 : f32
      %broadcast_in_dim3A_51 = vector.broadcast %jit3A_50 : f32 to vector<16x2048xf32>
      %select_n3A_52 = arith.select %eq3A_46, %get3A_4, %broadcast_in_dim3A_51 : vector<16x2048xi1>, vector<16x2048xf32>
      %reduce_sum3A_53 = arith.constant dense<0.000000e+00> : vector<16xf32>
      %reduce_sum3A_54 = vector.multi_reduction <add>, %select_n3A_52, %reduce_sum3A_53 [1] : vector<16x2048xf32> to vector<16xf32>
      %broadcast_in_dim3A_55 = vector.shape_cast %reduce_sum3A_54 : vector<16xf32> to vector<16x1xf32>
      %jit3A_56 = arith.constant 0.000000e+00 : f32
      %broadcast_in_dim3A_57 = vector.broadcast %jit3A_56 : f32 to vector<16x2048xf32>
      %select_n3A_58 = arith.select %eq3A_46, %get3A_7, %broadcast_in_dim3A_57 : vector<16x2048xi1>, vector<16x2048xf32>
      %reduce_sum3A_59 = arith.constant dense<0.000000e+00> : vector<16xf32>
      %reduce_sum3A_60 = vector.multi_reduction <add>, %select_n3A_58, %reduce_sum3A_59 [1] : vector<16x2048xf32> to vector<16xf32>
      %broadcast_in_dim3A_61 = vector.shape_cast %reduce_sum3A_60 : vector<16xf32> to vector<16x1xf32>
      %eq3A_62 = vector.broadcast %scan3A_39 : i32 to vector<16x512xi32>
      %eq3A_63 = arith.cmpi eq, %iota3A_8, %eq3A_62 : vector<16x512xi32>
      %add3A = arith.addi %scan3A_41, %mul3A_11 : vector<16x1xi32>
      %broadcast_in_dim3A_64 = vector.shape_cast %add3A : vector<16x1xi32> to vector<16x1xi32>
      %broadcast_in_dim3A_65 = vector.broadcast %broadcast_in_dim3A_64 : vector<16x1xi32> to vector<16x512xi32>
      %select_n3A_66 = arith.select %eq3A_63, %broadcast_in_dim3A_65, %scan3A_42 : vector<16x512xi1>, vector<16x512xi32>
      %broadcast_in_dim3A_67 = vector.shape_cast %broadcast_in_dim3A_49 : vector<16x1xf32> to vector<16x1xf32>
      %broadcast_in_dim3A_68 = vector.broadcast %broadcast_in_dim3A_67 : vector<16x1xf32> to vector<16x512xf32>
      %select_n3A_69 = arith.select %eq3A_63, %broadcast_in_dim3A_68, %scan3A_43 : vector<16x512xi1>, vector<16x512xf32>
      %broadcast_in_dim3A_70 = vector.shape_cast %broadcast_in_dim3A_55 : vector<16x1xf32> to vector<16x1xf32>
      %broadcast_in_dim3A_71 = vector.broadcast %broadcast_in_dim3A_70 : vector<16x1xf32> to vector<16x512xf32>
      %select_n3A_72 = arith.select %eq3A_63, %broadcast_in_dim3A_71, %scan3A_44 : vector<16x512xi1>, vector<16x512xf32>
      %broadcast_in_dim3A_73 = vector.shape_cast %broadcast_in_dim3A_61 : vector<16x1xf32> to vector<16x1xf32>
      %broadcast_in_dim3A_74 = vector.broadcast %broadcast_in_dim3A_73 : vector<16x1xf32> to vector<16x512xf32>
      %select_n3A_75 = arith.select %eq3A_63, %broadcast_in_dim3A_74, %scan3A_45 : vector<16x512xi1>, vector<16x512xf32>
      %sub3A = vector.broadcast %broadcast_in_dim3A_49 : vector<16x1xf32> to vector<16x2048xf32>
      %sub3A_76 = arith.subf %get3A_1, %sub3A : vector<16x2048xf32>
      %sub3A_77 = vector.broadcast %broadcast_in_dim3A_55 : vector<16x1xf32> to vector<16x2048xf32>
      %sub3A_78 = arith.subf %get3A_4, %sub3A_77 : vector<16x2048xf32>
      %sub3A_79 = vector.broadcast %broadcast_in_dim3A_61 : vector<16x1xf32> to vector<16x2048xf32>
      %sub3A_80 = arith.subf %get3A_7, %sub3A_79 : vector<16x2048xf32>
      %mul3A_81 = arith.mulf %sub3A_76, %sub3A_76 : vector<16x2048xf32>
      %mul3A_82 = arith.mulf %sub3A_80, %sub3A_80 : vector<16x2048xf32>
      %add3A_83 = arith.addf %mul3A_81, %mul3A_82 : vector<16x2048xf32>
      %mul3A_84 = arith.mulf %sub3A_78, %sub3A_78 : vector<16x2048xf32>
      %add3A_85 = arith.addf %add3A_83, %mul3A_84 : vector<16x2048xf32>
      %min3A = arith.minimumf %scan3A_40, %add3A_85 : vector<16x2048xf32>
      %argmax3A = tpu.reduce_index %min3A {axis = 1 : i32, kind = #tpu.reduction_kind<arg_max>} : vector<16x2048xf32> -> vector<16xi32>
      %broadcast_in_dim3A_86 = vector.shape_cast %argmax3A : vector<16xi32> to vector<16x1xi32>
      scf.yield %min3A, %broadcast_in_dim3A_86, %select_n3A_66, %select_n3A_69, %select_n3A_72, %select_n3A_75 : vector<16x2048xf32>, vector<16x1xi32>, vector<16x512xi32>, vector<16x512xf32>, vector<16x512xf32>, vector<16x512xf32>
    }
    %scan3A_27 = arith.constant 512 : i32
    %swap3A = arith.constant 0 : index
    %swap3A_28 = arith.constant 0 : index
    %swap3A_29 = vector.load %arg3[%swap3A, %swap3A_28] : memref<16x512xi32, #tpu.memory_space<vmem>>, vector<16x512xi32>
    tpu.vector_store %arg3[%swap3A, %swap3A_28], %scan3A_26#2 {strides = array<i32>} : memref<16x512xi32, #tpu.memory_space<vmem>>, vector<16x512xi32>,
    %swap3A_30 = arith.constant 0 : index
    %swap3A_31 = arith.constant 0 : index
    %swap3A_32 = vector.load %arg4[%swap3A_30, %swap3A_31] : memref<16x512xf32, #tpu.memory_space<vmem>>, vector<16x512xf32>
    tpu.vector_store %arg4[%swap3A_30, %swap3A_31], %scan3A_26#3 {strides = array<i32>} : memref<16x512xf32, #tpu.memory_space<vmem>>, vector<16x512xf32>,
    %swap3A_33 = arith.constant 0 : index
    %swap3A_34 = arith.constant 0 : index
    %swap3A_35 = vector.load %arg5[%swap3A_33, %swap3A_34] : memref<16x512xf32, #tpu.memory_space<vmem>>, vector<16x512xf32>
    tpu.vector_store %arg5[%swap3A_33, %swap3A_34], %scan3A_26#4 {strides = array<i32>} : memref<16x512xf32, #tpu.memory_space<vmem>>, vector<16x512xf32>,
    %swap3A_36 = arith.constant 0 : index
    %swap3A_37 = arith.constant 0 : index
    %swap3A_38 = vector.load %arg6[%swap3A_36, %swap3A_37] : memref<16x512xf32, #tpu.memory_space<vmem>>, vector<16x512xf32>
    tpu.vector_store %arg6[%swap3A_36, %swap3A_37], %scan3A_26#5 {strides = array<i32>} : memref<16x512xf32, #tpu.memory_space<vmem>>, vector<16x512xf32>,
    return
  }
}

module attributes {stable_mosaic.version = 14 : i64} {
  func.func @_knn_body(%arg0: i32, %arg1: i32, %arg2: memref<1x1x2048xf32, #tpu.memory_space<vmem>>, %arg3: memref<1x1x2048xf32, #tpu.memory_space<vmem>>, %arg4: memref<1x1x2048xf32, #tpu.memory_space<vmem>>, %arg5: memref<1x128x3xf32, #tpu.memory_space<vmem>>, %arg6: memref<1x128x32xi32, #tpu.memory_space<vmem>>) attributes {dimension_semantics = [#tpu.dimension_semantics<arbitrary>, #tpu.dimension_semantics<arbitrary>], iteration_bounds = array<i64: 8, 4>, scalar_prefetch = 0 : i64, scratch_operands = 0 : i64, tpu.core_type = #tpu.core_type<tc>, window_params = [{transform_indices = @transform_0, window_bounds = array<i64: 1, 1, 2048>}, {transform_indices = @transform_1, window_bounds = array<i64: 1, 1, 2048>}, {transform_indices = @transform_2, window_bounds = array<i64: 1, 1, 2048>}, {transform_indices = @transform_3, window_bounds = array<i64: 1, 128, 3>}, {transform_indices = @transform_4, window_bounds = array<i64: 1, 128, 32>}]} {
    %add3A = arith.constant 8 : i32
    %add3A_0 = arith.addi %arg0, %add3A : i32
    %get3A = arith.constant 0 : index
    %get3A_1 = arith.constant 0 : index
    %get3A_2 = arith.constant 0 : index
    %get3A_3 = vector.load %arg2[%get3A, %get3A_1, %get3A_2] : memref<1x1x2048xf32, #tpu.memory_space<vmem>>, vector<1x1x2048xf32>
    %get3A_4 = vector.shape_cast %get3A_3 : vector<1x1x2048xf32> to vector<1x2048xf32>
    %get3A_5 = arith.constant 0 : index
    %get3A_6 = arith.constant 0 : index
    %get3A_7 = arith.constant 0 : index
    %get3A_8 = vector.load %arg3[%get3A_5, %get3A_6, %get3A_7] : memref<1x1x2048xf32, #tpu.memory_space<vmem>>, vector<1x1x2048xf32>
    %get3A_9 = vector.shape_cast %get3A_8 : vector<1x1x2048xf32> to vector<1x2048xf32>
    %get3A_10 = arith.constant 0 : index
    %get3A_11 = arith.constant 0 : index
    %get3A_12 = arith.constant 0 : index
    %get3A_13 = vector.load %arg4[%get3A_10, %get3A_11, %get3A_12] : memref<1x1x2048xf32, #tpu.memory_space<vmem>>, vector<1x1x2048xf32>
    %get3A_14 = vector.shape_cast %get3A_13 : vector<1x1x2048xf32> to vector<1x2048xf32>
    %get3A_15 = arith.constant 0 : index
    %get3A_16 = arith.constant 0 : index
    %get3A_17 = arith.constant 0 : index
    %get3A_18 = vector.load %arg5[%get3A_15, %get3A_16, %get3A_17] : memref<1x128x3xf32, #tpu.memory_space<vmem>>, vector<1x128x3xf32>
    %get3A_19 = vector.shape_cast %get3A_18 : vector<1x128x3xf32> to vector<128x3xf32>
    %slice3A = vector.extract_strided_slice %get3A_19 {offsets = [0, 0], sizes = [128, 1], strides = [1, 1]} : vector<128x3xf32> to vector<128x1xf32>
    %slice3A_20 = vector.extract_strided_slice %get3A_19 {offsets = [0, 1], sizes = [128, 1], strides = [1, 1]} : vector<128x3xf32> to vector<128x1xf32>
    %slice3A_21 = vector.extract_strided_slice %get3A_19 {offsets = [0, 2], sizes = [128, 1], strides = [1, 1]} : vector<128x3xf32> to vector<128x1xf32>
    %convert_element_type3A = arith.truncf %slice3A : vector<128x1xf32> to vector<128x1xbf16>
    %convert_element_type3A_22 = arith.extf %convert_element_type3A : vector<128x1xbf16> to vector<128x1xf32>
    %convert_element_type3A_23 = arith.truncf %get3A_4 : vector<1x2048xf32> to vector<1x2048xbf16>
    %convert_element_type3A_24 = arith.extf %convert_element_type3A_23 : vector<1x2048xbf16> to vector<1x2048xf32>
    %mul3A = vector.broadcast %convert_element_type3A_22 : vector<128x1xf32> to vector<128x2048xf32>
    %mul3A_25 = vector.broadcast %convert_element_type3A_24 : vector<1x2048xf32> to vector<128x2048xf32>
    %mul3A_26 = arith.mulf %mul3A, %mul3A_25 : vector<128x2048xf32>
    %convert_element_type3A_27 = arith.truncf %slice3A_20 : vector<128x1xf32> to vector<128x1xbf16>
    %convert_element_type3A_28 = arith.extf %convert_element_type3A_27 : vector<128x1xbf16> to vector<128x1xf32>
    %convert_element_type3A_29 = arith.truncf %get3A_9 : vector<1x2048xf32> to vector<1x2048xbf16>
    %convert_element_type3A_30 = arith.extf %convert_element_type3A_29 : vector<1x2048xbf16> to vector<1x2048xf32>
    %mul3A_31 = vector.broadcast %convert_element_type3A_28 : vector<128x1xf32> to vector<128x2048xf32>
    %mul3A_32 = vector.broadcast %convert_element_type3A_30 : vector<1x2048xf32> to vector<128x2048xf32>
    %mul3A_33 = arith.mulf %mul3A_31, %mul3A_32 : vector<128x2048xf32>
    %add3A_34 = arith.addf %mul3A_26, %mul3A_33 : vector<128x2048xf32>
    %convert_element_type3A_35 = arith.truncf %slice3A_21 : vector<128x1xf32> to vector<128x1xbf16>
    %convert_element_type3A_36 = arith.extf %convert_element_type3A_35 : vector<128x1xbf16> to vector<128x1xf32>
    %convert_element_type3A_37 = arith.truncf %get3A_14 : vector<1x2048xf32> to vector<1x2048xbf16>
    %convert_element_type3A_38 = arith.extf %convert_element_type3A_37 : vector<1x2048xbf16> to vector<1x2048xf32>
    %mul3A_39 = vector.broadcast %convert_element_type3A_36 : vector<128x1xf32> to vector<128x2048xf32>
    %mul3A_40 = vector.broadcast %convert_element_type3A_38 : vector<1x2048xf32> to vector<128x2048xf32>
    %mul3A_41 = arith.mulf %mul3A_39, %mul3A_40 : vector<128x2048xf32>
    %add3A_42 = arith.addf %add3A_34, %mul3A_41 : vector<128x2048xf32>
    %mul3A_43 = arith.mulf %slice3A, %slice3A : vector<128x1xf32>
    %mul3A_44 = arith.mulf %slice3A_20, %slice3A_20 : vector<128x1xf32>
    %add3A_45 = arith.addf %mul3A_43, %mul3A_44 : vector<128x1xf32>
    %mul3A_46 = arith.mulf %slice3A_21, %slice3A_21 : vector<128x1xf32>
    %add3A_47 = arith.addf %add3A_45, %mul3A_46 : vector<128x1xf32>
    %mul3A_48 = arith.mulf %get3A_4, %get3A_4 : vector<1x2048xf32>
    %mul3A_49 = arith.mulf %get3A_9, %get3A_9 : vector<1x2048xf32>
    %add3A_50 = arith.addf %mul3A_48, %mul3A_49 : vector<1x2048xf32>
    %mul3A_51 = arith.mulf %get3A_14, %get3A_14 : vector<1x2048xf32>
    %add3A_52 = arith.addf %add3A_50, %mul3A_51 : vector<1x2048xf32>
    %mul3A_53 = arith.constant 2.000000e+00 : f32
    %mul3A_54 = vector.broadcast %mul3A_53 : f32 to vector<128x2048xf32>
    %mul3A_55 = arith.mulf %mul3A_54, %add3A_42 : vector<128x2048xf32>
    %sub3A = vector.broadcast %add3A_47 : vector<128x1xf32> to vector<128x2048xf32>
    %sub3A_56 = arith.subf %sub3A, %mul3A_55 : vector<128x2048xf32>
    %add3A_57 = vector.broadcast %add3A_52 : vector<1x2048xf32> to vector<128x2048xf32>
    %add3A_58 = arith.addf %sub3A_56, %add3A_57 : vector<128x2048xf32>
    %iota3A = tpu.iota {dimensions = array<i32: 1>} : vector<128x2048xi32>
    %convert_element_type3A_59 = arith.sitofp %iota3A : vector<128x2048xi32> to vector<128x2048xf32>
    %mul3A_60 = arith.constant 2048 : i32
    %mul3A_61 = arith.muli %add3A_0, %mul3A_60 : i32
    %convert_element_type3A_62 = arith.sitofp %mul3A_61 : i32 to f32
    %add3A_63 = vector.broadcast %convert_element_type3A_62 : f32 to vector<128x2048xf32>
    %add3A_64 = arith.addf %convert_element_type3A_59, %add3A_63 : vector<128x2048xf32>
    %neg3A = arith.constant 0.000000e+00 : f32
    %neg3A_65 = arith.constant 0x7F800000 : f32
    %neg3A_66 = arith.subf %neg3A, %neg3A_65 : f32
    %broadcast_in_dim3A = vector.broadcast %neg3A_66 : f32 to vector<128x1xf32>
    %gt3A = vector.broadcast %broadcast_in_dim3A : vector<128x1xf32> to vector<128x2048xf32>
    %gt3A_67 = arith.cmpf ogt, %add3A_58, %gt3A : vector<128x2048xf32>
    %jit3A = arith.constant 0x7F800000 : f32
    %broadcast_in_dim3A_68 = vector.broadcast %jit3A : f32 to vector<128x2048xf32>
    %select_n3A = arith.select %gt3A_67, %add3A_58, %broadcast_in_dim3A_68 : vector<128x2048xi1>, vector<128x2048xf32>
    %reduce_min3A = arith.constant dense<0x7F800000> : vector<128xf32>
    %reduce_min3A_69 = vector.multi_reduction <minimumf>, %select_n3A, %reduce_min3A [1] : vector<128x2048xf32> to vector<128xf32>
    %broadcast_in_dim3A_70 = vector.shape_cast %reduce_min3A_69 : vector<128xf32> to vector<128x1xf32>
    %eq3A = vector.broadcast %broadcast_in_dim3A_70 : vector<128x1xf32> to vector<128x2048xf32>
    %eq3A_71 = arith.cmpf oeq, %add3A_58, %eq3A : vector<128x2048xf32>
    %jit3A_72 = arith.constant 3.000000e+38 : f32
    %broadcast_in_dim3A_73 = vector.broadcast %jit3A_72 : f32 to vector<128x2048xf32>
    %select_n3A_74 = arith.select %eq3A_71, %add3A_64, %broadcast_in_dim3A_73 : vector<128x2048xi1>, vector<128x2048xf32>
    %reduce_min3A_75 = arith.constant dense<0x7F800000> : vector<128xf32>
    %reduce_min3A_76 = vector.multi_reduction <minimumf>, %select_n3A_74, %reduce_min3A_75 [1] : vector<128x2048xf32> to vector<128xf32>
    %broadcast_in_dim3A_77 = vector.shape_cast %reduce_min3A_76 : vector<128xf32> to vector<128x1xf32>
    %convert_element_type3A_78 = arith.fptosi %broadcast_in_dim3A_77 : vector<128x1xf32> to vector<128x1xi32>
    %swap3A = arith.constant 0 : index
    %swap3A_79 = arith.constant 0 : index
    %swap3A_80 = arith.constant 0 : index
    %swap3A_81 = vector.load %arg6[%swap3A, %swap3A_79, %swap3A_80] : memref<1x128x32xi32, #tpu.memory_space<vmem>>, vector<1x128x1xi32>
    %swap3A_82 = vector.shape_cast %swap3A_81 : vector<1x128x1xi32> to vector<128x1xi32>
    %swap3A_83 = vector.shape_cast %convert_element_type3A_78 : vector<128x1xi32> to vector<1x128x1xi32>
    tpu.vector_store %arg6[%swap3A, %swap3A_79, %swap3A_80], %swap3A_83 {strides = array<i32>} : memref<1x128x32xi32, #tpu.memory_space<vmem>>, vector<1x128x1xi32>,
    %gt3A_84 = vector.broadcast %broadcast_in_dim3A_70 : vector<128x1xf32> to vector<128x2048xf32>
    %gt3A_85 = arith.cmpf ogt, %add3A_58, %gt3A_84 : vector<128x2048xf32>
    %jit3A_86 = arith.constant 0x7F800000 : f32
    %broadcast_in_dim3A_87 = vector.broadcast %jit3A_86 : f32 to vector<128x2048xf32>
    %select_n3A_88 = arith.select %gt3A_85, %add3A_58, %broadcast_in_dim3A_87 : vector<128x2048xi1>, vector<128x2048xf32>
    %reduce_min3A_89 = arith.constant dense<0x7F800000> : vector<128xf32>
    %reduce_min3A_90 = vector.multi_reduction <minimumf>, %select_n3A_88, %reduce_min3A_89 [1] : vector<128x2048xf32> to vector<128xf32>
    %broadcast_in_dim3A_91 = vector.shape_cast %reduce_min3A_90 : vector<128xf32> to vector<128x1xf32>
    %eq3A_92 = vector.broadcast %broadcast_in_dim3A_91 : vector<128x1xf32> to vector<128x2048xf32>
    %eq3A_93 = arith.cmpf oeq, %add3A_58, %eq3A_92 : vector<128x2048xf32>
    %jit3A_94 = arith.constant 3.000000e+38 : f32
    %broadcast_in_dim3A_95 = vector.broadcast %jit3A_94 : f32 to vector<128x2048xf32>
    %select_n3A_96 = arith.select %eq3A_93, %add3A_64, %broadcast_in_dim3A_95 : vector<128x2048xi1>, vector<128x2048xf32>
    %reduce_min3A_97 = arith.constant dense<0x7F800000> : vector<128xf32>
    %reduce_min3A_98 = vector.multi_reduction <minimumf>, %select_n3A_96, %reduce_min3A_97 [1] : vector<128x2048xf32> to vector<128xf32>
    %broadcast_in_dim3A_99 = vector.shape_cast %reduce_min3A_98 : vector<128xf32> to vector<128x1xf32>
    %convert_element_type3A_100 = arith.fptosi %broadcast_in_dim3A_99 : vector<128x1xf32> to vector<128x1xi32>
    %swap3A_101 = arith.constant 0 : index
    %swap3A_102 = arith.constant 0 : index
    %swap3A_103 = arith.constant 1 : index
    %swap3A_104 = vector.load %arg6[%swap3A_101, %swap3A_102, %swap3A_103] : memref<1x128x32xi32, #tpu.memory_space<vmem>>, vector<1x128x1xi32>
    %swap3A_105 = vector.shape_cast %swap3A_104 : vector<1x128x1xi32> to vector<128x1xi32>
    %swap3A_106 = vector.shape_cast %convert_element_type3A_100 : vector<128x1xi32> to vector<1x128x1xi32>
    tpu.vector_store %arg6[%swap3A_101, %swap3A_102, %swap3A_103], %swap3A_106 {strides = array<i32>} : memref<1x128x32xi32, #tpu.memory_space<vmem>>, vector<1x128x1xi32>,
    %gt3A_107 = vector.broadcast %broadcast_in_dim3A_91 : vector<128x1xf32> to vector<128x2048xf32>
    %gt3A_108 = arith.cmpf ogt, %add3A_58, %gt3A_107 : vector<128x2048xf32>
    %jit3A_109 = arith.constant 0x7F800000 : f32
    %broadcast_in_dim3A_110 = vector.broadcast %jit3A_109 : f32 to vector<128x2048xf32>
    %select_n3A_111 = arith.select %gt3A_108, %add3A_58, %broadcast_in_dim3A_110 : vector<128x2048xi1>, vector<128x2048xf32>
    %reduce_min3A_112 = arith.constant dense<0x7F800000> : vector<128xf32>
    %reduce_min3A_113 = vector.multi_reduction <minimumf>, %select_n3A_111, %reduce_min3A_112 [1] : vector<128x2048xf32> to vector<128xf32>
    %broadcast_in_dim3A_114 = vector.shape_cast %reduce_min3A_113 : vector<128xf32> to vector<128x1xf32>
    %eq3A_115 = vector.broadcast %broadcast_in_dim3A_114 : vector<128x1xf32> to vector<128x2048xf32>
    %eq3A_116 = arith.cmpf oeq, %add3A_58, %eq3A_115 : vector<128x2048xf32>
    %jit3A_117 = arith.constant 3.000000e+38 : f32
    %broadcast_in_dim3A_118 = vector.broadcast %jit3A_117 : f32 to vector<128x2048xf32>
    %select_n3A_119 = arith.select %eq3A_116, %add3A_64, %broadcast_in_dim3A_118 : vector<128x2048xi1>, vector<128x2048xf32>
    %reduce_min3A_120 = arith.constant dense<0x7F800000> : vector<128xf32>
    %reduce_min3A_121 = vector.multi_reduction <minimumf>, %select_n3A_119, %reduce_min3A_120 [1] : vector<128x2048xf32> to vector<128xf32>
    %broadcast_in_dim3A_122 = vector.shape_cast %reduce_min3A_121 : vector<128xf32> to vector<128x1xf32>
    %convert_element_type3A_123 = arith.fptosi %broadcast_in_dim3A_122 : vector<128x1xf32> to vector<128x1xi32>
    %swap3A_124 = arith.constant 0 : index
    %swap3A_125 = arith.constant 0 : index
    %swap3A_126 = arith.constant 2 : index
    %swap3A_127 = vector.load %arg6[%swap3A_124, %swap3A_125, %swap3A_126] : memref<1x128x32xi32, #tpu.memory_space<vmem>>, vector<1x128x1xi32>
    %swap3A_128 = vector.shape_cast %swap3A_127 : vector<1x128x1xi32> to vector<128x1xi32>
    %swap3A_129 = vector.shape_cast %convert_element_type3A_123 : vector<128x1xi32> to vector<1x128x1xi32>
    tpu.vector_store %arg6[%swap3A_124, %swap3A_125, %swap3A_126], %swap3A_129 {strides = array<i32>} : memref<1x128x32xi32, #tpu.memory_space<vmem>>, vector<1x128x1xi32>,
    %gt3A_130 = vector.broadcast %broadcast_in_dim3A_114 : vector<128x1xf32> to vector<128x2048xf32>
    %gt3A_131 = arith.cmpf ogt, %add3A_58, %gt3A_130 : vector<128x2048xf32>
    %jit3A_132 = arith.constant 0x7F800000 : f32
    %broadcast_in_dim3A_133 = vector.broadcast %jit3A_132 : f32 to vector<128x2048xf32>
    %select_n3A_134 = arith.select %gt3A_131, %add3A_58, %broadcast_in_dim3A_133 : vector<128x2048xi1>, vector<128x2048xf32>
    %reduce_min3A_135 = arith.constant dense<0x7F800000> : vector<128xf32>
    %reduce_min3A_136 = vector.multi_reduction <minimumf>, %select_n3A_134, %reduce_min3A_135 [1] : vector<128x2048xf32> to vector<128xf32>
    %broadcast_in_dim3A_137 = vector.shape_cast %reduce_min3A_136 : vector<128xf32> to vector<128x1xf32>
    %eq3A_138 = vector.broadcast %broadcast_in_dim3A_137 : vector<128x1xf32> to vector<128x2048xf32>
    %eq3A_139 = arith.cmpf oeq, %add3A_58, %eq3A_138 : vector<128x2048xf32>
    %jit3A_140 = arith.constant 3.000000e+38 : f32
    %broadcast_in_dim3A_141 = vector.broadcast %jit3A_140 : f32 to vector<128x2048xf32>
    %select_n3A_142 = arith.select %eq3A_139, %add3A_64, %broadcast_in_dim3A_141 : vector<128x2048xi1>, vector<128x2048xf32>
    %reduce_min3A_143 = arith.constant dense<0x7F800000> : vector<128xf32>
    %reduce_min3A_144 = vector.multi_reduction <minimumf>, %select_n3A_142, %reduce_min3A_143 [1] : vector<128x2048xf32> to vector<128xf32>
    %broadcast_in_dim3A_145 = vector.shape_cast %reduce_min3A_144 : vector<128xf32> to vector<128x1xf32>
    %convert_element_type3A_146 = arith.fptosi %broadcast_in_dim3A_145 : vector<128x1xf32> to vector<128x1xi32>
    %swap3A_147 = arith.constant 0 : index
    %swap3A_148 = arith.constant 0 : index
    %swap3A_149 = arith.constant 3 : index
    %swap3A_150 = vector.load %arg6[%swap3A_147, %swap3A_148, %swap3A_149] : memref<1x128x32xi32, #tpu.memory_space<vmem>>, vector<1x128x1xi32>
    %swap3A_151 = vector.shape_cast %swap3A_150 : vector<1x128x1xi32> to vector<128x1xi32>
    %swap3A_152 = vector.shape_cast %convert_element_type3A_146 : vector<128x1xi32> to vector<1x128x1xi32>
    tpu.vector_store %arg6[%swap3A_147, %swap3A_148, %swap3A_149], %swap3A_152 {strides = array<i32>} : memref<1x128x32xi32, #tpu.memory_space<vmem>>, vector<1x128x1xi32>,
    %gt3A_153 = vector.broadcast %broadcast_in_dim3A_137 : vector<128x1xf32> to vector<128x2048xf32>
    %gt3A_154 = arith.cmpf ogt, %add3A_58, %gt3A_153 : vector<128x2048xf32>
    %jit3A_155 = arith.constant 0x7F800000 : f32
    %broadcast_in_dim3A_156 = vector.broadcast %jit3A_155 : f32 to vector<128x2048xf32>
    %select_n3A_157 = arith.select %gt3A_154, %add3A_58, %broadcast_in_dim3A_156 : vector<128x2048xi1>, vector<128x2048xf32>
    %reduce_min3A_158 = arith.constant dense<0x7F800000> : vector<128xf32>
    %reduce_min3A_159 = vector.multi_reduction <minimumf>, %select_n3A_157, %reduce_min3A_158 [1] : vector<128x2048xf32> to vector<128xf32>
    %broadcast_in_dim3A_160 = vector.shape_cast %reduce_min3A_159 : vector<128xf32> to vector<128x1xf32>
    %eq3A_161 = vector.broadcast %broadcast_in_dim3A_160 : vector<128x1xf32> to vector<128x2048xf32>
    %eq3A_162 = arith.cmpf oeq, %add3A_58, %eq3A_161 : vector<128x2048xf32>
    %jit3A_163 = arith.constant 3.000000e+38 : f32
    %broadcast_in_dim3A_164 = vector.broadcast %jit3A_163 : f32 to vector<128x2048xf32>
    %select_n3A_165 = arith.select %eq3A_162, %add3A_64, %broadcast_in_dim3A_164 : vector<128x2048xi1>, vector<128x2048xf32>
    %reduce_min3A_166 = arith.constant dense<0x7F800000> : vector<128xf32>
    %reduce_min3A_167 = vector.multi_reduction <minimumf>, %select_n3A_165, %reduce_min3A_166 [1] : vector<128x2048xf32> to vector<128xf32>
    %broadcast_in_dim3A_168 = vector.shape_cast %reduce_min3A_167 : vector<128xf32> to vector<128x1xf32>
    %convert_element_type3A_169 = arith.fptosi %broadcast_in_dim3A_168 : vector<128x1xf32> to vector<128x1xi32>
    %swap3A_170 = arith.constant 0 : index
    %swap3A_171 = arith.constant 0 : index
    %swap3A_172 = arith.constant 4 : index
    %swap3A_173 = vector.load %arg6[%swap3A_170, %swap3A_171, %swap3A_172] : memref<1x128x32xi32, #tpu.memory_space<vmem>>, vector<1x128x1xi32>
    %swap3A_174 = vector.shape_cast %swap3A_173 : vector<1x128x1xi32> to vector<128x1xi32>
    %swap3A_175 = vector.shape_cast %convert_element_type3A_169 : vector<128x1xi32> to vector<1x128x1xi32>
    tpu.vector_store %arg6[%swap3A_170, %swap3A_171, %swap3A_172], %swap3A_175 {strides = array<i32>} : memref<1x128x32xi32, #tpu.memory_space<vmem>>, vector<1x128x1xi32>,
    %gt3A_176 = vector.broadcast %broadcast_in_dim3A_160 : vector<128x1xf32> to vector<128x2048xf32>
    %gt3A_177 = arith.cmpf ogt, %add3A_58, %gt3A_176 : vector<128x2048xf32>
    %jit3A_178 = arith.constant 0x7F800000 : f32
    %broadcast_in_dim3A_179 = vector.broadcast %jit3A_178 : f32 to vector<128x2048xf32>
    %select_n3A_180 = arith.select %gt3A_177, %add3A_58, %broadcast_in_dim3A_179 : vector<128x2048xi1>, vector<128x2048xf32>
    %reduce_min3A_181 = arith.constant dense<0x7F800000> : vector<128xf32>
    %reduce_min3A_182 = vector.multi_reduction <minimumf>, %select_n3A_180, %reduce_min3A_181 [1] : vector<128x2048xf32> to vector<128xf32>
    %broadcast_in_dim3A_183 = vector.shape_cast %reduce_min3A_182 : vector<128xf32> to vector<128x1xf32>
    %eq3A_184 = vector.broadcast %broadcast_in_dim3A_183 : vector<128x1xf32> to vector<128x2048xf32>
    %eq3A_185 = arith.cmpf oeq, %add3A_58, %eq3A_184 : vector<128x2048xf32>
    %jit3A_186 = arith.constant 3.000000e+38 : f32
    %broadcast_in_dim3A_187 = vector.broadcast %jit3A_186 : f32 to vector<128x2048xf32>
    %select_n3A_188 = arith.select %eq3A_185, %add3A_64, %broadcast_in_dim3A_187 : vector<128x2048xi1>, vector<128x2048xf32>
    %reduce_min3A_189 = arith.constant dense<0x7F800000> : vector<128xf32>
    %reduce_min3A_190 = vector.multi_reduction <minimumf>, %select_n3A_188, %reduce_min3A_189 [1] : vector<128x2048xf32> to vector<128xf32>
    %broadcast_in_dim3A_191 = vector.shape_cast %reduce_min3A_190 : vector<128xf32> to vector<128x1xf32>
    %convert_element_type3A_192 = arith.fptosi %broadcast_in_dim3A_191 : vector<128x1xf32> to vector<128x1xi32>
    %swap3A_193 = arith.constant 0 : index
    %swap3A_194 = arith.constant 0 : index
    %swap3A_195 = arith.constant 5 : index
    %swap3A_196 = vector.load %arg6[%swap3A_193, %swap3A_194, %swap3A_195] : memref<1x128x32xi32, #tpu.memory_space<vmem>>, vector<1x128x1xi32>
    %swap3A_197 = vector.shape_cast %swap3A_196 : vector<1x128x1xi32> to vector<128x1xi32>
    %swap3A_198 = vector.shape_cast %convert_element_type3A_192 : vector<128x1xi32> to vector<1x128x1xi32>
    tpu.vector_store %arg6[%swap3A_193, %swap3A_194, %swap3A_195], %swap3A_198 {strides = array<i32>} : memref<1x128x32xi32, #tpu.memory_space<vmem>>, vector<1x128x1xi32>,
    %gt3A_199 = vector.broadcast %broadcast_in_dim3A_183 : vector<128x1xf32> to vector<128x2048xf32>
    %gt3A_200 = arith.cmpf ogt, %add3A_58, %gt3A_199 : vector<128x2048xf32>
    %jit3A_201 = arith.constant 0x7F800000 : f32
    %broadcast_in_dim3A_202 = vector.broadcast %jit3A_201 : f32 to vector<128x2048xf32>
    %select_n3A_203 = arith.select %gt3A_200, %add3A_58, %broadcast_in_dim3A_202 : vector<128x2048xi1>, vector<128x2048xf32>
    %reduce_min3A_204 = arith.constant dense<0x7F800000> : vector<128xf32>
    %reduce_min3A_205 = vector.multi_reduction <minimumf>, %select_n3A_203, %reduce_min3A_204 [1] : vector<128x2048xf32> to vector<128xf32>
    %broadcast_in_dim3A_206 = vector.shape_cast %reduce_min3A_205 : vector<128xf32> to vector<128x1xf32>
    %eq3A_207 = vector.broadcast %broadcast_in_dim3A_206 : vector<128x1xf32> to vector<128x2048xf32>
    %eq3A_208 = arith.cmpf oeq, %add3A_58, %eq3A_207 : vector<128x2048xf32>
    %jit3A_209 = arith.constant 3.000000e+38 : f32
    %broadcast_in_dim3A_210 = vector.broadcast %jit3A_209 : f32 to vector<128x2048xf32>
    %select_n3A_211 = arith.select %eq3A_208, %add3A_64, %broadcast_in_dim3A_210 : vector<128x2048xi1>, vector<128x2048xf32>
    %reduce_min3A_212 = arith.constant dense<0x7F800000> : vector<128xf32>
    %reduce_min3A_213 = vector.multi_reduction <minimumf>, %select_n3A_211, %reduce_min3A_212 [1] : vector<128x2048xf32> to vector<128xf32>
    %broadcast_in_dim3A_214 = vector.shape_cast %reduce_min3A_213 : vector<128xf32> to vector<128x1xf32>
    %convert_element_type3A_215 = arith.fptosi %broadcast_in_dim3A_214 : vector<128x1xf32> to vector<128x1xi32>
    %swap3A_216 = arith.constant 0 : index
    %swap3A_217 = arith.constant 0 : index
    %swap3A_218 = arith.constant 6 : index
    %swap3A_219 = vector.load %arg6[%swap3A_216, %swap3A_217, %swap3A_218] : memref<1x128x32xi32, #tpu.memory_space<vmem>>, vector<1x128x1xi32>
    %swap3A_220 = vector.shape_cast %swap3A_219 : vector<1x128x1xi32> to vector<128x1xi32>
    %swap3A_221 = vector.shape_cast %convert_element_type3A_215 : vector<128x1xi32> to vector<1x128x1xi32>
    tpu.vector_store %arg6[%swap3A_216, %swap3A_217, %swap3A_218], %swap3A_221 {strides = array<i32>} : memref<1x128x32xi32, #tpu.memory_space<vmem>>, vector<1x128x1xi32>,
    %gt3A_222 = vector.broadcast %broadcast_in_dim3A_206 : vector<128x1xf32> to vector<128x2048xf32>
    %gt3A_223 = arith.cmpf ogt, %add3A_58, %gt3A_222 : vector<128x2048xf32>
    %jit3A_224 = arith.constant 0x7F800000 : f32
    %broadcast_in_dim3A_225 = vector.broadcast %jit3A_224 : f32 to vector<128x2048xf32>
    %select_n3A_226 = arith.select %gt3A_223, %add3A_58, %broadcast_in_dim3A_225 : vector<128x2048xi1>, vector<128x2048xf32>
    %reduce_min3A_227 = arith.constant dense<0x7F800000> : vector<128xf32>
    %reduce_min3A_228 = vector.multi_reduction <minimumf>, %select_n3A_226, %reduce_min3A_227 [1] : vector<128x2048xf32> to vector<128xf32>
    %broadcast_in_dim3A_229 = vector.shape_cast %reduce_min3A_228 : vector<128xf32> to vector<128x1xf32>
    %eq3A_230 = vector.broadcast %broadcast_in_dim3A_229 : vector<128x1xf32> to vector<128x2048xf32>
    %eq3A_231 = arith.cmpf oeq, %add3A_58, %eq3A_230 : vector<128x2048xf32>
    %jit3A_232 = arith.constant 3.000000e+38 : f32
    %broadcast_in_dim3A_233 = vector.broadcast %jit3A_232 : f32 to vector<128x2048xf32>
    %select_n3A_234 = arith.select %eq3A_231, %add3A_64, %broadcast_in_dim3A_233 : vector<128x2048xi1>, vector<128x2048xf32>
    %reduce_min3A_235 = arith.constant dense<0x7F800000> : vector<128xf32>
    %reduce_min3A_236 = vector.multi_reduction <minimumf>, %select_n3A_234, %reduce_min3A_235 [1] : vector<128x2048xf32> to vector<128xf32>
    %broadcast_in_dim3A_237 = vector.shape_cast %reduce_min3A_236 : vector<128xf32> to vector<128x1xf32>
    %convert_element_type3A_238 = arith.fptosi %broadcast_in_dim3A_237 : vector<128x1xf32> to vector<128x1xi32>
    %swap3A_239 = arith.constant 0 : index
    %swap3A_240 = arith.constant 0 : index
    %swap3A_241 = arith.constant 7 : index
    %swap3A_242 = vector.load %arg6[%swap3A_239, %swap3A_240, %swap3A_241] : memref<1x128x32xi32, #tpu.memory_space<vmem>>, vector<1x128x1xi32>
    %swap3A_243 = vector.shape_cast %swap3A_242 : vector<1x128x1xi32> to vector<128x1xi32>
    %swap3A_244 = vector.shape_cast %convert_element_type3A_238 : vector<128x1xi32> to vector<1x128x1xi32>
    tpu.vector_store %arg6[%swap3A_239, %swap3A_240, %swap3A_241], %swap3A_244 {strides = array<i32>} : memref<1x128x32xi32, #tpu.memory_space<vmem>>, vector<1x128x1xi32>,
    %gt3A_245 = vector.broadcast %broadcast_in_dim3A_229 : vector<128x1xf32> to vector<128x2048xf32>
    %gt3A_246 = arith.cmpf ogt, %add3A_58, %gt3A_245 : vector<128x2048xf32>
    %jit3A_247 = arith.constant 0x7F800000 : f32
    %broadcast_in_dim3A_248 = vector.broadcast %jit3A_247 : f32 to vector<128x2048xf32>
    %select_n3A_249 = arith.select %gt3A_246, %add3A_58, %broadcast_in_dim3A_248 : vector<128x2048xi1>, vector<128x2048xf32>
    %reduce_min3A_250 = arith.constant dense<0x7F800000> : vector<128xf32>
    %reduce_min3A_251 = vector.multi_reduction <minimumf>, %select_n3A_249, %reduce_min3A_250 [1] : vector<128x2048xf32> to vector<128xf32>
    %broadcast_in_dim3A_252 = vector.shape_cast %reduce_min3A_251 : vector<128xf32> to vector<128x1xf32>
    %eq3A_253 = vector.broadcast %broadcast_in_dim3A_252 : vector<128x1xf32> to vector<128x2048xf32>
    %eq3A_254 = arith.cmpf oeq, %add3A_58, %eq3A_253 : vector<128x2048xf32>
    %jit3A_255 = arith.constant 3.000000e+38 : f32
    %broadcast_in_dim3A_256 = vector.broadcast %jit3A_255 : f32 to vector<128x2048xf32>
    %select_n3A_257 = arith.select %eq3A_254, %add3A_64, %broadcast_in_dim3A_256 : vector<128x2048xi1>, vector<128x2048xf32>
    %reduce_min3A_258 = arith.constant dense<0x7F800000> : vector<128xf32>
    %reduce_min3A_259 = vector.multi_reduction <minimumf>, %select_n3A_257, %reduce_min3A_258 [1] : vector<128x2048xf32> to vector<128xf32>
    %broadcast_in_dim3A_260 = vector.shape_cast %reduce_min3A_259 : vector<128xf32> to vector<128x1xf32>
    %convert_element_type3A_261 = arith.fptosi %broadcast_in_dim3A_260 : vector<128x1xf32> to vector<128x1xi32>
    %swap3A_262 = arith.constant 0 : index
    %swap3A_263 = arith.constant 0 : index
    %swap3A_264 = arith.constant 8 : index
    %swap3A_265 = vector.load %arg6[%swap3A_262, %swap3A_263, %swap3A_264] : memref<1x128x32xi32, #tpu.memory_space<vmem>>, vector<1x128x1xi32>
    %swap3A_266 = vector.shape_cast %swap3A_265 : vector<1x128x1xi32> to vector<128x1xi32>
    %swap3A_267 = vector.shape_cast %convert_element_type3A_261 : vector<128x1xi32> to vector<1x128x1xi32>
    tpu.vector_store %arg6[%swap3A_262, %swap3A_263, %swap3A_264], %swap3A_267 {strides = array<i32>} : memref<1x128x32xi32, #tpu.memory_space<vmem>>, vector<1x128x1xi32>,
    %gt3A_268 = vector.broadcast %broadcast_in_dim3A_252 : vector<128x1xf32> to vector<128x2048xf32>
    %gt3A_269 = arith.cmpf ogt, %add3A_58, %gt3A_268 : vector<128x2048xf32>
    %jit3A_270 = arith.constant 0x7F800000 : f32
    %broadcast_in_dim3A_271 = vector.broadcast %jit3A_270 : f32 to vector<128x2048xf32>
    %select_n3A_272 = arith.select %gt3A_269, %add3A_58, %broadcast_in_dim3A_271 : vector<128x2048xi1>, vector<128x2048xf32>
    %reduce_min3A_273 = arith.constant dense<0x7F800000> : vector<128xf32>
    %reduce_min3A_274 = vector.multi_reduction <minimumf>, %select_n3A_272, %reduce_min3A_273 [1] : vector<128x2048xf32> to vector<128xf32>
    %broadcast_in_dim3A_275 = vector.shape_cast %reduce_min3A_274 : vector<128xf32> to vector<128x1xf32>
    %eq3A_276 = vector.broadcast %broadcast_in_dim3A_275 : vector<128x1xf32> to vector<128x2048xf32>
    %eq3A_277 = arith.cmpf oeq, %add3A_58, %eq3A_276 : vector<128x2048xf32>
    %jit3A_278 = arith.constant 3.000000e+38 : f32
    %broadcast_in_dim3A_279 = vector.broadcast %jit3A_278 : f32 to vector<128x2048xf32>
    %select_n3A_280 = arith.select %eq3A_277, %add3A_64, %broadcast_in_dim3A_279 : vector<128x2048xi1>, vector<128x2048xf32>
    %reduce_min3A_281 = arith.constant dense<0x7F800000> : vector<128xf32>
    %reduce_min3A_282 = vector.multi_reduction <minimumf>, %select_n3A_280, %reduce_min3A_281 [1] : vector<128x2048xf32> to vector<128xf32>
    %broadcast_in_dim3A_283 = vector.shape_cast %reduce_min3A_282 : vector<128xf32> to vector<128x1xf32>
    %convert_element_type3A_284 = arith.fptosi %broadcast_in_dim3A_283 : vector<128x1xf32> to vector<128x1xi32>
    %swap3A_285 = arith.constant 0 : index
    %swap3A_286 = arith.constant 0 : index
    %swap3A_287 = arith.constant 9 : index
    %swap3A_288 = vector.load %arg6[%swap3A_285, %swap3A_286, %swap3A_287] : memref<1x128x32xi32, #tpu.memory_space<vmem>>, vector<1x128x1xi32>
    %swap3A_289 = vector.shape_cast %swap3A_288 : vector<1x128x1xi32> to vector<128x1xi32>
    %swap3A_290 = vector.shape_cast %convert_element_type3A_284 : vector<128x1xi32> to vector<1x128x1xi32>
    tpu.vector_store %arg6[%swap3A_285, %swap3A_286, %swap3A_287], %swap3A_290 {strides = array<i32>} : memref<1x128x32xi32, #tpu.memory_space<vmem>>, vector<1x128x1xi32>,
    %gt3A_291 = vector.broadcast %broadcast_in_dim3A_275 : vector<128x1xf32> to vector<128x2048xf32>
    %gt3A_292 = arith.cmpf ogt, %add3A_58, %gt3A_291 : vector<128x2048xf32>
    %jit3A_293 = arith.constant 0x7F800000 : f32
    %broadcast_in_dim3A_294 = vector.broadcast %jit3A_293 : f32 to vector<128x2048xf32>
    %select_n3A_295 = arith.select %gt3A_292, %add3A_58, %broadcast_in_dim3A_294 : vector<128x2048xi1>, vector<128x2048xf32>
    %reduce_min3A_296 = arith.constant dense<0x7F800000> : vector<128xf32>
    %reduce_min3A_297 = vector.multi_reduction <minimumf>, %select_n3A_295, %reduce_min3A_296 [1] : vector<128x2048xf32> to vector<128xf32>
    %broadcast_in_dim3A_298 = vector.shape_cast %reduce_min3A_297 : vector<128xf32> to vector<128x1xf32>
    %eq3A_299 = vector.broadcast %broadcast_in_dim3A_298 : vector<128x1xf32> to vector<128x2048xf32>
    %eq3A_300 = arith.cmpf oeq, %add3A_58, %eq3A_299 : vector<128x2048xf32>
    %jit3A_301 = arith.constant 3.000000e+38 : f32
    %broadcast_in_dim3A_302 = vector.broadcast %jit3A_301 : f32 to vector<128x2048xf32>
    %select_n3A_303 = arith.select %eq3A_300, %add3A_64, %broadcast_in_dim3A_302 : vector<128x2048xi1>, vector<128x2048xf32>
    %reduce_min3A_304 = arith.constant dense<0x7F800000> : vector<128xf32>
    %reduce_min3A_305 = vector.multi_reduction <minimumf>, %select_n3A_303, %reduce_min3A_304 [1] : vector<128x2048xf32> to vector<128xf32>
    %broadcast_in_dim3A_306 = vector.shape_cast %reduce_min3A_305 : vector<128xf32> to vector<128x1xf32>
    %convert_element_type3A_307 = arith.fptosi %broadcast_in_dim3A_306 : vector<128x1xf32> to vector<128x1xi32>
    %swap3A_308 = arith.constant 0 : index
    %swap3A_309 = arith.constant 0 : index
    %swap3A_310 = arith.constant 10 : index
    %swap3A_311 = vector.load %arg6[%swap3A_308, %swap3A_309, %swap3A_310] : memref<1x128x32xi32, #tpu.memory_space<vmem>>, vector<1x128x1xi32>
    %swap3A_312 = vector.shape_cast %swap3A_311 : vector<1x128x1xi32> to vector<128x1xi32>
    %swap3A_313 = vector.shape_cast %convert_element_type3A_307 : vector<128x1xi32> to vector<1x128x1xi32>
    tpu.vector_store %arg6[%swap3A_308, %swap3A_309, %swap3A_310], %swap3A_313 {strides = array<i32>} : memref<1x128x32xi32, #tpu.memory_space<vmem>>, vector<1x128x1xi32>,
    %gt3A_314 = vector.broadcast %broadcast_in_dim3A_298 : vector<128x1xf32> to vector<128x2048xf32>
    %gt3A_315 = arith.cmpf ogt, %add3A_58, %gt3A_314 : vector<128x2048xf32>
    %jit3A_316 = arith.constant 0x7F800000 : f32
    %broadcast_in_dim3A_317 = vector.broadcast %jit3A_316 : f32 to vector<128x2048xf32>
    %select_n3A_318 = arith.select %gt3A_315, %add3A_58, %broadcast_in_dim3A_317 : vector<128x2048xi1>, vector<128x2048xf32>
    %reduce_min3A_319 = arith.constant dense<0x7F800000> : vector<128xf32>
    %reduce_min3A_320 = vector.multi_reduction <minimumf>, %select_n3A_318, %reduce_min3A_319 [1] : vector<128x2048xf32> to vector<128xf32>
    %broadcast_in_dim3A_321 = vector.shape_cast %reduce_min3A_320 : vector<128xf32> to vector<128x1xf32>
    %eq3A_322 = vector.broadcast %broadcast_in_dim3A_321 : vector<128x1xf32> to vector<128x2048xf32>
    %eq3A_323 = arith.cmpf oeq, %add3A_58, %eq3A_322 : vector<128x2048xf32>
    %jit3A_324 = arith.constant 3.000000e+38 : f32
    %broadcast_in_dim3A_325 = vector.broadcast %jit3A_324 : f32 to vector<128x2048xf32>
    %select_n3A_326 = arith.select %eq3A_323, %add3A_64, %broadcast_in_dim3A_325 : vector<128x2048xi1>, vector<128x2048xf32>
    %reduce_min3A_327 = arith.constant dense<0x7F800000> : vector<128xf32>
    %reduce_min3A_328 = vector.multi_reduction <minimumf>, %select_n3A_326, %reduce_min3A_327 [1] : vector<128x2048xf32> to vector<128xf32>
    %broadcast_in_dim3A_329 = vector.shape_cast %reduce_min3A_328 : vector<128xf32> to vector<128x1xf32>
    %convert_element_type3A_330 = arith.fptosi %broadcast_in_dim3A_329 : vector<128x1xf32> to vector<128x1xi32>
    %swap3A_331 = arith.constant 0 : index
    %swap3A_332 = arith.constant 0 : index
    %swap3A_333 = arith.constant 11 : index
    %swap3A_334 = vector.load %arg6[%swap3A_331, %swap3A_332, %swap3A_333] : memref<1x128x32xi32, #tpu.memory_space<vmem>>, vector<1x128x1xi32>
    %swap3A_335 = vector.shape_cast %swap3A_334 : vector<1x128x1xi32> to vector<128x1xi32>
    %swap3A_336 = vector.shape_cast %convert_element_type3A_330 : vector<128x1xi32> to vector<1x128x1xi32>
    tpu.vector_store %arg6[%swap3A_331, %swap3A_332, %swap3A_333], %swap3A_336 {strides = array<i32>} : memref<1x128x32xi32, #tpu.memory_space<vmem>>, vector<1x128x1xi32>,
    %gt3A_337 = vector.broadcast %broadcast_in_dim3A_321 : vector<128x1xf32> to vector<128x2048xf32>
    %gt3A_338 = arith.cmpf ogt, %add3A_58, %gt3A_337 : vector<128x2048xf32>
    %jit3A_339 = arith.constant 0x7F800000 : f32
    %broadcast_in_dim3A_340 = vector.broadcast %jit3A_339 : f32 to vector<128x2048xf32>
    %select_n3A_341 = arith.select %gt3A_338, %add3A_58, %broadcast_in_dim3A_340 : vector<128x2048xi1>, vector<128x2048xf32>
    %reduce_min3A_342 = arith.constant dense<0x7F800000> : vector<128xf32>
    %reduce_min3A_343 = vector.multi_reduction <minimumf>, %select_n3A_341, %reduce_min3A_342 [1] : vector<128x2048xf32> to vector<128xf32>
    %broadcast_in_dim3A_344 = vector.shape_cast %reduce_min3A_343 : vector<128xf32> to vector<128x1xf32>
    %eq3A_345 = vector.broadcast %broadcast_in_dim3A_344 : vector<128x1xf32> to vector<128x2048xf32>
    %eq3A_346 = arith.cmpf oeq, %add3A_58, %eq3A_345 : vector<128x2048xf32>
    %jit3A_347 = arith.constant 3.000000e+38 : f32
    %broadcast_in_dim3A_348 = vector.broadcast %jit3A_347 : f32 to vector<128x2048xf32>
    %select_n3A_349 = arith.select %eq3A_346, %add3A_64, %broadcast_in_dim3A_348 : vector<128x2048xi1>, vector<128x2048xf32>
    %reduce_min3A_350 = arith.constant dense<0x7F800000> : vector<128xf32>
    %reduce_min3A_351 = vector.multi_reduction <minimumf>, %select_n3A_349, %reduce_min3A_350 [1] : vector<128x2048xf32> to vector<128xf32>
    %broadcast_in_dim3A_352 = vector.shape_cast %reduce_min3A_351 : vector<128xf32> to vector<128x1xf32>
    %convert_element_type3A_353 = arith.fptosi %broadcast_in_dim3A_352 : vector<128x1xf32> to vector<128x1xi32>
    %swap3A_354 = arith.constant 0 : index
    %swap3A_355 = arith.constant 0 : index
    %swap3A_356 = arith.constant 12 : index
    %swap3A_357 = vector.load %arg6[%swap3A_354, %swap3A_355, %swap3A_356] : memref<1x128x32xi32, #tpu.memory_space<vmem>>, vector<1x128x1xi32>
    %swap3A_358 = vector.shape_cast %swap3A_357 : vector<1x128x1xi32> to vector<128x1xi32>
    %swap3A_359 = vector.shape_cast %convert_element_type3A_353 : vector<128x1xi32> to vector<1x128x1xi32>
    tpu.vector_store %arg6[%swap3A_354, %swap3A_355, %swap3A_356], %swap3A_359 {strides = array<i32>} : memref<1x128x32xi32, #tpu.memory_space<vmem>>, vector<1x128x1xi32>,
    %gt3A_360 = vector.broadcast %broadcast_in_dim3A_344 : vector<128x1xf32> to vector<128x2048xf32>
    %gt3A_361 = arith.cmpf ogt, %add3A_58, %gt3A_360 : vector<128x2048xf32>
    %jit3A_362 = arith.constant 0x7F800000 : f32
    %broadcast_in_dim3A_363 = vector.broadcast %jit3A_362 : f32 to vector<128x2048xf32>
    %select_n3A_364 = arith.select %gt3A_361, %add3A_58, %broadcast_in_dim3A_363 : vector<128x2048xi1>, vector<128x2048xf32>
    %reduce_min3A_365 = arith.constant dense<0x7F800000> : vector<128xf32>
    %reduce_min3A_366 = vector.multi_reduction <minimumf>, %select_n3A_364, %reduce_min3A_365 [1] : vector<128x2048xf32> to vector<128xf32>
    %broadcast_in_dim3A_367 = vector.shape_cast %reduce_min3A_366 : vector<128xf32> to vector<128x1xf32>
    %eq3A_368 = vector.broadcast %broadcast_in_dim3A_367 : vector<128x1xf32> to vector<128x2048xf32>
    %eq3A_369 = arith.cmpf oeq, %add3A_58, %eq3A_368 : vector<128x2048xf32>
    %jit3A_370 = arith.constant 3.000000e+38 : f32
    %broadcast_in_dim3A_371 = vector.broadcast %jit3A_370 : f32 to vector<128x2048xf32>
    %select_n3A_372 = arith.select %eq3A_369, %add3A_64, %broadcast_in_dim3A_371 : vector<128x2048xi1>, vector<128x2048xf32>
    %reduce_min3A_373 = arith.constant dense<0x7F800000> : vector<128xf32>
    %reduce_min3A_374 = vector.multi_reduction <minimumf>, %select_n3A_372, %reduce_min3A_373 [1] : vector<128x2048xf32> to vector<128xf32>
    %broadcast_in_dim3A_375 = vector.shape_cast %reduce_min3A_374 : vector<128xf32> to vector<128x1xf32>
    %convert_element_type3A_376 = arith.fptosi %broadcast_in_dim3A_375 : vector<128x1xf32> to vector<128x1xi32>
    %swap3A_377 = arith.constant 0 : index
    %swap3A_378 = arith.constant 0 : index
    %swap3A_379 = arith.constant 13 : index
    %swap3A_380 = vector.load %arg6[%swap3A_377, %swap3A_378, %swap3A_379] : memref<1x128x32xi32, #tpu.memory_space<vmem>>, vector<1x128x1xi32>
    %swap3A_381 = vector.shape_cast %swap3A_380 : vector<1x128x1xi32> to vector<128x1xi32>
    %swap3A_382 = vector.shape_cast %convert_element_type3A_376 : vector<128x1xi32> to vector<1x128x1xi32>
    tpu.vector_store %arg6[%swap3A_377, %swap3A_378, %swap3A_379], %swap3A_382 {strides = array<i32>} : memref<1x128x32xi32, #tpu.memory_space<vmem>>, vector<1x128x1xi32>,
    %gt3A_383 = vector.broadcast %broadcast_in_dim3A_367 : vector<128x1xf32> to vector<128x2048xf32>
    %gt3A_384 = arith.cmpf ogt, %add3A_58, %gt3A_383 : vector<128x2048xf32>
    %jit3A_385 = arith.constant 0x7F800000 : f32
    %broadcast_in_dim3A_386 = vector.broadcast %jit3A_385 : f32 to vector<128x2048xf32>
    %select_n3A_387 = arith.select %gt3A_384, %add3A_58, %broadcast_in_dim3A_386 : vector<128x2048xi1>, vector<128x2048xf32>
    %reduce_min3A_388 = arith.constant dense<0x7F800000> : vector<128xf32>
    %reduce_min3A_389 = vector.multi_reduction <minimumf>, %select_n3A_387, %reduce_min3A_388 [1] : vector<128x2048xf32> to vector<128xf32>
    %broadcast_in_dim3A_390 = vector.shape_cast %reduce_min3A_389 : vector<128xf32> to vector<128x1xf32>
    %eq3A_391 = vector.broadcast %broadcast_in_dim3A_390 : vector<128x1xf32> to vector<128x2048xf32>
    %eq3A_392 = arith.cmpf oeq, %add3A_58, %eq3A_391 : vector<128x2048xf32>
    %jit3A_393 = arith.constant 3.000000e+38 : f32
    %broadcast_in_dim3A_394 = vector.broadcast %jit3A_393 : f32 to vector<128x2048xf32>
    %select_n3A_395 = arith.select %eq3A_392, %add3A_64, %broadcast_in_dim3A_394 : vector<128x2048xi1>, vector<128x2048xf32>
    %reduce_min3A_396 = arith.constant dense<0x7F800000> : vector<128xf32>
    %reduce_min3A_397 = vector.multi_reduction <minimumf>, %select_n3A_395, %reduce_min3A_396 [1] : vector<128x2048xf32> to vector<128xf32>
    %broadcast_in_dim3A_398 = vector.shape_cast %reduce_min3A_397 : vector<128xf32> to vector<128x1xf32>
    %convert_element_type3A_399 = arith.fptosi %broadcast_in_dim3A_398 : vector<128x1xf32> to vector<128x1xi32>
    %swap3A_400 = arith.constant 0 : index
    %swap3A_401 = arith.constant 0 : index
    %swap3A_402 = arith.constant 14 : index
    %swap3A_403 = vector.load %arg6[%swap3A_400, %swap3A_401, %swap3A_402] : memref<1x128x32xi32, #tpu.memory_space<vmem>>, vector<1x128x1xi32>
    %swap3A_404 = vector.shape_cast %swap3A_403 : vector<1x128x1xi32> to vector<128x1xi32>
    %swap3A_405 = vector.shape_cast %convert_element_type3A_399 : vector<128x1xi32> to vector<1x128x1xi32>
    tpu.vector_store %arg6[%swap3A_400, %swap3A_401, %swap3A_402], %swap3A_405 {strides = array<i32>} : memref<1x128x32xi32, #tpu.memory_space<vmem>>, vector<1x128x1xi32>,
    %gt3A_406 = vector.broadcast %broadcast_in_dim3A_390 : vector<128x1xf32> to vector<128x2048xf32>
    %gt3A_407 = arith.cmpf ogt, %add3A_58, %gt3A_406 : vector<128x2048xf32>
    %jit3A_408 = arith.constant 0x7F800000 : f32
    %broadcast_in_dim3A_409 = vector.broadcast %jit3A_408 : f32 to vector<128x2048xf32>
    %select_n3A_410 = arith.select %gt3A_407, %add3A_58, %broadcast_in_dim3A_409 : vector<128x2048xi1>, vector<128x2048xf32>
    %reduce_min3A_411 = arith.constant dense<0x7F800000> : vector<128xf32>
    %reduce_min3A_412 = vector.multi_reduction <minimumf>, %select_n3A_410, %reduce_min3A_411 [1] : vector<128x2048xf32> to vector<128xf32>
    %broadcast_in_dim3A_413 = vector.shape_cast %reduce_min3A_412 : vector<128xf32> to vector<128x1xf32>
    %eq3A_414 = vector.broadcast %broadcast_in_dim3A_413 : vector<128x1xf32> to vector<128x2048xf32>
    %eq3A_415 = arith.cmpf oeq, %add3A_58, %eq3A_414 : vector<128x2048xf32>
    %jit3A_416 = arith.constant 3.000000e+38 : f32
    %broadcast_in_dim3A_417 = vector.broadcast %jit3A_416 : f32 to vector<128x2048xf32>
    %select_n3A_418 = arith.select %eq3A_415, %add3A_64, %broadcast_in_dim3A_417 : vector<128x2048xi1>, vector<128x2048xf32>
    %reduce_min3A_419 = arith.constant dense<0x7F800000> : vector<128xf32>
    %reduce_min3A_420 = vector.multi_reduction <minimumf>, %select_n3A_418, %reduce_min3A_419 [1] : vector<128x2048xf32> to vector<128xf32>
    %broadcast_in_dim3A_421 = vector.shape_cast %reduce_min3A_420 : vector<128xf32> to vector<128x1xf32>
    %convert_element_type3A_422 = arith.fptosi %broadcast_in_dim3A_421 : vector<128x1xf32> to vector<128x1xi32>
    %swap3A_423 = arith.constant 0 : index
    %swap3A_424 = arith.constant 0 : index
    %swap3A_425 = arith.constant 15 : index
    %swap3A_426 = vector.load %arg6[%swap3A_423, %swap3A_424, %swap3A_425] : memref<1x128x32xi32, #tpu.memory_space<vmem>>, vector<1x128x1xi32>
    %swap3A_427 = vector.shape_cast %swap3A_426 : vector<1x128x1xi32> to vector<128x1xi32>
    %swap3A_428 = vector.shape_cast %convert_element_type3A_422 : vector<128x1xi32> to vector<1x128x1xi32>
    tpu.vector_store %arg6[%swap3A_423, %swap3A_424, %swap3A_425], %swap3A_428 {strides = array<i32>} : memref<1x128x32xi32, #tpu.memory_space<vmem>>, vector<1x128x1xi32>,
    %gt3A_429 = vector.broadcast %broadcast_in_dim3A_413 : vector<128x1xf32> to vector<128x2048xf32>
    %gt3A_430 = arith.cmpf ogt, %add3A_58, %gt3A_429 : vector<128x2048xf32>
    %jit3A_431 = arith.constant 0x7F800000 : f32
    %broadcast_in_dim3A_432 = vector.broadcast %jit3A_431 : f32 to vector<128x2048xf32>
    %select_n3A_433 = arith.select %gt3A_430, %add3A_58, %broadcast_in_dim3A_432 : vector<128x2048xi1>, vector<128x2048xf32>
    %reduce_min3A_434 = arith.constant dense<0x7F800000> : vector<128xf32>
    %reduce_min3A_435 = vector.multi_reduction <minimumf>, %select_n3A_433, %reduce_min3A_434 [1] : vector<128x2048xf32> to vector<128xf32>
    %broadcast_in_dim3A_436 = vector.shape_cast %reduce_min3A_435 : vector<128xf32> to vector<128x1xf32>
    %eq3A_437 = vector.broadcast %broadcast_in_dim3A_436 : vector<128x1xf32> to vector<128x2048xf32>
    %eq3A_438 = arith.cmpf oeq, %add3A_58, %eq3A_437 : vector<128x2048xf32>
    %jit3A_439 = arith.constant 3.000000e+38 : f32
    %broadcast_in_dim3A_440 = vector.broadcast %jit3A_439 : f32 to vector<128x2048xf32>
    %select_n3A_441 = arith.select %eq3A_438, %add3A_64, %broadcast_in_dim3A_440 : vector<128x2048xi1>, vector<128x2048xf32>
    %reduce_min3A_442 = arith.constant dense<0x7F800000> : vector<128xf32>
    %reduce_min3A_443 = vector.multi_reduction <minimumf>, %select_n3A_441, %reduce_min3A_442 [1] : vector<128x2048xf32> to vector<128xf32>
    %broadcast_in_dim3A_444 = vector.shape_cast %reduce_min3A_443 : vector<128xf32> to vector<128x1xf32>
    %convert_element_type3A_445 = arith.fptosi %broadcast_in_dim3A_444 : vector<128x1xf32> to vector<128x1xi32>
    %swap3A_446 = arith.constant 0 : index
    %swap3A_447 = arith.constant 0 : index
    %swap3A_448 = arith.constant 16 : index
    %swap3A_449 = vector.load %arg6[%swap3A_446, %swap3A_447, %swap3A_448] : memref<1x128x32xi32, #tpu.memory_space<vmem>>, vector<1x128x1xi32>
    %swap3A_450 = vector.shape_cast %swap3A_449 : vector<1x128x1xi32> to vector<128x1xi32>
    %swap3A_451 = vector.shape_cast %convert_element_type3A_445 : vector<128x1xi32> to vector<1x128x1xi32>
    tpu.vector_store %arg6[%swap3A_446, %swap3A_447, %swap3A_448], %swap3A_451 {strides = array<i32>} : memref<1x128x32xi32, #tpu.memory_space<vmem>>, vector<1x128x1xi32>,
    %gt3A_452 = vector.broadcast %broadcast_in_dim3A_436 : vector<128x1xf32> to vector<128x2048xf32>
    %gt3A_453 = arith.cmpf ogt, %add3A_58, %gt3A_452 : vector<128x2048xf32>
    %jit3A_454 = arith.constant 0x7F800000 : f32
    %broadcast_in_dim3A_455 = vector.broadcast %jit3A_454 : f32 to vector<128x2048xf32>
    %select_n3A_456 = arith.select %gt3A_453, %add3A_58, %broadcast_in_dim3A_455 : vector<128x2048xi1>, vector<128x2048xf32>
    %reduce_min3A_457 = arith.constant dense<0x7F800000> : vector<128xf32>
    %reduce_min3A_458 = vector.multi_reduction <minimumf>, %select_n3A_456, %reduce_min3A_457 [1] : vector<128x2048xf32> to vector<128xf32>
    %broadcast_in_dim3A_459 = vector.shape_cast %reduce_min3A_458 : vector<128xf32> to vector<128x1xf32>
    %eq3A_460 = vector.broadcast %broadcast_in_dim3A_459 : vector<128x1xf32> to vector<128x2048xf32>
    %eq3A_461 = arith.cmpf oeq, %add3A_58, %eq3A_460 : vector<128x2048xf32>
    %jit3A_462 = arith.constant 3.000000e+38 : f32
    %broadcast_in_dim3A_463 = vector.broadcast %jit3A_462 : f32 to vector<128x2048xf32>
    %select_n3A_464 = arith.select %eq3A_461, %add3A_64, %broadcast_in_dim3A_463 : vector<128x2048xi1>, vector<128x2048xf32>
    %reduce_min3A_465 = arith.constant dense<0x7F800000> : vector<128xf32>
    %reduce_min3A_466 = vector.multi_reduction <minimumf>, %select_n3A_464, %reduce_min3A_465 [1] : vector<128x2048xf32> to vector<128xf32>
    %broadcast_in_dim3A_467 = vector.shape_cast %reduce_min3A_466 : vector<128xf32> to vector<128x1xf32>
    %convert_element_type3A_468 = arith.fptosi %broadcast_in_dim3A_467 : vector<128x1xf32> to vector<128x1xi32>
    %swap3A_469 = arith.constant 0 : index
    %swap3A_470 = arith.constant 0 : index
    %swap3A_471 = arith.constant 17 : index
    %swap3A_472 = vector.load %arg6[%swap3A_469, %swap3A_470, %swap3A_471] : memref<1x128x32xi32, #tpu.memory_space<vmem>>, vector<1x128x1xi32>
    %swap3A_473 = vector.shape_cast %swap3A_472 : vector<1x128x1xi32> to vector<128x1xi32>
    %swap3A_474 = vector.shape_cast %convert_element_type3A_468 : vector<128x1xi32> to vector<1x128x1xi32>
    tpu.vector_store %arg6[%swap3A_469, %swap3A_470, %swap3A_471], %swap3A_474 {strides = array<i32>} : memref<1x128x32xi32, #tpu.memory_space<vmem>>, vector<1x128x1xi32>,
    %gt3A_475 = vector.broadcast %broadcast_in_dim3A_459 : vector<128x1xf32> to vector<128x2048xf32>
    %gt3A_476 = arith.cmpf ogt, %add3A_58, %gt3A_475 : vector<128x2048xf32>
    %jit3A_477 = arith.constant 0x7F800000 : f32
    %broadcast_in_dim3A_478 = vector.broadcast %jit3A_477 : f32 to vector<128x2048xf32>
    %select_n3A_479 = arith.select %gt3A_476, %add3A_58, %broadcast_in_dim3A_478 : vector<128x2048xi1>, vector<128x2048xf32>
    %reduce_min3A_480 = arith.constant dense<0x7F800000> : vector<128xf32>
    %reduce_min3A_481 = vector.multi_reduction <minimumf>, %select_n3A_479, %reduce_min3A_480 [1] : vector<128x2048xf32> to vector<128xf32>
    %broadcast_in_dim3A_482 = vector.shape_cast %reduce_min3A_481 : vector<128xf32> to vector<128x1xf32>
    %eq3A_483 = vector.broadcast %broadcast_in_dim3A_482 : vector<128x1xf32> to vector<128x2048xf32>
    %eq3A_484 = arith.cmpf oeq, %add3A_58, %eq3A_483 : vector<128x2048xf32>
    %jit3A_485 = arith.constant 3.000000e+38 : f32
    %broadcast_in_dim3A_486 = vector.broadcast %jit3A_485 : f32 to vector<128x2048xf32>
    %select_n3A_487 = arith.select %eq3A_484, %add3A_64, %broadcast_in_dim3A_486 : vector<128x2048xi1>, vector<128x2048xf32>
    %reduce_min3A_488 = arith.constant dense<0x7F800000> : vector<128xf32>
    %reduce_min3A_489 = vector.multi_reduction <minimumf>, %select_n3A_487, %reduce_min3A_488 [1] : vector<128x2048xf32> to vector<128xf32>
    %broadcast_in_dim3A_490 = vector.shape_cast %reduce_min3A_489 : vector<128xf32> to vector<128x1xf32>
    %convert_element_type3A_491 = arith.fptosi %broadcast_in_dim3A_490 : vector<128x1xf32> to vector<128x1xi32>
    %swap3A_492 = arith.constant 0 : index
    %swap3A_493 = arith.constant 0 : index
    %swap3A_494 = arith.constant 18 : index
    %swap3A_495 = vector.load %arg6[%swap3A_492, %swap3A_493, %swap3A_494] : memref<1x128x32xi32, #tpu.memory_space<vmem>>, vector<1x128x1xi32>
    %swap3A_496 = vector.shape_cast %swap3A_495 : vector<1x128x1xi32> to vector<128x1xi32>
    %swap3A_497 = vector.shape_cast %convert_element_type3A_491 : vector<128x1xi32> to vector<1x128x1xi32>
    tpu.vector_store %arg6[%swap3A_492, %swap3A_493, %swap3A_494], %swap3A_497 {strides = array<i32>} : memref<1x128x32xi32, #tpu.memory_space<vmem>>, vector<1x128x1xi32>,
    %gt3A_498 = vector.broadcast %broadcast_in_dim3A_482 : vector<128x1xf32> to vector<128x2048xf32>
    %gt3A_499 = arith.cmpf ogt, %add3A_58, %gt3A_498 : vector<128x2048xf32>
    %jit3A_500 = arith.constant 0x7F800000 : f32
    %broadcast_in_dim3A_501 = vector.broadcast %jit3A_500 : f32 to vector<128x2048xf32>
    %select_n3A_502 = arith.select %gt3A_499, %add3A_58, %broadcast_in_dim3A_501 : vector<128x2048xi1>, vector<128x2048xf32>
    %reduce_min3A_503 = arith.constant dense<0x7F800000> : vector<128xf32>
    %reduce_min3A_504 = vector.multi_reduction <minimumf>, %select_n3A_502, %reduce_min3A_503 [1] : vector<128x2048xf32> to vector<128xf32>
    %broadcast_in_dim3A_505 = vector.shape_cast %reduce_min3A_504 : vector<128xf32> to vector<128x1xf32>
    %eq3A_506 = vector.broadcast %broadcast_in_dim3A_505 : vector<128x1xf32> to vector<128x2048xf32>
    %eq3A_507 = arith.cmpf oeq, %add3A_58, %eq3A_506 : vector<128x2048xf32>
    %jit3A_508 = arith.constant 3.000000e+38 : f32
    %broadcast_in_dim3A_509 = vector.broadcast %jit3A_508 : f32 to vector<128x2048xf32>
    %select_n3A_510 = arith.select %eq3A_507, %add3A_64, %broadcast_in_dim3A_509 : vector<128x2048xi1>, vector<128x2048xf32>
    %reduce_min3A_511 = arith.constant dense<0x7F800000> : vector<128xf32>
    %reduce_min3A_512 = vector.multi_reduction <minimumf>, %select_n3A_510, %reduce_min3A_511 [1] : vector<128x2048xf32> to vector<128xf32>
    %broadcast_in_dim3A_513 = vector.shape_cast %reduce_min3A_512 : vector<128xf32> to vector<128x1xf32>
    %convert_element_type3A_514 = arith.fptosi %broadcast_in_dim3A_513 : vector<128x1xf32> to vector<128x1xi32>
    %swap3A_515 = arith.constant 0 : index
    %swap3A_516 = arith.constant 0 : index
    %swap3A_517 = arith.constant 19 : index
    %swap3A_518 = vector.load %arg6[%swap3A_515, %swap3A_516, %swap3A_517] : memref<1x128x32xi32, #tpu.memory_space<vmem>>, vector<1x128x1xi32>
    %swap3A_519 = vector.shape_cast %swap3A_518 : vector<1x128x1xi32> to vector<128x1xi32>
    %swap3A_520 = vector.shape_cast %convert_element_type3A_514 : vector<128x1xi32> to vector<1x128x1xi32>
    tpu.vector_store %arg6[%swap3A_515, %swap3A_516, %swap3A_517], %swap3A_520 {strides = array<i32>} : memref<1x128x32xi32, #tpu.memory_space<vmem>>, vector<1x128x1xi32>,
    %gt3A_521 = vector.broadcast %broadcast_in_dim3A_505 : vector<128x1xf32> to vector<128x2048xf32>
    %gt3A_522 = arith.cmpf ogt, %add3A_58, %gt3A_521 : vector<128x2048xf32>
    %jit3A_523 = arith.constant 0x7F800000 : f32
    %broadcast_in_dim3A_524 = vector.broadcast %jit3A_523 : f32 to vector<128x2048xf32>
    %select_n3A_525 = arith.select %gt3A_522, %add3A_58, %broadcast_in_dim3A_524 : vector<128x2048xi1>, vector<128x2048xf32>
    %reduce_min3A_526 = arith.constant dense<0x7F800000> : vector<128xf32>
    %reduce_min3A_527 = vector.multi_reduction <minimumf>, %select_n3A_525, %reduce_min3A_526 [1] : vector<128x2048xf32> to vector<128xf32>
    %broadcast_in_dim3A_528 = vector.shape_cast %reduce_min3A_527 : vector<128xf32> to vector<128x1xf32>
    %eq3A_529 = vector.broadcast %broadcast_in_dim3A_528 : vector<128x1xf32> to vector<128x2048xf32>
    %eq3A_530 = arith.cmpf oeq, %add3A_58, %eq3A_529 : vector<128x2048xf32>
    %jit3A_531 = arith.constant 3.000000e+38 : f32
    %broadcast_in_dim3A_532 = vector.broadcast %jit3A_531 : f32 to vector<128x2048xf32>
    %select_n3A_533 = arith.select %eq3A_530, %add3A_64, %broadcast_in_dim3A_532 : vector<128x2048xi1>, vector<128x2048xf32>
    %reduce_min3A_534 = arith.constant dense<0x7F800000> : vector<128xf32>
    %reduce_min3A_535 = vector.multi_reduction <minimumf>, %select_n3A_533, %reduce_min3A_534 [1] : vector<128x2048xf32> to vector<128xf32>
    %broadcast_in_dim3A_536 = vector.shape_cast %reduce_min3A_535 : vector<128xf32> to vector<128x1xf32>
    %convert_element_type3A_537 = arith.fptosi %broadcast_in_dim3A_536 : vector<128x1xf32> to vector<128x1xi32>
    %swap3A_538 = arith.constant 0 : index
    %swap3A_539 = arith.constant 0 : index
    %swap3A_540 = arith.constant 20 : index
    %swap3A_541 = vector.load %arg6[%swap3A_538, %swap3A_539, %swap3A_540] : memref<1x128x32xi32, #tpu.memory_space<vmem>>, vector<1x128x1xi32>
    %swap3A_542 = vector.shape_cast %swap3A_541 : vector<1x128x1xi32> to vector<128x1xi32>
    %swap3A_543 = vector.shape_cast %convert_element_type3A_537 : vector<128x1xi32> to vector<1x128x1xi32>
    tpu.vector_store %arg6[%swap3A_538, %swap3A_539, %swap3A_540], %swap3A_543 {strides = array<i32>} : memref<1x128x32xi32, #tpu.memory_space<vmem>>, vector<1x128x1xi32>,
    %gt3A_544 = vector.broadcast %broadcast_in_dim3A_528 : vector<128x1xf32> to vector<128x2048xf32>
    %gt3A_545 = arith.cmpf ogt, %add3A_58, %gt3A_544 : vector<128x2048xf32>
    %jit3A_546 = arith.constant 0x7F800000 : f32
    %broadcast_in_dim3A_547 = vector.broadcast %jit3A_546 : f32 to vector<128x2048xf32>
    %select_n3A_548 = arith.select %gt3A_545, %add3A_58, %broadcast_in_dim3A_547 : vector<128x2048xi1>, vector<128x2048xf32>
    %reduce_min3A_549 = arith.constant dense<0x7F800000> : vector<128xf32>
    %reduce_min3A_550 = vector.multi_reduction <minimumf>, %select_n3A_548, %reduce_min3A_549 [1] : vector<128x2048xf32> to vector<128xf32>
    %broadcast_in_dim3A_551 = vector.shape_cast %reduce_min3A_550 : vector<128xf32> to vector<128x1xf32>
    %eq3A_552 = vector.broadcast %broadcast_in_dim3A_551 : vector<128x1xf32> to vector<128x2048xf32>
    %eq3A_553 = arith.cmpf oeq, %add3A_58, %eq3A_552 : vector<128x2048xf32>
    %jit3A_554 = arith.constant 3.000000e+38 : f32
    %broadcast_in_dim3A_555 = vector.broadcast %jit3A_554 : f32 to vector<128x2048xf32>
    %select_n3A_556 = arith.select %eq3A_553, %add3A_64, %broadcast_in_dim3A_555 : vector<128x2048xi1>, vector<128x2048xf32>
    %reduce_min3A_557 = arith.constant dense<0x7F800000> : vector<128xf32>
    %reduce_min3A_558 = vector.multi_reduction <minimumf>, %select_n3A_556, %reduce_min3A_557 [1] : vector<128x2048xf32> to vector<128xf32>
    %broadcast_in_dim3A_559 = vector.shape_cast %reduce_min3A_558 : vector<128xf32> to vector<128x1xf32>
    %convert_element_type3A_560 = arith.fptosi %broadcast_in_dim3A_559 : vector<128x1xf32> to vector<128x1xi32>
    %swap3A_561 = arith.constant 0 : index
    %swap3A_562 = arith.constant 0 : index
    %swap3A_563 = arith.constant 21 : index
    %swap3A_564 = vector.load %arg6[%swap3A_561, %swap3A_562, %swap3A_563] : memref<1x128x32xi32, #tpu.memory_space<vmem>>, vector<1x128x1xi32>
    %swap3A_565 = vector.shape_cast %swap3A_564 : vector<1x128x1xi32> to vector<128x1xi32>
    %swap3A_566 = vector.shape_cast %convert_element_type3A_560 : vector<128x1xi32> to vector<1x128x1xi32>
    tpu.vector_store %arg6[%swap3A_561, %swap3A_562, %swap3A_563], %swap3A_566 {strides = array<i32>} : memref<1x128x32xi32, #tpu.memory_space<vmem>>, vector<1x128x1xi32>,
    %gt3A_567 = vector.broadcast %broadcast_in_dim3A_551 : vector<128x1xf32> to vector<128x2048xf32>
    %gt3A_568 = arith.cmpf ogt, %add3A_58, %gt3A_567 : vector<128x2048xf32>
    %jit3A_569 = arith.constant 0x7F800000 : f32
    %broadcast_in_dim3A_570 = vector.broadcast %jit3A_569 : f32 to vector<128x2048xf32>
    %select_n3A_571 = arith.select %gt3A_568, %add3A_58, %broadcast_in_dim3A_570 : vector<128x2048xi1>, vector<128x2048xf32>
    %reduce_min3A_572 = arith.constant dense<0x7F800000> : vector<128xf32>
    %reduce_min3A_573 = vector.multi_reduction <minimumf>, %select_n3A_571, %reduce_min3A_572 [1] : vector<128x2048xf32> to vector<128xf32>
    %broadcast_in_dim3A_574 = vector.shape_cast %reduce_min3A_573 : vector<128xf32> to vector<128x1xf32>
    %eq3A_575 = vector.broadcast %broadcast_in_dim3A_574 : vector<128x1xf32> to vector<128x2048xf32>
    %eq3A_576 = arith.cmpf oeq, %add3A_58, %eq3A_575 : vector<128x2048xf32>
    %jit3A_577 = arith.constant 3.000000e+38 : f32
    %broadcast_in_dim3A_578 = vector.broadcast %jit3A_577 : f32 to vector<128x2048xf32>
    %select_n3A_579 = arith.select %eq3A_576, %add3A_64, %broadcast_in_dim3A_578 : vector<128x2048xi1>, vector<128x2048xf32>
    %reduce_min3A_580 = arith.constant dense<0x7F800000> : vector<128xf32>
    %reduce_min3A_581 = vector.multi_reduction <minimumf>, %select_n3A_579, %reduce_min3A_580 [1] : vector<128x2048xf32> to vector<128xf32>
    %broadcast_in_dim3A_582 = vector.shape_cast %reduce_min3A_581 : vector<128xf32> to vector<128x1xf32>
    %convert_element_type3A_583 = arith.fptosi %broadcast_in_dim3A_582 : vector<128x1xf32> to vector<128x1xi32>
    %swap3A_584 = arith.constant 0 : index
    %swap3A_585 = arith.constant 0 : index
    %swap3A_586 = arith.constant 22 : index
    %swap3A_587 = vector.load %arg6[%swap3A_584, %swap3A_585, %swap3A_586] : memref<1x128x32xi32, #tpu.memory_space<vmem>>, vector<1x128x1xi32>
    %swap3A_588 = vector.shape_cast %swap3A_587 : vector<1x128x1xi32> to vector<128x1xi32>
    %swap3A_589 = vector.shape_cast %convert_element_type3A_583 : vector<128x1xi32> to vector<1x128x1xi32>
    tpu.vector_store %arg6[%swap3A_584, %swap3A_585, %swap3A_586], %swap3A_589 {strides = array<i32>} : memref<1x128x32xi32, #tpu.memory_space<vmem>>, vector<1x128x1xi32>,
    %gt3A_590 = vector.broadcast %broadcast_in_dim3A_574 : vector<128x1xf32> to vector<128x2048xf32>
    %gt3A_591 = arith.cmpf ogt, %add3A_58, %gt3A_590 : vector<128x2048xf32>
    %jit3A_592 = arith.constant 0x7F800000 : f32
    %broadcast_in_dim3A_593 = vector.broadcast %jit3A_592 : f32 to vector<128x2048xf32>
    %select_n3A_594 = arith.select %gt3A_591, %add3A_58, %broadcast_in_dim3A_593 : vector<128x2048xi1>, vector<128x2048xf32>
    %reduce_min3A_595 = arith.constant dense<0x7F800000> : vector<128xf32>
    %reduce_min3A_596 = vector.multi_reduction <minimumf>, %select_n3A_594, %reduce_min3A_595 [1] : vector<128x2048xf32> to vector<128xf32>
    %broadcast_in_dim3A_597 = vector.shape_cast %reduce_min3A_596 : vector<128xf32> to vector<128x1xf32>
    %eq3A_598 = vector.broadcast %broadcast_in_dim3A_597 : vector<128x1xf32> to vector<128x2048xf32>
    %eq3A_599 = arith.cmpf oeq, %add3A_58, %eq3A_598 : vector<128x2048xf32>
    %jit3A_600 = arith.constant 3.000000e+38 : f32
    %broadcast_in_dim3A_601 = vector.broadcast %jit3A_600 : f32 to vector<128x2048xf32>
    %select_n3A_602 = arith.select %eq3A_599, %add3A_64, %broadcast_in_dim3A_601 : vector<128x2048xi1>, vector<128x2048xf32>
    %reduce_min3A_603 = arith.constant dense<0x7F800000> : vector<128xf32>
    %reduce_min3A_604 = vector.multi_reduction <minimumf>, %select_n3A_602, %reduce_min3A_603 [1] : vector<128x2048xf32> to vector<128xf32>
    %broadcast_in_dim3A_605 = vector.shape_cast %reduce_min3A_604 : vector<128xf32> to vector<128x1xf32>
    %convert_element_type3A_606 = arith.fptosi %broadcast_in_dim3A_605 : vector<128x1xf32> to vector<128x1xi32>
    %swap3A_607 = arith.constant 0 : index
    %swap3A_608 = arith.constant 0 : index
    %swap3A_609 = arith.constant 23 : index
    %swap3A_610 = vector.load %arg6[%swap3A_607, %swap3A_608, %swap3A_609] : memref<1x128x32xi32, #tpu.memory_space<vmem>>, vector<1x128x1xi32>
    %swap3A_611 = vector.shape_cast %swap3A_610 : vector<1x128x1xi32> to vector<128x1xi32>
    %swap3A_612 = vector.shape_cast %convert_element_type3A_606 : vector<128x1xi32> to vector<1x128x1xi32>
    tpu.vector_store %arg6[%swap3A_607, %swap3A_608, %swap3A_609], %swap3A_612 {strides = array<i32>} : memref<1x128x32xi32, #tpu.memory_space<vmem>>, vector<1x128x1xi32>,
    %gt3A_613 = vector.broadcast %broadcast_in_dim3A_597 : vector<128x1xf32> to vector<128x2048xf32>
    %gt3A_614 = arith.cmpf ogt, %add3A_58, %gt3A_613 : vector<128x2048xf32>
    %jit3A_615 = arith.constant 0x7F800000 : f32
    %broadcast_in_dim3A_616 = vector.broadcast %jit3A_615 : f32 to vector<128x2048xf32>
    %select_n3A_617 = arith.select %gt3A_614, %add3A_58, %broadcast_in_dim3A_616 : vector<128x2048xi1>, vector<128x2048xf32>
    %reduce_min3A_618 = arith.constant dense<0x7F800000> : vector<128xf32>
    %reduce_min3A_619 = vector.multi_reduction <minimumf>, %select_n3A_617, %reduce_min3A_618 [1] : vector<128x2048xf32> to vector<128xf32>
    %broadcast_in_dim3A_620 = vector.shape_cast %reduce_min3A_619 : vector<128xf32> to vector<128x1xf32>
    %eq3A_621 = vector.broadcast %broadcast_in_dim3A_620 : vector<128x1xf32> to vector<128x2048xf32>
    %eq3A_622 = arith.cmpf oeq, %add3A_58, %eq3A_621 : vector<128x2048xf32>
    %jit3A_623 = arith.constant 3.000000e+38 : f32
    %broadcast_in_dim3A_624 = vector.broadcast %jit3A_623 : f32 to vector<128x2048xf32>
    %select_n3A_625 = arith.select %eq3A_622, %add3A_64, %broadcast_in_dim3A_624 : vector<128x2048xi1>, vector<128x2048xf32>
    %reduce_min3A_626 = arith.constant dense<0x7F800000> : vector<128xf32>
    %reduce_min3A_627 = vector.multi_reduction <minimumf>, %select_n3A_625, %reduce_min3A_626 [1] : vector<128x2048xf32> to vector<128xf32>
    %broadcast_in_dim3A_628 = vector.shape_cast %reduce_min3A_627 : vector<128xf32> to vector<128x1xf32>
    %convert_element_type3A_629 = arith.fptosi %broadcast_in_dim3A_628 : vector<128x1xf32> to vector<128x1xi32>
    %swap3A_630 = arith.constant 0 : index
    %swap3A_631 = arith.constant 0 : index
    %swap3A_632 = arith.constant 24 : index
    %swap3A_633 = vector.load %arg6[%swap3A_630, %swap3A_631, %swap3A_632] : memref<1x128x32xi32, #tpu.memory_space<vmem>>, vector<1x128x1xi32>
    %swap3A_634 = vector.shape_cast %swap3A_633 : vector<1x128x1xi32> to vector<128x1xi32>
    %swap3A_635 = vector.shape_cast %convert_element_type3A_629 : vector<128x1xi32> to vector<1x128x1xi32>
    tpu.vector_store %arg6[%swap3A_630, %swap3A_631, %swap3A_632], %swap3A_635 {strides = array<i32>} : memref<1x128x32xi32, #tpu.memory_space<vmem>>, vector<1x128x1xi32>,
    %gt3A_636 = vector.broadcast %broadcast_in_dim3A_620 : vector<128x1xf32> to vector<128x2048xf32>
    %gt3A_637 = arith.cmpf ogt, %add3A_58, %gt3A_636 : vector<128x2048xf32>
    %jit3A_638 = arith.constant 0x7F800000 : f32
    %broadcast_in_dim3A_639 = vector.broadcast %jit3A_638 : f32 to vector<128x2048xf32>
    %select_n3A_640 = arith.select %gt3A_637, %add3A_58, %broadcast_in_dim3A_639 : vector<128x2048xi1>, vector<128x2048xf32>
    %reduce_min3A_641 = arith.constant dense<0x7F800000> : vector<128xf32>
    %reduce_min3A_642 = vector.multi_reduction <minimumf>, %select_n3A_640, %reduce_min3A_641 [1] : vector<128x2048xf32> to vector<128xf32>
    %broadcast_in_dim3A_643 = vector.shape_cast %reduce_min3A_642 : vector<128xf32> to vector<128x1xf32>
    %eq3A_644 = vector.broadcast %broadcast_in_dim3A_643 : vector<128x1xf32> to vector<128x2048xf32>
    %eq3A_645 = arith.cmpf oeq, %add3A_58, %eq3A_644 : vector<128x2048xf32>
    %jit3A_646 = arith.constant 3.000000e+38 : f32
    %broadcast_in_dim3A_647 = vector.broadcast %jit3A_646 : f32 to vector<128x2048xf32>
    %select_n3A_648 = arith.select %eq3A_645, %add3A_64, %broadcast_in_dim3A_647 : vector<128x2048xi1>, vector<128x2048xf32>
    %reduce_min3A_649 = arith.constant dense<0x7F800000> : vector<128xf32>
    %reduce_min3A_650 = vector.multi_reduction <minimumf>, %select_n3A_648, %reduce_min3A_649 [1] : vector<128x2048xf32> to vector<128xf32>
    %broadcast_in_dim3A_651 = vector.shape_cast %reduce_min3A_650 : vector<128xf32> to vector<128x1xf32>
    %convert_element_type3A_652 = arith.fptosi %broadcast_in_dim3A_651 : vector<128x1xf32> to vector<128x1xi32>
    %swap3A_653 = arith.constant 0 : index
    %swap3A_654 = arith.constant 0 : index
    %swap3A_655 = arith.constant 25 : index
    %swap3A_656 = vector.load %arg6[%swap3A_653, %swap3A_654, %swap3A_655] : memref<1x128x32xi32, #tpu.memory_space<vmem>>, vector<1x128x1xi32>
    %swap3A_657 = vector.shape_cast %swap3A_656 : vector<1x128x1xi32> to vector<128x1xi32>
    %swap3A_658 = vector.shape_cast %convert_element_type3A_652 : vector<128x1xi32> to vector<1x128x1xi32>
    tpu.vector_store %arg6[%swap3A_653, %swap3A_654, %swap3A_655], %swap3A_658 {strides = array<i32>} : memref<1x128x32xi32, #tpu.memory_space<vmem>>, vector<1x128x1xi32>,
    %gt3A_659 = vector.broadcast %broadcast_in_dim3A_643 : vector<128x1xf32> to vector<128x2048xf32>
    %gt3A_660 = arith.cmpf ogt, %add3A_58, %gt3A_659 : vector<128x2048xf32>
    %jit3A_661 = arith.constant 0x7F800000 : f32
    %broadcast_in_dim3A_662 = vector.broadcast %jit3A_661 : f32 to vector<128x2048xf32>
    %select_n3A_663 = arith.select %gt3A_660, %add3A_58, %broadcast_in_dim3A_662 : vector<128x2048xi1>, vector<128x2048xf32>
    %reduce_min3A_664 = arith.constant dense<0x7F800000> : vector<128xf32>
    %reduce_min3A_665 = vector.multi_reduction <minimumf>, %select_n3A_663, %reduce_min3A_664 [1] : vector<128x2048xf32> to vector<128xf32>
    %broadcast_in_dim3A_666 = vector.shape_cast %reduce_min3A_665 : vector<128xf32> to vector<128x1xf32>
    %eq3A_667 = vector.broadcast %broadcast_in_dim3A_666 : vector<128x1xf32> to vector<128x2048xf32>
    %eq3A_668 = arith.cmpf oeq, %add3A_58, %eq3A_667 : vector<128x2048xf32>
    %jit3A_669 = arith.constant 3.000000e+38 : f32
    %broadcast_in_dim3A_670 = vector.broadcast %jit3A_669 : f32 to vector<128x2048xf32>
    %select_n3A_671 = arith.select %eq3A_668, %add3A_64, %broadcast_in_dim3A_670 : vector<128x2048xi1>, vector<128x2048xf32>
    %reduce_min3A_672 = arith.constant dense<0x7F800000> : vector<128xf32>
    %reduce_min3A_673 = vector.multi_reduction <minimumf>, %select_n3A_671, %reduce_min3A_672 [1] : vector<128x2048xf32> to vector<128xf32>
    %broadcast_in_dim3A_674 = vector.shape_cast %reduce_min3A_673 : vector<128xf32> to vector<128x1xf32>
    %convert_element_type3A_675 = arith.fptosi %broadcast_in_dim3A_674 : vector<128x1xf32> to vector<128x1xi32>
    %swap3A_676 = arith.constant 0 : index
    %swap3A_677 = arith.constant 0 : index
    %swap3A_678 = arith.constant 26 : index
    %swap3A_679 = vector.load %arg6[%swap3A_676, %swap3A_677, %swap3A_678] : memref<1x128x32xi32, #tpu.memory_space<vmem>>, vector<1x128x1xi32>
    %swap3A_680 = vector.shape_cast %swap3A_679 : vector<1x128x1xi32> to vector<128x1xi32>
    %swap3A_681 = vector.shape_cast %convert_element_type3A_675 : vector<128x1xi32> to vector<1x128x1xi32>
    tpu.vector_store %arg6[%swap3A_676, %swap3A_677, %swap3A_678], %swap3A_681 {strides = array<i32>} : memref<1x128x32xi32, #tpu.memory_space<vmem>>, vector<1x128x1xi32>,
    %gt3A_682 = vector.broadcast %broadcast_in_dim3A_666 : vector<128x1xf32> to vector<128x2048xf32>
    %gt3A_683 = arith.cmpf ogt, %add3A_58, %gt3A_682 : vector<128x2048xf32>
    %jit3A_684 = arith.constant 0x7F800000 : f32
    %broadcast_in_dim3A_685 = vector.broadcast %jit3A_684 : f32 to vector<128x2048xf32>
    %select_n3A_686 = arith.select %gt3A_683, %add3A_58, %broadcast_in_dim3A_685 : vector<128x2048xi1>, vector<128x2048xf32>
    %reduce_min3A_687 = arith.constant dense<0x7F800000> : vector<128xf32>
    %reduce_min3A_688 = vector.multi_reduction <minimumf>, %select_n3A_686, %reduce_min3A_687 [1] : vector<128x2048xf32> to vector<128xf32>
    %broadcast_in_dim3A_689 = vector.shape_cast %reduce_min3A_688 : vector<128xf32> to vector<128x1xf32>
    %eq3A_690 = vector.broadcast %broadcast_in_dim3A_689 : vector<128x1xf32> to vector<128x2048xf32>
    %eq3A_691 = arith.cmpf oeq, %add3A_58, %eq3A_690 : vector<128x2048xf32>
    %jit3A_692 = arith.constant 3.000000e+38 : f32
    %broadcast_in_dim3A_693 = vector.broadcast %jit3A_692 : f32 to vector<128x2048xf32>
    %select_n3A_694 = arith.select %eq3A_691, %add3A_64, %broadcast_in_dim3A_693 : vector<128x2048xi1>, vector<128x2048xf32>
    %reduce_min3A_695 = arith.constant dense<0x7F800000> : vector<128xf32>
    %reduce_min3A_696 = vector.multi_reduction <minimumf>, %select_n3A_694, %reduce_min3A_695 [1] : vector<128x2048xf32> to vector<128xf32>
    %broadcast_in_dim3A_697 = vector.shape_cast %reduce_min3A_696 : vector<128xf32> to vector<128x1xf32>
    %convert_element_type3A_698 = arith.fptosi %broadcast_in_dim3A_697 : vector<128x1xf32> to vector<128x1xi32>
    %swap3A_699 = arith.constant 0 : index
    %swap3A_700 = arith.constant 0 : index
    %swap3A_701 = arith.constant 27 : index
    %swap3A_702 = vector.load %arg6[%swap3A_699, %swap3A_700, %swap3A_701] : memref<1x128x32xi32, #tpu.memory_space<vmem>>, vector<1x128x1xi32>
    %swap3A_703 = vector.shape_cast %swap3A_702 : vector<1x128x1xi32> to vector<128x1xi32>
    %swap3A_704 = vector.shape_cast %convert_element_type3A_698 : vector<128x1xi32> to vector<1x128x1xi32>
    tpu.vector_store %arg6[%swap3A_699, %swap3A_700, %swap3A_701], %swap3A_704 {strides = array<i32>} : memref<1x128x32xi32, #tpu.memory_space<vmem>>, vector<1x128x1xi32>,
    %gt3A_705 = vector.broadcast %broadcast_in_dim3A_689 : vector<128x1xf32> to vector<128x2048xf32>
    %gt3A_706 = arith.cmpf ogt, %add3A_58, %gt3A_705 : vector<128x2048xf32>
    %jit3A_707 = arith.constant 0x7F800000 : f32
    %broadcast_in_dim3A_708 = vector.broadcast %jit3A_707 : f32 to vector<128x2048xf32>
    %select_n3A_709 = arith.select %gt3A_706, %add3A_58, %broadcast_in_dim3A_708 : vector<128x2048xi1>, vector<128x2048xf32>
    %reduce_min3A_710 = arith.constant dense<0x7F800000> : vector<128xf32>
    %reduce_min3A_711 = vector.multi_reduction <minimumf>, %select_n3A_709, %reduce_min3A_710 [1] : vector<128x2048xf32> to vector<128xf32>
    %broadcast_in_dim3A_712 = vector.shape_cast %reduce_min3A_711 : vector<128xf32> to vector<128x1xf32>
    %eq3A_713 = vector.broadcast %broadcast_in_dim3A_712 : vector<128x1xf32> to vector<128x2048xf32>
    %eq3A_714 = arith.cmpf oeq, %add3A_58, %eq3A_713 : vector<128x2048xf32>
    %jit3A_715 = arith.constant 3.000000e+38 : f32
    %broadcast_in_dim3A_716 = vector.broadcast %jit3A_715 : f32 to vector<128x2048xf32>
    %select_n3A_717 = arith.select %eq3A_714, %add3A_64, %broadcast_in_dim3A_716 : vector<128x2048xi1>, vector<128x2048xf32>
    %reduce_min3A_718 = arith.constant dense<0x7F800000> : vector<128xf32>
    %reduce_min3A_719 = vector.multi_reduction <minimumf>, %select_n3A_717, %reduce_min3A_718 [1] : vector<128x2048xf32> to vector<128xf32>
    %broadcast_in_dim3A_720 = vector.shape_cast %reduce_min3A_719 : vector<128xf32> to vector<128x1xf32>
    %convert_element_type3A_721 = arith.fptosi %broadcast_in_dim3A_720 : vector<128x1xf32> to vector<128x1xi32>
    %swap3A_722 = arith.constant 0 : index
    %swap3A_723 = arith.constant 0 : index
    %swap3A_724 = arith.constant 28 : index
    %swap3A_725 = vector.load %arg6[%swap3A_722, %swap3A_723, %swap3A_724] : memref<1x128x32xi32, #tpu.memory_space<vmem>>, vector<1x128x1xi32>
    %swap3A_726 = vector.shape_cast %swap3A_725 : vector<1x128x1xi32> to vector<128x1xi32>
    %swap3A_727 = vector.shape_cast %convert_element_type3A_721 : vector<128x1xi32> to vector<1x128x1xi32>
    tpu.vector_store %arg6[%swap3A_722, %swap3A_723, %swap3A_724], %swap3A_727 {strides = array<i32>} : memref<1x128x32xi32, #tpu.memory_space<vmem>>, vector<1x128x1xi32>,
    %gt3A_728 = vector.broadcast %broadcast_in_dim3A_712 : vector<128x1xf32> to vector<128x2048xf32>
    %gt3A_729 = arith.cmpf ogt, %add3A_58, %gt3A_728 : vector<128x2048xf32>
    %jit3A_730 = arith.constant 0x7F800000 : f32
    %broadcast_in_dim3A_731 = vector.broadcast %jit3A_730 : f32 to vector<128x2048xf32>
    %select_n3A_732 = arith.select %gt3A_729, %add3A_58, %broadcast_in_dim3A_731 : vector<128x2048xi1>, vector<128x2048xf32>
    %reduce_min3A_733 = arith.constant dense<0x7F800000> : vector<128xf32>
    %reduce_min3A_734 = vector.multi_reduction <minimumf>, %select_n3A_732, %reduce_min3A_733 [1] : vector<128x2048xf32> to vector<128xf32>
    %broadcast_in_dim3A_735 = vector.shape_cast %reduce_min3A_734 : vector<128xf32> to vector<128x1xf32>
    %eq3A_736 = vector.broadcast %broadcast_in_dim3A_735 : vector<128x1xf32> to vector<128x2048xf32>
    %eq3A_737 = arith.cmpf oeq, %add3A_58, %eq3A_736 : vector<128x2048xf32>
    %jit3A_738 = arith.constant 3.000000e+38 : f32
    %broadcast_in_dim3A_739 = vector.broadcast %jit3A_738 : f32 to vector<128x2048xf32>
    %select_n3A_740 = arith.select %eq3A_737, %add3A_64, %broadcast_in_dim3A_739 : vector<128x2048xi1>, vector<128x2048xf32>
    %reduce_min3A_741 = arith.constant dense<0x7F800000> : vector<128xf32>
    %reduce_min3A_742 = vector.multi_reduction <minimumf>, %select_n3A_740, %reduce_min3A_741 [1] : vector<128x2048xf32> to vector<128xf32>
    %broadcast_in_dim3A_743 = vector.shape_cast %reduce_min3A_742 : vector<128xf32> to vector<128x1xf32>
    %convert_element_type3A_744 = arith.fptosi %broadcast_in_dim3A_743 : vector<128x1xf32> to vector<128x1xi32>
    %swap3A_745 = arith.constant 0 : index
    %swap3A_746 = arith.constant 0 : index
    %swap3A_747 = arith.constant 29 : index
    %swap3A_748 = vector.load %arg6[%swap3A_745, %swap3A_746, %swap3A_747] : memref<1x128x32xi32, #tpu.memory_space<vmem>>, vector<1x128x1xi32>
    %swap3A_749 = vector.shape_cast %swap3A_748 : vector<1x128x1xi32> to vector<128x1xi32>
    %swap3A_750 = vector.shape_cast %convert_element_type3A_744 : vector<128x1xi32> to vector<1x128x1xi32>
    tpu.vector_store %arg6[%swap3A_745, %swap3A_746, %swap3A_747], %swap3A_750 {strides = array<i32>} : memref<1x128x32xi32, #tpu.memory_space<vmem>>, vector<1x128x1xi32>,
    %gt3A_751 = vector.broadcast %broadcast_in_dim3A_735 : vector<128x1xf32> to vector<128x2048xf32>
    %gt3A_752 = arith.cmpf ogt, %add3A_58, %gt3A_751 : vector<128x2048xf32>
    %jit3A_753 = arith.constant 0x7F800000 : f32
    %broadcast_in_dim3A_754 = vector.broadcast %jit3A_753 : f32 to vector<128x2048xf32>
    %select_n3A_755 = arith.select %gt3A_752, %add3A_58, %broadcast_in_dim3A_754 : vector<128x2048xi1>, vector<128x2048xf32>
    %reduce_min3A_756 = arith.constant dense<0x7F800000> : vector<128xf32>
    %reduce_min3A_757 = vector.multi_reduction <minimumf>, %select_n3A_755, %reduce_min3A_756 [1] : vector<128x2048xf32> to vector<128xf32>
    %broadcast_in_dim3A_758 = vector.shape_cast %reduce_min3A_757 : vector<128xf32> to vector<128x1xf32>
    %eq3A_759 = vector.broadcast %broadcast_in_dim3A_758 : vector<128x1xf32> to vector<128x2048xf32>
    %eq3A_760 = arith.cmpf oeq, %add3A_58, %eq3A_759 : vector<128x2048xf32>
    %jit3A_761 = arith.constant 3.000000e+38 : f32
    %broadcast_in_dim3A_762 = vector.broadcast %jit3A_761 : f32 to vector<128x2048xf32>
    %select_n3A_763 = arith.select %eq3A_760, %add3A_64, %broadcast_in_dim3A_762 : vector<128x2048xi1>, vector<128x2048xf32>
    %reduce_min3A_764 = arith.constant dense<0x7F800000> : vector<128xf32>
    %reduce_min3A_765 = vector.multi_reduction <minimumf>, %select_n3A_763, %reduce_min3A_764 [1] : vector<128x2048xf32> to vector<128xf32>
    %broadcast_in_dim3A_766 = vector.shape_cast %reduce_min3A_765 : vector<128xf32> to vector<128x1xf32>
    %convert_element_type3A_767 = arith.fptosi %broadcast_in_dim3A_766 : vector<128x1xf32> to vector<128x1xi32>
    %swap3A_768 = arith.constant 0 : index
    %swap3A_769 = arith.constant 0 : index
    %swap3A_770 = arith.constant 30 : index
    %swap3A_771 = vector.load %arg6[%swap3A_768, %swap3A_769, %swap3A_770] : memref<1x128x32xi32, #tpu.memory_space<vmem>>, vector<1x128x1xi32>
    %swap3A_772 = vector.shape_cast %swap3A_771 : vector<1x128x1xi32> to vector<128x1xi32>
    %swap3A_773 = vector.shape_cast %convert_element_type3A_767 : vector<128x1xi32> to vector<1x128x1xi32>
    tpu.vector_store %arg6[%swap3A_768, %swap3A_769, %swap3A_770], %swap3A_773 {strides = array<i32>} : memref<1x128x32xi32, #tpu.memory_space<vmem>>, vector<1x128x1xi32>,
    %gt3A_774 = vector.broadcast %broadcast_in_dim3A_758 : vector<128x1xf32> to vector<128x2048xf32>
    %gt3A_775 = arith.cmpf ogt, %add3A_58, %gt3A_774 : vector<128x2048xf32>
    %jit3A_776 = arith.constant 0x7F800000 : f32
    %broadcast_in_dim3A_777 = vector.broadcast %jit3A_776 : f32 to vector<128x2048xf32>
    %select_n3A_778 = arith.select %gt3A_775, %add3A_58, %broadcast_in_dim3A_777 : vector<128x2048xi1>, vector<128x2048xf32>
    %reduce_min3A_779 = arith.constant dense<0x7F800000> : vector<128xf32>
    %reduce_min3A_780 = vector.multi_reduction <minimumf>, %select_n3A_778, %reduce_min3A_779 [1] : vector<128x2048xf32> to vector<128xf32>
    %broadcast_in_dim3A_781 = vector.shape_cast %reduce_min3A_780 : vector<128xf32> to vector<128x1xf32>
    %eq3A_782 = vector.broadcast %broadcast_in_dim3A_781 : vector<128x1xf32> to vector<128x2048xf32>
    %eq3A_783 = arith.cmpf oeq, %add3A_58, %eq3A_782 : vector<128x2048xf32>
    %jit3A_784 = arith.constant 3.000000e+38 : f32
    %broadcast_in_dim3A_785 = vector.broadcast %jit3A_784 : f32 to vector<128x2048xf32>
    %select_n3A_786 = arith.select %eq3A_783, %add3A_64, %broadcast_in_dim3A_785 : vector<128x2048xi1>, vector<128x2048xf32>
    %reduce_min3A_787 = arith.constant dense<0x7F800000> : vector<128xf32>
    %reduce_min3A_788 = vector.multi_reduction <minimumf>, %select_n3A_786, %reduce_min3A_787 [1] : vector<128x2048xf32> to vector<128xf32>
    %broadcast_in_dim3A_789 = vector.shape_cast %reduce_min3A_788 : vector<128xf32> to vector<128x1xf32>
    %convert_element_type3A_790 = arith.fptosi %broadcast_in_dim3A_789 : vector<128x1xf32> to vector<128x1xi32>
    %swap3A_791 = arith.constant 0 : index
    %swap3A_792 = arith.constant 0 : index
    %swap3A_793 = arith.constant 31 : index
    %swap3A_794 = vector.load %arg6[%swap3A_791, %swap3A_792, %swap3A_793] : memref<1x128x32xi32, #tpu.memory_space<vmem>>, vector<1x128x1xi32>
    %swap3A_795 = vector.shape_cast %swap3A_794 : vector<1x128x1xi32> to vector<128x1xi32>
    %swap3A_796 = vector.shape_cast %convert_element_type3A_790 : vector<128x1xi32> to vector<1x128x1xi32>
    tpu.vector_store %arg6[%swap3A_791, %swap3A_792, %swap3A_793], %swap3A_796 {strides = array<i32>} : memref<1x128x32xi32, #tpu.memory_space<vmem>>, vector<1x128x1xi32>,
    return
  }
  func.func @transform_0(%arg0: i32, %arg1: i32) -> (i32, i32, i32) {
    %c0_i32 = arith.constant 0 : i32
    %c0_i32_0 = arith.constant 0 : i32
    %c0_i32_1 = arith.constant 0 : i32
    return %arg0, %c0_i32, %c0_i32_0 : i32, i32, i32
  }
  func.func @transform_1(%arg0: i32, %arg1: i32) -> (i32, i32, i32) {
    %c0_i32 = arith.constant 0 : i32
    %c0_i32_0 = arith.constant 0 : i32
    %c0_i32_1 = arith.constant 0 : i32
    return %arg0, %c0_i32, %c0_i32_0 : i32, i32, i32
  }
  func.func @transform_2(%arg0: i32, %arg1: i32) -> (i32, i32, i32) {
    %c0_i32 = arith.constant 0 : i32
    %c0_i32_0 = arith.constant 0 : i32
    %c0_i32_1 = arith.constant 0 : i32
    return %arg0, %c0_i32, %c0_i32_0 : i32, i32, i32
  }
  func.func @transform_3(%arg0: i32, %arg1: i32) -> (i32, i32, i32) {
    %c0_i32 = arith.constant 0 : i32
    %c0_i32_0 = arith.constant 0 : i32
    return %arg0, %arg1, %c0_i32 : i32, i32, i32
  }
  func.func @transform_4(%arg0: i32, %arg1: i32) -> (i32, i32, i32) {
    %c0_i32 = arith.constant 0 : i32
    %c0_i32_0 = arith.constant 0 : i32
    return %arg0, %arg1, %c0_i32 : i32, i32, i32
  }
}

module attributes {stable_mosaic.version = 14 : i64} {
  func.func @_knn_body(%arg0: i32, %arg1: i32, %arg2: memref<1x1x2048xf32, #tpu.memory_space<vmem>>, %arg3: memref<1x1x2048xf32, #tpu.memory_space<vmem>>, %arg4: memref<1x1x2048xf32, #tpu.memory_space<vmem>>, %arg5: memref<1x128x3xf32, #tpu.memory_space<vmem>>, %arg6: memref<1x128x32xi32, #tpu.memory_space<vmem>>) attributes {dimension_semantics = [#tpu.dimension_semantics<arbitrary>, #tpu.dimension_semantics<arbitrary>], iteration_bounds = array<i64: 8, 4>, scalar_prefetch = 0 : i64, scratch_operands = 0 : i64, tpu.core_type = #tpu.core_type<tc>, window_params = [{transform_indices = @transform_0, window_bounds = array<i64: 1, 1, 2048>}, {transform_indices = @transform_1, window_bounds = array<i64: 1, 1, 2048>}, {transform_indices = @transform_2, window_bounds = array<i64: 1, 1, 2048>}, {transform_indices = @transform_3, window_bounds = array<i64: 1, 128, 3>}, {transform_indices = @transform_4, window_bounds = array<i64: 1, 128, 32>}]} {
    %add3A = arith.constant 0 : i32
    %add3A_0 = arith.addi %arg0, %add3A : i32
    %get3A = arith.constant 0 : index
    %get3A_1 = arith.constant 0 : index
    %get3A_2 = arith.constant 0 : index
    %get3A_3 = vector.load %arg2[%get3A, %get3A_1, %get3A_2] : memref<1x1x2048xf32, #tpu.memory_space<vmem>>, vector<1x1x2048xf32>
    %get3A_4 = vector.shape_cast %get3A_3 : vector<1x1x2048xf32> to vector<1x2048xf32>
    %get3A_5 = arith.constant 0 : index
    %get3A_6 = arith.constant 0 : index
    %get3A_7 = arith.constant 0 : index
    %get3A_8 = vector.load %arg3[%get3A_5, %get3A_6, %get3A_7] : memref<1x1x2048xf32, #tpu.memory_space<vmem>>, vector<1x1x2048xf32>
    %get3A_9 = vector.shape_cast %get3A_8 : vector<1x1x2048xf32> to vector<1x2048xf32>
    %get3A_10 = arith.constant 0 : index
    %get3A_11 = arith.constant 0 : index
    %get3A_12 = arith.constant 0 : index
    %get3A_13 = vector.load %arg4[%get3A_10, %get3A_11, %get3A_12] : memref<1x1x2048xf32, #tpu.memory_space<vmem>>, vector<1x1x2048xf32>
    %get3A_14 = vector.shape_cast %get3A_13 : vector<1x1x2048xf32> to vector<1x2048xf32>
    %get3A_15 = arith.constant 0 : index
    %get3A_16 = arith.constant 0 : index
    %get3A_17 = arith.constant 0 : index
    %get3A_18 = vector.load %arg5[%get3A_15, %get3A_16, %get3A_17] : memref<1x128x3xf32, #tpu.memory_space<vmem>>, vector<1x128x3xf32>
    %get3A_19 = vector.shape_cast %get3A_18 : vector<1x128x3xf32> to vector<128x3xf32>
    %slice3A = vector.extract_strided_slice %get3A_19 {offsets = [0, 0], sizes = [128, 1], strides = [1, 1]} : vector<128x3xf32> to vector<128x1xf32>
    %slice3A_20 = vector.extract_strided_slice %get3A_19 {offsets = [0, 1], sizes = [128, 1], strides = [1, 1]} : vector<128x3xf32> to vector<128x1xf32>
    %slice3A_21 = vector.extract_strided_slice %get3A_19 {offsets = [0, 2], sizes = [128, 1], strides = [1, 1]} : vector<128x3xf32> to vector<128x1xf32>
    %convert_element_type3A = arith.truncf %slice3A : vector<128x1xf32> to vector<128x1xbf16>
    %convert_element_type3A_22 = arith.extf %convert_element_type3A : vector<128x1xbf16> to vector<128x1xf32>
    %convert_element_type3A_23 = arith.truncf %get3A_4 : vector<1x2048xf32> to vector<1x2048xbf16>
    %convert_element_type3A_24 = arith.extf %convert_element_type3A_23 : vector<1x2048xbf16> to vector<1x2048xf32>
    %mul3A = vector.broadcast %convert_element_type3A_22 : vector<128x1xf32> to vector<128x2048xf32>
    %mul3A_25 = vector.broadcast %convert_element_type3A_24 : vector<1x2048xf32> to vector<128x2048xf32>
    %mul3A_26 = arith.mulf %mul3A, %mul3A_25 : vector<128x2048xf32>
    %convert_element_type3A_27 = arith.truncf %slice3A_20 : vector<128x1xf32> to vector<128x1xbf16>
    %convert_element_type3A_28 = arith.extf %convert_element_type3A_27 : vector<128x1xbf16> to vector<128x1xf32>
    %convert_element_type3A_29 = arith.truncf %get3A_9 : vector<1x2048xf32> to vector<1x2048xbf16>
    %convert_element_type3A_30 = arith.extf %convert_element_type3A_29 : vector<1x2048xbf16> to vector<1x2048xf32>
    %mul3A_31 = vector.broadcast %convert_element_type3A_28 : vector<128x1xf32> to vector<128x2048xf32>
    %mul3A_32 = vector.broadcast %convert_element_type3A_30 : vector<1x2048xf32> to vector<128x2048xf32>
    %mul3A_33 = arith.mulf %mul3A_31, %mul3A_32 : vector<128x2048xf32>
    %add3A_34 = arith.addf %mul3A_26, %mul3A_33 : vector<128x2048xf32>
    %convert_element_type3A_35 = arith.truncf %slice3A_21 : vector<128x1xf32> to vector<128x1xbf16>
    %convert_element_type3A_36 = arith.extf %convert_element_type3A_35 : vector<128x1xbf16> to vector<128x1xf32>
    %convert_element_type3A_37 = arith.truncf %get3A_14 : vector<1x2048xf32> to vector<1x2048xbf16>
    %convert_element_type3A_38 = arith.extf %convert_element_type3A_37 : vector<1x2048xbf16> to vector<1x2048xf32>
    %mul3A_39 = vector.broadcast %convert_element_type3A_36 : vector<128x1xf32> to vector<128x2048xf32>
    %mul3A_40 = vector.broadcast %convert_element_type3A_38 : vector<1x2048xf32> to vector<128x2048xf32>
    %mul3A_41 = arith.mulf %mul3A_39, %mul3A_40 : vector<128x2048xf32>
    %add3A_42 = arith.addf %add3A_34, %mul3A_41 : vector<128x2048xf32>
    %mul3A_43 = arith.mulf %slice3A, %slice3A : vector<128x1xf32>
    %mul3A_44 = arith.mulf %slice3A_20, %slice3A_20 : vector<128x1xf32>
    %add3A_45 = arith.addf %mul3A_43, %mul3A_44 : vector<128x1xf32>
    %mul3A_46 = arith.mulf %slice3A_21, %slice3A_21 : vector<128x1xf32>
    %add3A_47 = arith.addf %add3A_45, %mul3A_46 : vector<128x1xf32>
    %mul3A_48 = arith.mulf %get3A_4, %get3A_4 : vector<1x2048xf32>
    %mul3A_49 = arith.mulf %get3A_9, %get3A_9 : vector<1x2048xf32>
    %add3A_50 = arith.addf %mul3A_48, %mul3A_49 : vector<1x2048xf32>
    %mul3A_51 = arith.mulf %get3A_14, %get3A_14 : vector<1x2048xf32>
    %add3A_52 = arith.addf %add3A_50, %mul3A_51 : vector<1x2048xf32>
    %mul3A_53 = arith.constant 2.000000e+00 : f32
    %mul3A_54 = vector.broadcast %mul3A_53 : f32 to vector<128x2048xf32>
    %mul3A_55 = arith.mulf %mul3A_54, %add3A_42 : vector<128x2048xf32>
    %sub3A = vector.broadcast %add3A_47 : vector<128x1xf32> to vector<128x2048xf32>
    %sub3A_56 = arith.subf %sub3A, %mul3A_55 : vector<128x2048xf32>
    %add3A_57 = vector.broadcast %add3A_52 : vector<1x2048xf32> to vector<128x2048xf32>
    %add3A_58 = arith.addf %sub3A_56, %add3A_57 : vector<128x2048xf32>
    %iota3A = tpu.iota {dimensions = array<i32: 1>} : vector<128x2048xi32>
    %convert_element_type3A_59 = arith.sitofp %iota3A : vector<128x2048xi32> to vector<128x2048xf32>
    %mul3A_60 = arith.constant 2048 : i32
    %mul3A_61 = arith.muli %add3A_0, %mul3A_60 : i32
    %convert_element_type3A_62 = arith.sitofp %mul3A_61 : i32 to f32
    %add3A_63 = vector.broadcast %convert_element_type3A_62 : f32 to vector<128x2048xf32>
    %add3A_64 = arith.addf %convert_element_type3A_59, %add3A_63 : vector<128x2048xf32>
    %neg3A = arith.constant 0.000000e+00 : f32
    %neg3A_65 = arith.constant 0x7F800000 : f32
    %neg3A_66 = arith.subf %neg3A, %neg3A_65 : f32
    %broadcast_in_dim3A = vector.broadcast %neg3A_66 : f32 to vector<128x1xf32>
    %gt3A = vector.broadcast %broadcast_in_dim3A : vector<128x1xf32> to vector<128x2048xf32>
    %gt3A_67 = arith.cmpf ogt, %add3A_58, %gt3A : vector<128x2048xf32>
    %jit3A = arith.constant 0x7F800000 : f32
    %broadcast_in_dim3A_68 = vector.broadcast %jit3A : f32 to vector<128x2048xf32>
    %select_n3A = arith.select %gt3A_67, %add3A_58, %broadcast_in_dim3A_68 : vector<128x2048xi1>, vector<128x2048xf32>
    %reduce_min3A = arith.constant dense<0x7F800000> : vector<128xf32>
    %reduce_min3A_69 = vector.multi_reduction <minimumf>, %select_n3A, %reduce_min3A [1] : vector<128x2048xf32> to vector<128xf32>
    %broadcast_in_dim3A_70 = vector.shape_cast %reduce_min3A_69 : vector<128xf32> to vector<128x1xf32>
    %eq3A = vector.broadcast %broadcast_in_dim3A_70 : vector<128x1xf32> to vector<128x2048xf32>
    %eq3A_71 = arith.cmpf oeq, %add3A_58, %eq3A : vector<128x2048xf32>
    %jit3A_72 = arith.constant 3.000000e+38 : f32
    %broadcast_in_dim3A_73 = vector.broadcast %jit3A_72 : f32 to vector<128x2048xf32>
    %select_n3A_74 = arith.select %eq3A_71, %add3A_64, %broadcast_in_dim3A_73 : vector<128x2048xi1>, vector<128x2048xf32>
    %reduce_min3A_75 = arith.constant dense<0x7F800000> : vector<128xf32>
    %reduce_min3A_76 = vector.multi_reduction <minimumf>, %select_n3A_74, %reduce_min3A_75 [1] : vector<128x2048xf32> to vector<128xf32>
    %broadcast_in_dim3A_77 = vector.shape_cast %reduce_min3A_76 : vector<128xf32> to vector<128x1xf32>
    %convert_element_type3A_78 = arith.fptosi %broadcast_in_dim3A_77 : vector<128x1xf32> to vector<128x1xi32>
    %swap3A = arith.constant 0 : index
    %swap3A_79 = arith.constant 0 : index
    %swap3A_80 = arith.constant 0 : index
    %swap3A_81 = vector.load %arg6[%swap3A, %swap3A_79, %swap3A_80] : memref<1x128x32xi32, #tpu.memory_space<vmem>>, vector<1x128x1xi32>
    %swap3A_82 = vector.shape_cast %swap3A_81 : vector<1x128x1xi32> to vector<128x1xi32>
    %swap3A_83 = vector.shape_cast %convert_element_type3A_78 : vector<128x1xi32> to vector<1x128x1xi32>
    tpu.vector_store %arg6[%swap3A, %swap3A_79, %swap3A_80], %swap3A_83 {strides = array<i32>} : memref<1x128x32xi32, #tpu.memory_space<vmem>>, vector<1x128x1xi32>,
    %gt3A_84 = vector.broadcast %broadcast_in_dim3A_70 : vector<128x1xf32> to vector<128x2048xf32>
    %gt3A_85 = arith.cmpf ogt, %add3A_58, %gt3A_84 : vector<128x2048xf32>
    %jit3A_86 = arith.constant 0x7F800000 : f32
    %broadcast_in_dim3A_87 = vector.broadcast %jit3A_86 : f32 to vector<128x2048xf32>
    %select_n3A_88 = arith.select %gt3A_85, %add3A_58, %broadcast_in_dim3A_87 : vector<128x2048xi1>, vector<128x2048xf32>
    %reduce_min3A_89 = arith.constant dense<0x7F800000> : vector<128xf32>
    %reduce_min3A_90 = vector.multi_reduction <minimumf>, %select_n3A_88, %reduce_min3A_89 [1] : vector<128x2048xf32> to vector<128xf32>
    %broadcast_in_dim3A_91 = vector.shape_cast %reduce_min3A_90 : vector<128xf32> to vector<128x1xf32>
    %eq3A_92 = vector.broadcast %broadcast_in_dim3A_91 : vector<128x1xf32> to vector<128x2048xf32>
    %eq3A_93 = arith.cmpf oeq, %add3A_58, %eq3A_92 : vector<128x2048xf32>
    %jit3A_94 = arith.constant 3.000000e+38 : f32
    %broadcast_in_dim3A_95 = vector.broadcast %jit3A_94 : f32 to vector<128x2048xf32>
    %select_n3A_96 = arith.select %eq3A_93, %add3A_64, %broadcast_in_dim3A_95 : vector<128x2048xi1>, vector<128x2048xf32>
    %reduce_min3A_97 = arith.constant dense<0x7F800000> : vector<128xf32>
    %reduce_min3A_98 = vector.multi_reduction <minimumf>, %select_n3A_96, %reduce_min3A_97 [1] : vector<128x2048xf32> to vector<128xf32>
    %broadcast_in_dim3A_99 = vector.shape_cast %reduce_min3A_98 : vector<128xf32> to vector<128x1xf32>
    %convert_element_type3A_100 = arith.fptosi %broadcast_in_dim3A_99 : vector<128x1xf32> to vector<128x1xi32>
    %swap3A_101 = arith.constant 0 : index
    %swap3A_102 = arith.constant 0 : index
    %swap3A_103 = arith.constant 1 : index
    %swap3A_104 = vector.load %arg6[%swap3A_101, %swap3A_102, %swap3A_103] : memref<1x128x32xi32, #tpu.memory_space<vmem>>, vector<1x128x1xi32>
    %swap3A_105 = vector.shape_cast %swap3A_104 : vector<1x128x1xi32> to vector<128x1xi32>
    %swap3A_106 = vector.shape_cast %convert_element_type3A_100 : vector<128x1xi32> to vector<1x128x1xi32>
    tpu.vector_store %arg6[%swap3A_101, %swap3A_102, %swap3A_103], %swap3A_106 {strides = array<i32>} : memref<1x128x32xi32, #tpu.memory_space<vmem>>, vector<1x128x1xi32>,
    %gt3A_107 = vector.broadcast %broadcast_in_dim3A_91 : vector<128x1xf32> to vector<128x2048xf32>
    %gt3A_108 = arith.cmpf ogt, %add3A_58, %gt3A_107 : vector<128x2048xf32>
    %jit3A_109 = arith.constant 0x7F800000 : f32
    %broadcast_in_dim3A_110 = vector.broadcast %jit3A_109 : f32 to vector<128x2048xf32>
    %select_n3A_111 = arith.select %gt3A_108, %add3A_58, %broadcast_in_dim3A_110 : vector<128x2048xi1>, vector<128x2048xf32>
    %reduce_min3A_112 = arith.constant dense<0x7F800000> : vector<128xf32>
    %reduce_min3A_113 = vector.multi_reduction <minimumf>, %select_n3A_111, %reduce_min3A_112 [1] : vector<128x2048xf32> to vector<128xf32>
    %broadcast_in_dim3A_114 = vector.shape_cast %reduce_min3A_113 : vector<128xf32> to vector<128x1xf32>
    %eq3A_115 = vector.broadcast %broadcast_in_dim3A_114 : vector<128x1xf32> to vector<128x2048xf32>
    %eq3A_116 = arith.cmpf oeq, %add3A_58, %eq3A_115 : vector<128x2048xf32>
    %jit3A_117 = arith.constant 3.000000e+38 : f32
    %broadcast_in_dim3A_118 = vector.broadcast %jit3A_117 : f32 to vector<128x2048xf32>
    %select_n3A_119 = arith.select %eq3A_116, %add3A_64, %broadcast_in_dim3A_118 : vector<128x2048xi1>, vector<128x2048xf32>
    %reduce_min3A_120 = arith.constant dense<0x7F800000> : vector<128xf32>
    %reduce_min3A_121 = vector.multi_reduction <minimumf>, %select_n3A_119, %reduce_min3A_120 [1] : vector<128x2048xf32> to vector<128xf32>
    %broadcast_in_dim3A_122 = vector.shape_cast %reduce_min3A_121 : vector<128xf32> to vector<128x1xf32>
    %convert_element_type3A_123 = arith.fptosi %broadcast_in_dim3A_122 : vector<128x1xf32> to vector<128x1xi32>
    %swap3A_124 = arith.constant 0 : index
    %swap3A_125 = arith.constant 0 : index
    %swap3A_126 = arith.constant 2 : index
    %swap3A_127 = vector.load %arg6[%swap3A_124, %swap3A_125, %swap3A_126] : memref<1x128x32xi32, #tpu.memory_space<vmem>>, vector<1x128x1xi32>
    %swap3A_128 = vector.shape_cast %swap3A_127 : vector<1x128x1xi32> to vector<128x1xi32>
    %swap3A_129 = vector.shape_cast %convert_element_type3A_123 : vector<128x1xi32> to vector<1x128x1xi32>
    tpu.vector_store %arg6[%swap3A_124, %swap3A_125, %swap3A_126], %swap3A_129 {strides = array<i32>} : memref<1x128x32xi32, #tpu.memory_space<vmem>>, vector<1x128x1xi32>,
    %gt3A_130 = vector.broadcast %broadcast_in_dim3A_114 : vector<128x1xf32> to vector<128x2048xf32>
    %gt3A_131 = arith.cmpf ogt, %add3A_58, %gt3A_130 : vector<128x2048xf32>
    %jit3A_132 = arith.constant 0x7F800000 : f32
    %broadcast_in_dim3A_133 = vector.broadcast %jit3A_132 : f32 to vector<128x2048xf32>
    %select_n3A_134 = arith.select %gt3A_131, %add3A_58, %broadcast_in_dim3A_133 : vector<128x2048xi1>, vector<128x2048xf32>
    %reduce_min3A_135 = arith.constant dense<0x7F800000> : vector<128xf32>
    %reduce_min3A_136 = vector.multi_reduction <minimumf>, %select_n3A_134, %reduce_min3A_135 [1] : vector<128x2048xf32> to vector<128xf32>
    %broadcast_in_dim3A_137 = vector.shape_cast %reduce_min3A_136 : vector<128xf32> to vector<128x1xf32>
    %eq3A_138 = vector.broadcast %broadcast_in_dim3A_137 : vector<128x1xf32> to vector<128x2048xf32>
    %eq3A_139 = arith.cmpf oeq, %add3A_58, %eq3A_138 : vector<128x2048xf32>
    %jit3A_140 = arith.constant 3.000000e+38 : f32
    %broadcast_in_dim3A_141 = vector.broadcast %jit3A_140 : f32 to vector<128x2048xf32>
    %select_n3A_142 = arith.select %eq3A_139, %add3A_64, %broadcast_in_dim3A_141 : vector<128x2048xi1>, vector<128x2048xf32>
    %reduce_min3A_143 = arith.constant dense<0x7F800000> : vector<128xf32>
    %reduce_min3A_144 = vector.multi_reduction <minimumf>, %select_n3A_142, %reduce_min3A_143 [1] : vector<128x2048xf32> to vector<128xf32>
    %broadcast_in_dim3A_145 = vector.shape_cast %reduce_min3A_144 : vector<128xf32> to vector<128x1xf32>
    %convert_element_type3A_146 = arith.fptosi %broadcast_in_dim3A_145 : vector<128x1xf32> to vector<128x1xi32>
    %swap3A_147 = arith.constant 0 : index
    %swap3A_148 = arith.constant 0 : index
    %swap3A_149 = arith.constant 3 : index
    %swap3A_150 = vector.load %arg6[%swap3A_147, %swap3A_148, %swap3A_149] : memref<1x128x32xi32, #tpu.memory_space<vmem>>, vector<1x128x1xi32>
    %swap3A_151 = vector.shape_cast %swap3A_150 : vector<1x128x1xi32> to vector<128x1xi32>
    %swap3A_152 = vector.shape_cast %convert_element_type3A_146 : vector<128x1xi32> to vector<1x128x1xi32>
    tpu.vector_store %arg6[%swap3A_147, %swap3A_148, %swap3A_149], %swap3A_152 {strides = array<i32>} : memref<1x128x32xi32, #tpu.memory_space<vmem>>, vector<1x128x1xi32>,
    %gt3A_153 = vector.broadcast %broadcast_in_dim3A_137 : vector<128x1xf32> to vector<128x2048xf32>
    %gt3A_154 = arith.cmpf ogt, %add3A_58, %gt3A_153 : vector<128x2048xf32>
    %jit3A_155 = arith.constant 0x7F800000 : f32
    %broadcast_in_dim3A_156 = vector.broadcast %jit3A_155 : f32 to vector<128x2048xf32>
    %select_n3A_157 = arith.select %gt3A_154, %add3A_58, %broadcast_in_dim3A_156 : vector<128x2048xi1>, vector<128x2048xf32>
    %reduce_min3A_158 = arith.constant dense<0x7F800000> : vector<128xf32>
    %reduce_min3A_159 = vector.multi_reduction <minimumf>, %select_n3A_157, %reduce_min3A_158 [1] : vector<128x2048xf32> to vector<128xf32>
    %broadcast_in_dim3A_160 = vector.shape_cast %reduce_min3A_159 : vector<128xf32> to vector<128x1xf32>
    %eq3A_161 = vector.broadcast %broadcast_in_dim3A_160 : vector<128x1xf32> to vector<128x2048xf32>
    %eq3A_162 = arith.cmpf oeq, %add3A_58, %eq3A_161 : vector<128x2048xf32>
    %jit3A_163 = arith.constant 3.000000e+38 : f32
    %broadcast_in_dim3A_164 = vector.broadcast %jit3A_163 : f32 to vector<128x2048xf32>
    %select_n3A_165 = arith.select %eq3A_162, %add3A_64, %broadcast_in_dim3A_164 : vector<128x2048xi1>, vector<128x2048xf32>
    %reduce_min3A_166 = arith.constant dense<0x7F800000> : vector<128xf32>
    %reduce_min3A_167 = vector.multi_reduction <minimumf>, %select_n3A_165, %reduce_min3A_166 [1] : vector<128x2048xf32> to vector<128xf32>
    %broadcast_in_dim3A_168 = vector.shape_cast %reduce_min3A_167 : vector<128xf32> to vector<128x1xf32>
    %convert_element_type3A_169 = arith.fptosi %broadcast_in_dim3A_168 : vector<128x1xf32> to vector<128x1xi32>
    %swap3A_170 = arith.constant 0 : index
    %swap3A_171 = arith.constant 0 : index
    %swap3A_172 = arith.constant 4 : index
    %swap3A_173 = vector.load %arg6[%swap3A_170, %swap3A_171, %swap3A_172] : memref<1x128x32xi32, #tpu.memory_space<vmem>>, vector<1x128x1xi32>
    %swap3A_174 = vector.shape_cast %swap3A_173 : vector<1x128x1xi32> to vector<128x1xi32>
    %swap3A_175 = vector.shape_cast %convert_element_type3A_169 : vector<128x1xi32> to vector<1x128x1xi32>
    tpu.vector_store %arg6[%swap3A_170, %swap3A_171, %swap3A_172], %swap3A_175 {strides = array<i32>} : memref<1x128x32xi32, #tpu.memory_space<vmem>>, vector<1x128x1xi32>,
    %gt3A_176 = vector.broadcast %broadcast_in_dim3A_160 : vector<128x1xf32> to vector<128x2048xf32>
    %gt3A_177 = arith.cmpf ogt, %add3A_58, %gt3A_176 : vector<128x2048xf32>
    %jit3A_178 = arith.constant 0x7F800000 : f32
    %broadcast_in_dim3A_179 = vector.broadcast %jit3A_178 : f32 to vector<128x2048xf32>
    %select_n3A_180 = arith.select %gt3A_177, %add3A_58, %broadcast_in_dim3A_179 : vector<128x2048xi1>, vector<128x2048xf32>
    %reduce_min3A_181 = arith.constant dense<0x7F800000> : vector<128xf32>
    %reduce_min3A_182 = vector.multi_reduction <minimumf>, %select_n3A_180, %reduce_min3A_181 [1] : vector<128x2048xf32> to vector<128xf32>
    %broadcast_in_dim3A_183 = vector.shape_cast %reduce_min3A_182 : vector<128xf32> to vector<128x1xf32>
    %eq3A_184 = vector.broadcast %broadcast_in_dim3A_183 : vector<128x1xf32> to vector<128x2048xf32>
    %eq3A_185 = arith.cmpf oeq, %add3A_58, %eq3A_184 : vector<128x2048xf32>
    %jit3A_186 = arith.constant 3.000000e+38 : f32
    %broadcast_in_dim3A_187 = vector.broadcast %jit3A_186 : f32 to vector<128x2048xf32>
    %select_n3A_188 = arith.select %eq3A_185, %add3A_64, %broadcast_in_dim3A_187 : vector<128x2048xi1>, vector<128x2048xf32>
    %reduce_min3A_189 = arith.constant dense<0x7F800000> : vector<128xf32>
    %reduce_min3A_190 = vector.multi_reduction <minimumf>, %select_n3A_188, %reduce_min3A_189 [1] : vector<128x2048xf32> to vector<128xf32>
    %broadcast_in_dim3A_191 = vector.shape_cast %reduce_min3A_190 : vector<128xf32> to vector<128x1xf32>
    %convert_element_type3A_192 = arith.fptosi %broadcast_in_dim3A_191 : vector<128x1xf32> to vector<128x1xi32>
    %swap3A_193 = arith.constant 0 : index
    %swap3A_194 = arith.constant 0 : index
    %swap3A_195 = arith.constant 5 : index
    %swap3A_196 = vector.load %arg6[%swap3A_193, %swap3A_194, %swap3A_195] : memref<1x128x32xi32, #tpu.memory_space<vmem>>, vector<1x128x1xi32>
    %swap3A_197 = vector.shape_cast %swap3A_196 : vector<1x128x1xi32> to vector<128x1xi32>
    %swap3A_198 = vector.shape_cast %convert_element_type3A_192 : vector<128x1xi32> to vector<1x128x1xi32>
    tpu.vector_store %arg6[%swap3A_193, %swap3A_194, %swap3A_195], %swap3A_198 {strides = array<i32>} : memref<1x128x32xi32, #tpu.memory_space<vmem>>, vector<1x128x1xi32>,
    %gt3A_199 = vector.broadcast %broadcast_in_dim3A_183 : vector<128x1xf32> to vector<128x2048xf32>
    %gt3A_200 = arith.cmpf ogt, %add3A_58, %gt3A_199 : vector<128x2048xf32>
    %jit3A_201 = arith.constant 0x7F800000 : f32
    %broadcast_in_dim3A_202 = vector.broadcast %jit3A_201 : f32 to vector<128x2048xf32>
    %select_n3A_203 = arith.select %gt3A_200, %add3A_58, %broadcast_in_dim3A_202 : vector<128x2048xi1>, vector<128x2048xf32>
    %reduce_min3A_204 = arith.constant dense<0x7F800000> : vector<128xf32>
    %reduce_min3A_205 = vector.multi_reduction <minimumf>, %select_n3A_203, %reduce_min3A_204 [1] : vector<128x2048xf32> to vector<128xf32>
    %broadcast_in_dim3A_206 = vector.shape_cast %reduce_min3A_205 : vector<128xf32> to vector<128x1xf32>
    %eq3A_207 = vector.broadcast %broadcast_in_dim3A_206 : vector<128x1xf32> to vector<128x2048xf32>
    %eq3A_208 = arith.cmpf oeq, %add3A_58, %eq3A_207 : vector<128x2048xf32>
    %jit3A_209 = arith.constant 3.000000e+38 : f32
    %broadcast_in_dim3A_210 = vector.broadcast %jit3A_209 : f32 to vector<128x2048xf32>
    %select_n3A_211 = arith.select %eq3A_208, %add3A_64, %broadcast_in_dim3A_210 : vector<128x2048xi1>, vector<128x2048xf32>
    %reduce_min3A_212 = arith.constant dense<0x7F800000> : vector<128xf32>
    %reduce_min3A_213 = vector.multi_reduction <minimumf>, %select_n3A_211, %reduce_min3A_212 [1] : vector<128x2048xf32> to vector<128xf32>
    %broadcast_in_dim3A_214 = vector.shape_cast %reduce_min3A_213 : vector<128xf32> to vector<128x1xf32>
    %convert_element_type3A_215 = arith.fptosi %broadcast_in_dim3A_214 : vector<128x1xf32> to vector<128x1xi32>
    %swap3A_216 = arith.constant 0 : index
    %swap3A_217 = arith.constant 0 : index
    %swap3A_218 = arith.constant 6 : index
    %swap3A_219 = vector.load %arg6[%swap3A_216, %swap3A_217, %swap3A_218] : memref<1x128x32xi32, #tpu.memory_space<vmem>>, vector<1x128x1xi32>
    %swap3A_220 = vector.shape_cast %swap3A_219 : vector<1x128x1xi32> to vector<128x1xi32>
    %swap3A_221 = vector.shape_cast %convert_element_type3A_215 : vector<128x1xi32> to vector<1x128x1xi32>
    tpu.vector_store %arg6[%swap3A_216, %swap3A_217, %swap3A_218], %swap3A_221 {strides = array<i32>} : memref<1x128x32xi32, #tpu.memory_space<vmem>>, vector<1x128x1xi32>,
    %gt3A_222 = vector.broadcast %broadcast_in_dim3A_206 : vector<128x1xf32> to vector<128x2048xf32>
    %gt3A_223 = arith.cmpf ogt, %add3A_58, %gt3A_222 : vector<128x2048xf32>
    %jit3A_224 = arith.constant 0x7F800000 : f32
    %broadcast_in_dim3A_225 = vector.broadcast %jit3A_224 : f32 to vector<128x2048xf32>
    %select_n3A_226 = arith.select %gt3A_223, %add3A_58, %broadcast_in_dim3A_225 : vector<128x2048xi1>, vector<128x2048xf32>
    %reduce_min3A_227 = arith.constant dense<0x7F800000> : vector<128xf32>
    %reduce_min3A_228 = vector.multi_reduction <minimumf>, %select_n3A_226, %reduce_min3A_227 [1] : vector<128x2048xf32> to vector<128xf32>
    %broadcast_in_dim3A_229 = vector.shape_cast %reduce_min3A_228 : vector<128xf32> to vector<128x1xf32>
    %eq3A_230 = vector.broadcast %broadcast_in_dim3A_229 : vector<128x1xf32> to vector<128x2048xf32>
    %eq3A_231 = arith.cmpf oeq, %add3A_58, %eq3A_230 : vector<128x2048xf32>
    %jit3A_232 = arith.constant 3.000000e+38 : f32
    %broadcast_in_dim3A_233 = vector.broadcast %jit3A_232 : f32 to vector<128x2048xf32>
    %select_n3A_234 = arith.select %eq3A_231, %add3A_64, %broadcast_in_dim3A_233 : vector<128x2048xi1>, vector<128x2048xf32>
    %reduce_min3A_235 = arith.constant dense<0x7F800000> : vector<128xf32>
    %reduce_min3A_236 = vector.multi_reduction <minimumf>, %select_n3A_234, %reduce_min3A_235 [1] : vector<128x2048xf32> to vector<128xf32>
    %broadcast_in_dim3A_237 = vector.shape_cast %reduce_min3A_236 : vector<128xf32> to vector<128x1xf32>
    %convert_element_type3A_238 = arith.fptosi %broadcast_in_dim3A_237 : vector<128x1xf32> to vector<128x1xi32>
    %swap3A_239 = arith.constant 0 : index
    %swap3A_240 = arith.constant 0 : index
    %swap3A_241 = arith.constant 7 : index
    %swap3A_242 = vector.load %arg6[%swap3A_239, %swap3A_240, %swap3A_241] : memref<1x128x32xi32, #tpu.memory_space<vmem>>, vector<1x128x1xi32>
    %swap3A_243 = vector.shape_cast %swap3A_242 : vector<1x128x1xi32> to vector<128x1xi32>
    %swap3A_244 = vector.shape_cast %convert_element_type3A_238 : vector<128x1xi32> to vector<1x128x1xi32>
    tpu.vector_store %arg6[%swap3A_239, %swap3A_240, %swap3A_241], %swap3A_244 {strides = array<i32>} : memref<1x128x32xi32, #tpu.memory_space<vmem>>, vector<1x128x1xi32>,
    %gt3A_245 = vector.broadcast %broadcast_in_dim3A_229 : vector<128x1xf32> to vector<128x2048xf32>
    %gt3A_246 = arith.cmpf ogt, %add3A_58, %gt3A_245 : vector<128x2048xf32>
    %jit3A_247 = arith.constant 0x7F800000 : f32
    %broadcast_in_dim3A_248 = vector.broadcast %jit3A_247 : f32 to vector<128x2048xf32>
    %select_n3A_249 = arith.select %gt3A_246, %add3A_58, %broadcast_in_dim3A_248 : vector<128x2048xi1>, vector<128x2048xf32>
    %reduce_min3A_250 = arith.constant dense<0x7F800000> : vector<128xf32>
    %reduce_min3A_251 = vector.multi_reduction <minimumf>, %select_n3A_249, %reduce_min3A_250 [1] : vector<128x2048xf32> to vector<128xf32>
    %broadcast_in_dim3A_252 = vector.shape_cast %reduce_min3A_251 : vector<128xf32> to vector<128x1xf32>
    %eq3A_253 = vector.broadcast %broadcast_in_dim3A_252 : vector<128x1xf32> to vector<128x2048xf32>
    %eq3A_254 = arith.cmpf oeq, %add3A_58, %eq3A_253 : vector<128x2048xf32>
    %jit3A_255 = arith.constant 3.000000e+38 : f32
    %broadcast_in_dim3A_256 = vector.broadcast %jit3A_255 : f32 to vector<128x2048xf32>
    %select_n3A_257 = arith.select %eq3A_254, %add3A_64, %broadcast_in_dim3A_256 : vector<128x2048xi1>, vector<128x2048xf32>
    %reduce_min3A_258 = arith.constant dense<0x7F800000> : vector<128xf32>
    %reduce_min3A_259 = vector.multi_reduction <minimumf>, %select_n3A_257, %reduce_min3A_258 [1] : vector<128x2048xf32> to vector<128xf32>
    %broadcast_in_dim3A_260 = vector.shape_cast %reduce_min3A_259 : vector<128xf32> to vector<128x1xf32>
    %convert_element_type3A_261 = arith.fptosi %broadcast_in_dim3A_260 : vector<128x1xf32> to vector<128x1xi32>
    %swap3A_262 = arith.constant 0 : index
    %swap3A_263 = arith.constant 0 : index
    %swap3A_264 = arith.constant 8 : index
    %swap3A_265 = vector.load %arg6[%swap3A_262, %swap3A_263, %swap3A_264] : memref<1x128x32xi32, #tpu.memory_space<vmem>>, vector<1x128x1xi32>
    %swap3A_266 = vector.shape_cast %swap3A_265 : vector<1x128x1xi32> to vector<128x1xi32>
    %swap3A_267 = vector.shape_cast %convert_element_type3A_261 : vector<128x1xi32> to vector<1x128x1xi32>
    tpu.vector_store %arg6[%swap3A_262, %swap3A_263, %swap3A_264], %swap3A_267 {strides = array<i32>} : memref<1x128x32xi32, #tpu.memory_space<vmem>>, vector<1x128x1xi32>,
    %gt3A_268 = vector.broadcast %broadcast_in_dim3A_252 : vector<128x1xf32> to vector<128x2048xf32>
    %gt3A_269 = arith.cmpf ogt, %add3A_58, %gt3A_268 : vector<128x2048xf32>
    %jit3A_270 = arith.constant 0x7F800000 : f32
    %broadcast_in_dim3A_271 = vector.broadcast %jit3A_270 : f32 to vector<128x2048xf32>
    %select_n3A_272 = arith.select %gt3A_269, %add3A_58, %broadcast_in_dim3A_271 : vector<128x2048xi1>, vector<128x2048xf32>
    %reduce_min3A_273 = arith.constant dense<0x7F800000> : vector<128xf32>
    %reduce_min3A_274 = vector.multi_reduction <minimumf>, %select_n3A_272, %reduce_min3A_273 [1] : vector<128x2048xf32> to vector<128xf32>
    %broadcast_in_dim3A_275 = vector.shape_cast %reduce_min3A_274 : vector<128xf32> to vector<128x1xf32>
    %eq3A_276 = vector.broadcast %broadcast_in_dim3A_275 : vector<128x1xf32> to vector<128x2048xf32>
    %eq3A_277 = arith.cmpf oeq, %add3A_58, %eq3A_276 : vector<128x2048xf32>
    %jit3A_278 = arith.constant 3.000000e+38 : f32
    %broadcast_in_dim3A_279 = vector.broadcast %jit3A_278 : f32 to vector<128x2048xf32>
    %select_n3A_280 = arith.select %eq3A_277, %add3A_64, %broadcast_in_dim3A_279 : vector<128x2048xi1>, vector<128x2048xf32>
    %reduce_min3A_281 = arith.constant dense<0x7F800000> : vector<128xf32>
    %reduce_min3A_282 = vector.multi_reduction <minimumf>, %select_n3A_280, %reduce_min3A_281 [1] : vector<128x2048xf32> to vector<128xf32>
    %broadcast_in_dim3A_283 = vector.shape_cast %reduce_min3A_282 : vector<128xf32> to vector<128x1xf32>
    %convert_element_type3A_284 = arith.fptosi %broadcast_in_dim3A_283 : vector<128x1xf32> to vector<128x1xi32>
    %swap3A_285 = arith.constant 0 : index
    %swap3A_286 = arith.constant 0 : index
    %swap3A_287 = arith.constant 9 : index
    %swap3A_288 = vector.load %arg6[%swap3A_285, %swap3A_286, %swap3A_287] : memref<1x128x32xi32, #tpu.memory_space<vmem>>, vector<1x128x1xi32>
    %swap3A_289 = vector.shape_cast %swap3A_288 : vector<1x128x1xi32> to vector<128x1xi32>
    %swap3A_290 = vector.shape_cast %convert_element_type3A_284 : vector<128x1xi32> to vector<1x128x1xi32>
    tpu.vector_store %arg6[%swap3A_285, %swap3A_286, %swap3A_287], %swap3A_290 {strides = array<i32>} : memref<1x128x32xi32, #tpu.memory_space<vmem>>, vector<1x128x1xi32>,
    %gt3A_291 = vector.broadcast %broadcast_in_dim3A_275 : vector<128x1xf32> to vector<128x2048xf32>
    %gt3A_292 = arith.cmpf ogt, %add3A_58, %gt3A_291 : vector<128x2048xf32>
    %jit3A_293 = arith.constant 0x7F800000 : f32
    %broadcast_in_dim3A_294 = vector.broadcast %jit3A_293 : f32 to vector<128x2048xf32>
    %select_n3A_295 = arith.select %gt3A_292, %add3A_58, %broadcast_in_dim3A_294 : vector<128x2048xi1>, vector<128x2048xf32>
    %reduce_min3A_296 = arith.constant dense<0x7F800000> : vector<128xf32>
    %reduce_min3A_297 = vector.multi_reduction <minimumf>, %select_n3A_295, %reduce_min3A_296 [1] : vector<128x2048xf32> to vector<128xf32>
    %broadcast_in_dim3A_298 = vector.shape_cast %reduce_min3A_297 : vector<128xf32> to vector<128x1xf32>
    %eq3A_299 = vector.broadcast %broadcast_in_dim3A_298 : vector<128x1xf32> to vector<128x2048xf32>
    %eq3A_300 = arith.cmpf oeq, %add3A_58, %eq3A_299 : vector<128x2048xf32>
    %jit3A_301 = arith.constant 3.000000e+38 : f32
    %broadcast_in_dim3A_302 = vector.broadcast %jit3A_301 : f32 to vector<128x2048xf32>
    %select_n3A_303 = arith.select %eq3A_300, %add3A_64, %broadcast_in_dim3A_302 : vector<128x2048xi1>, vector<128x2048xf32>
    %reduce_min3A_304 = arith.constant dense<0x7F800000> : vector<128xf32>
    %reduce_min3A_305 = vector.multi_reduction <minimumf>, %select_n3A_303, %reduce_min3A_304 [1] : vector<128x2048xf32> to vector<128xf32>
    %broadcast_in_dim3A_306 = vector.shape_cast %reduce_min3A_305 : vector<128xf32> to vector<128x1xf32>
    %convert_element_type3A_307 = arith.fptosi %broadcast_in_dim3A_306 : vector<128x1xf32> to vector<128x1xi32>
    %swap3A_308 = arith.constant 0 : index
    %swap3A_309 = arith.constant 0 : index
    %swap3A_310 = arith.constant 10 : index
    %swap3A_311 = vector.load %arg6[%swap3A_308, %swap3A_309, %swap3A_310] : memref<1x128x32xi32, #tpu.memory_space<vmem>>, vector<1x128x1xi32>
    %swap3A_312 = vector.shape_cast %swap3A_311 : vector<1x128x1xi32> to vector<128x1xi32>
    %swap3A_313 = vector.shape_cast %convert_element_type3A_307 : vector<128x1xi32> to vector<1x128x1xi32>
    tpu.vector_store %arg6[%swap3A_308, %swap3A_309, %swap3A_310], %swap3A_313 {strides = array<i32>} : memref<1x128x32xi32, #tpu.memory_space<vmem>>, vector<1x128x1xi32>,
    %gt3A_314 = vector.broadcast %broadcast_in_dim3A_298 : vector<128x1xf32> to vector<128x2048xf32>
    %gt3A_315 = arith.cmpf ogt, %add3A_58, %gt3A_314 : vector<128x2048xf32>
    %jit3A_316 = arith.constant 0x7F800000 : f32
    %broadcast_in_dim3A_317 = vector.broadcast %jit3A_316 : f32 to vector<128x2048xf32>
    %select_n3A_318 = arith.select %gt3A_315, %add3A_58, %broadcast_in_dim3A_317 : vector<128x2048xi1>, vector<128x2048xf32>
    %reduce_min3A_319 = arith.constant dense<0x7F800000> : vector<128xf32>
    %reduce_min3A_320 = vector.multi_reduction <minimumf>, %select_n3A_318, %reduce_min3A_319 [1] : vector<128x2048xf32> to vector<128xf32>
    %broadcast_in_dim3A_321 = vector.shape_cast %reduce_min3A_320 : vector<128xf32> to vector<128x1xf32>
    %eq3A_322 = vector.broadcast %broadcast_in_dim3A_321 : vector<128x1xf32> to vector<128x2048xf32>
    %eq3A_323 = arith.cmpf oeq, %add3A_58, %eq3A_322 : vector<128x2048xf32>
    %jit3A_324 = arith.constant 3.000000e+38 : f32
    %broadcast_in_dim3A_325 = vector.broadcast %jit3A_324 : f32 to vector<128x2048xf32>
    %select_n3A_326 = arith.select %eq3A_323, %add3A_64, %broadcast_in_dim3A_325 : vector<128x2048xi1>, vector<128x2048xf32>
    %reduce_min3A_327 = arith.constant dense<0x7F800000> : vector<128xf32>
    %reduce_min3A_328 = vector.multi_reduction <minimumf>, %select_n3A_326, %reduce_min3A_327 [1] : vector<128x2048xf32> to vector<128xf32>
    %broadcast_in_dim3A_329 = vector.shape_cast %reduce_min3A_328 : vector<128xf32> to vector<128x1xf32>
    %convert_element_type3A_330 = arith.fptosi %broadcast_in_dim3A_329 : vector<128x1xf32> to vector<128x1xi32>
    %swap3A_331 = arith.constant 0 : index
    %swap3A_332 = arith.constant 0 : index
    %swap3A_333 = arith.constant 11 : index
    %swap3A_334 = vector.load %arg6[%swap3A_331, %swap3A_332, %swap3A_333] : memref<1x128x32xi32, #tpu.memory_space<vmem>>, vector<1x128x1xi32>
    %swap3A_335 = vector.shape_cast %swap3A_334 : vector<1x128x1xi32> to vector<128x1xi32>
    %swap3A_336 = vector.shape_cast %convert_element_type3A_330 : vector<128x1xi32> to vector<1x128x1xi32>
    tpu.vector_store %arg6[%swap3A_331, %swap3A_332, %swap3A_333], %swap3A_336 {strides = array<i32>} : memref<1x128x32xi32, #tpu.memory_space<vmem>>, vector<1x128x1xi32>,
    %gt3A_337 = vector.broadcast %broadcast_in_dim3A_321 : vector<128x1xf32> to vector<128x2048xf32>
    %gt3A_338 = arith.cmpf ogt, %add3A_58, %gt3A_337 : vector<128x2048xf32>
    %jit3A_339 = arith.constant 0x7F800000 : f32
    %broadcast_in_dim3A_340 = vector.broadcast %jit3A_339 : f32 to vector<128x2048xf32>
    %select_n3A_341 = arith.select %gt3A_338, %add3A_58, %broadcast_in_dim3A_340 : vector<128x2048xi1>, vector<128x2048xf32>
    %reduce_min3A_342 = arith.constant dense<0x7F800000> : vector<128xf32>
    %reduce_min3A_343 = vector.multi_reduction <minimumf>, %select_n3A_341, %reduce_min3A_342 [1] : vector<128x2048xf32> to vector<128xf32>
    %broadcast_in_dim3A_344 = vector.shape_cast %reduce_min3A_343 : vector<128xf32> to vector<128x1xf32>
    %eq3A_345 = vector.broadcast %broadcast_in_dim3A_344 : vector<128x1xf32> to vector<128x2048xf32>
    %eq3A_346 = arith.cmpf oeq, %add3A_58, %eq3A_345 : vector<128x2048xf32>
    %jit3A_347 = arith.constant 3.000000e+38 : f32
    %broadcast_in_dim3A_348 = vector.broadcast %jit3A_347 : f32 to vector<128x2048xf32>
    %select_n3A_349 = arith.select %eq3A_346, %add3A_64, %broadcast_in_dim3A_348 : vector<128x2048xi1>, vector<128x2048xf32>
    %reduce_min3A_350 = arith.constant dense<0x7F800000> : vector<128xf32>
    %reduce_min3A_351 = vector.multi_reduction <minimumf>, %select_n3A_349, %reduce_min3A_350 [1] : vector<128x2048xf32> to vector<128xf32>
    %broadcast_in_dim3A_352 = vector.shape_cast %reduce_min3A_351 : vector<128xf32> to vector<128x1xf32>
    %convert_element_type3A_353 = arith.fptosi %broadcast_in_dim3A_352 : vector<128x1xf32> to vector<128x1xi32>
    %swap3A_354 = arith.constant 0 : index
    %swap3A_355 = arith.constant 0 : index
    %swap3A_356 = arith.constant 12 : index
    %swap3A_357 = vector.load %arg6[%swap3A_354, %swap3A_355, %swap3A_356] : memref<1x128x32xi32, #tpu.memory_space<vmem>>, vector<1x128x1xi32>
    %swap3A_358 = vector.shape_cast %swap3A_357 : vector<1x128x1xi32> to vector<128x1xi32>
    %swap3A_359 = vector.shape_cast %convert_element_type3A_353 : vector<128x1xi32> to vector<1x128x1xi32>
    tpu.vector_store %arg6[%swap3A_354, %swap3A_355, %swap3A_356], %swap3A_359 {strides = array<i32>} : memref<1x128x32xi32, #tpu.memory_space<vmem>>, vector<1x128x1xi32>,
    %gt3A_360 = vector.broadcast %broadcast_in_dim3A_344 : vector<128x1xf32> to vector<128x2048xf32>
    %gt3A_361 = arith.cmpf ogt, %add3A_58, %gt3A_360 : vector<128x2048xf32>
    %jit3A_362 = arith.constant 0x7F800000 : f32
    %broadcast_in_dim3A_363 = vector.broadcast %jit3A_362 : f32 to vector<128x2048xf32>
    %select_n3A_364 = arith.select %gt3A_361, %add3A_58, %broadcast_in_dim3A_363 : vector<128x2048xi1>, vector<128x2048xf32>
    %reduce_min3A_365 = arith.constant dense<0x7F800000> : vector<128xf32>
    %reduce_min3A_366 = vector.multi_reduction <minimumf>, %select_n3A_364, %reduce_min3A_365 [1] : vector<128x2048xf32> to vector<128xf32>
    %broadcast_in_dim3A_367 = vector.shape_cast %reduce_min3A_366 : vector<128xf32> to vector<128x1xf32>
    %eq3A_368 = vector.broadcast %broadcast_in_dim3A_367 : vector<128x1xf32> to vector<128x2048xf32>
    %eq3A_369 = arith.cmpf oeq, %add3A_58, %eq3A_368 : vector<128x2048xf32>
    %jit3A_370 = arith.constant 3.000000e+38 : f32
    %broadcast_in_dim3A_371 = vector.broadcast %jit3A_370 : f32 to vector<128x2048xf32>
    %select_n3A_372 = arith.select %eq3A_369, %add3A_64, %broadcast_in_dim3A_371 : vector<128x2048xi1>, vector<128x2048xf32>
    %reduce_min3A_373 = arith.constant dense<0x7F800000> : vector<128xf32>
    %reduce_min3A_374 = vector.multi_reduction <minimumf>, %select_n3A_372, %reduce_min3A_373 [1] : vector<128x2048xf32> to vector<128xf32>
    %broadcast_in_dim3A_375 = vector.shape_cast %reduce_min3A_374 : vector<128xf32> to vector<128x1xf32>
    %convert_element_type3A_376 = arith.fptosi %broadcast_in_dim3A_375 : vector<128x1xf32> to vector<128x1xi32>
    %swap3A_377 = arith.constant 0 : index
    %swap3A_378 = arith.constant 0 : index
    %swap3A_379 = arith.constant 13 : index
    %swap3A_380 = vector.load %arg6[%swap3A_377, %swap3A_378, %swap3A_379] : memref<1x128x32xi32, #tpu.memory_space<vmem>>, vector<1x128x1xi32>
    %swap3A_381 = vector.shape_cast %swap3A_380 : vector<1x128x1xi32> to vector<128x1xi32>
    %swap3A_382 = vector.shape_cast %convert_element_type3A_376 : vector<128x1xi32> to vector<1x128x1xi32>
    tpu.vector_store %arg6[%swap3A_377, %swap3A_378, %swap3A_379], %swap3A_382 {strides = array<i32>} : memref<1x128x32xi32, #tpu.memory_space<vmem>>, vector<1x128x1xi32>,
    %gt3A_383 = vector.broadcast %broadcast_in_dim3A_367 : vector<128x1xf32> to vector<128x2048xf32>
    %gt3A_384 = arith.cmpf ogt, %add3A_58, %gt3A_383 : vector<128x2048xf32>
    %jit3A_385 = arith.constant 0x7F800000 : f32
    %broadcast_in_dim3A_386 = vector.broadcast %jit3A_385 : f32 to vector<128x2048xf32>
    %select_n3A_387 = arith.select %gt3A_384, %add3A_58, %broadcast_in_dim3A_386 : vector<128x2048xi1>, vector<128x2048xf32>
    %reduce_min3A_388 = arith.constant dense<0x7F800000> : vector<128xf32>
    %reduce_min3A_389 = vector.multi_reduction <minimumf>, %select_n3A_387, %reduce_min3A_388 [1] : vector<128x2048xf32> to vector<128xf32>
    %broadcast_in_dim3A_390 = vector.shape_cast %reduce_min3A_389 : vector<128xf32> to vector<128x1xf32>
    %eq3A_391 = vector.broadcast %broadcast_in_dim3A_390 : vector<128x1xf32> to vector<128x2048xf32>
    %eq3A_392 = arith.cmpf oeq, %add3A_58, %eq3A_391 : vector<128x2048xf32>
    %jit3A_393 = arith.constant 3.000000e+38 : f32
    %broadcast_in_dim3A_394 = vector.broadcast %jit3A_393 : f32 to vector<128x2048xf32>
    %select_n3A_395 = arith.select %eq3A_392, %add3A_64, %broadcast_in_dim3A_394 : vector<128x2048xi1>, vector<128x2048xf32>
    %reduce_min3A_396 = arith.constant dense<0x7F800000> : vector<128xf32>
    %reduce_min3A_397 = vector.multi_reduction <minimumf>, %select_n3A_395, %reduce_min3A_396 [1] : vector<128x2048xf32> to vector<128xf32>
    %broadcast_in_dim3A_398 = vector.shape_cast %reduce_min3A_397 : vector<128xf32> to vector<128x1xf32>
    %convert_element_type3A_399 = arith.fptosi %broadcast_in_dim3A_398 : vector<128x1xf32> to vector<128x1xi32>
    %swap3A_400 = arith.constant 0 : index
    %swap3A_401 = arith.constant 0 : index
    %swap3A_402 = arith.constant 14 : index
    %swap3A_403 = vector.load %arg6[%swap3A_400, %swap3A_401, %swap3A_402] : memref<1x128x32xi32, #tpu.memory_space<vmem>>, vector<1x128x1xi32>
    %swap3A_404 = vector.shape_cast %swap3A_403 : vector<1x128x1xi32> to vector<128x1xi32>
    %swap3A_405 = vector.shape_cast %convert_element_type3A_399 : vector<128x1xi32> to vector<1x128x1xi32>
    tpu.vector_store %arg6[%swap3A_400, %swap3A_401, %swap3A_402], %swap3A_405 {strides = array<i32>} : memref<1x128x32xi32, #tpu.memory_space<vmem>>, vector<1x128x1xi32>,
    %gt3A_406 = vector.broadcast %broadcast_in_dim3A_390 : vector<128x1xf32> to vector<128x2048xf32>
    %gt3A_407 = arith.cmpf ogt, %add3A_58, %gt3A_406 : vector<128x2048xf32>
    %jit3A_408 = arith.constant 0x7F800000 : f32
    %broadcast_in_dim3A_409 = vector.broadcast %jit3A_408 : f32 to vector<128x2048xf32>
    %select_n3A_410 = arith.select %gt3A_407, %add3A_58, %broadcast_in_dim3A_409 : vector<128x2048xi1>, vector<128x2048xf32>
    %reduce_min3A_411 = arith.constant dense<0x7F800000> : vector<128xf32>
    %reduce_min3A_412 = vector.multi_reduction <minimumf>, %select_n3A_410, %reduce_min3A_411 [1] : vector<128x2048xf32> to vector<128xf32>
    %broadcast_in_dim3A_413 = vector.shape_cast %reduce_min3A_412 : vector<128xf32> to vector<128x1xf32>
    %eq3A_414 = vector.broadcast %broadcast_in_dim3A_413 : vector<128x1xf32> to vector<128x2048xf32>
    %eq3A_415 = arith.cmpf oeq, %add3A_58, %eq3A_414 : vector<128x2048xf32>
    %jit3A_416 = arith.constant 3.000000e+38 : f32
    %broadcast_in_dim3A_417 = vector.broadcast %jit3A_416 : f32 to vector<128x2048xf32>
    %select_n3A_418 = arith.select %eq3A_415, %add3A_64, %broadcast_in_dim3A_417 : vector<128x2048xi1>, vector<128x2048xf32>
    %reduce_min3A_419 = arith.constant dense<0x7F800000> : vector<128xf32>
    %reduce_min3A_420 = vector.multi_reduction <minimumf>, %select_n3A_418, %reduce_min3A_419 [1] : vector<128x2048xf32> to vector<128xf32>
    %broadcast_in_dim3A_421 = vector.shape_cast %reduce_min3A_420 : vector<128xf32> to vector<128x1xf32>
    %convert_element_type3A_422 = arith.fptosi %broadcast_in_dim3A_421 : vector<128x1xf32> to vector<128x1xi32>
    %swap3A_423 = arith.constant 0 : index
    %swap3A_424 = arith.constant 0 : index
    %swap3A_425 = arith.constant 15 : index
    %swap3A_426 = vector.load %arg6[%swap3A_423, %swap3A_424, %swap3A_425] : memref<1x128x32xi32, #tpu.memory_space<vmem>>, vector<1x128x1xi32>
    %swap3A_427 = vector.shape_cast %swap3A_426 : vector<1x128x1xi32> to vector<128x1xi32>
    %swap3A_428 = vector.shape_cast %convert_element_type3A_422 : vector<128x1xi32> to vector<1x128x1xi32>
    tpu.vector_store %arg6[%swap3A_423, %swap3A_424, %swap3A_425], %swap3A_428 {strides = array<i32>} : memref<1x128x32xi32, #tpu.memory_space<vmem>>, vector<1x128x1xi32>,
    %gt3A_429 = vector.broadcast %broadcast_in_dim3A_413 : vector<128x1xf32> to vector<128x2048xf32>
    %gt3A_430 = arith.cmpf ogt, %add3A_58, %gt3A_429 : vector<128x2048xf32>
    %jit3A_431 = arith.constant 0x7F800000 : f32
    %broadcast_in_dim3A_432 = vector.broadcast %jit3A_431 : f32 to vector<128x2048xf32>
    %select_n3A_433 = arith.select %gt3A_430, %add3A_58, %broadcast_in_dim3A_432 : vector<128x2048xi1>, vector<128x2048xf32>
    %reduce_min3A_434 = arith.constant dense<0x7F800000> : vector<128xf32>
    %reduce_min3A_435 = vector.multi_reduction <minimumf>, %select_n3A_433, %reduce_min3A_434 [1] : vector<128x2048xf32> to vector<128xf32>
    %broadcast_in_dim3A_436 = vector.shape_cast %reduce_min3A_435 : vector<128xf32> to vector<128x1xf32>
    %eq3A_437 = vector.broadcast %broadcast_in_dim3A_436 : vector<128x1xf32> to vector<128x2048xf32>
    %eq3A_438 = arith.cmpf oeq, %add3A_58, %eq3A_437 : vector<128x2048xf32>
    %jit3A_439 = arith.constant 3.000000e+38 : f32
    %broadcast_in_dim3A_440 = vector.broadcast %jit3A_439 : f32 to vector<128x2048xf32>
    %select_n3A_441 = arith.select %eq3A_438, %add3A_64, %broadcast_in_dim3A_440 : vector<128x2048xi1>, vector<128x2048xf32>
    %reduce_min3A_442 = arith.constant dense<0x7F800000> : vector<128xf32>
    %reduce_min3A_443 = vector.multi_reduction <minimumf>, %select_n3A_441, %reduce_min3A_442 [1] : vector<128x2048xf32> to vector<128xf32>
    %broadcast_in_dim3A_444 = vector.shape_cast %reduce_min3A_443 : vector<128xf32> to vector<128x1xf32>
    %convert_element_type3A_445 = arith.fptosi %broadcast_in_dim3A_444 : vector<128x1xf32> to vector<128x1xi32>
    %swap3A_446 = arith.constant 0 : index
    %swap3A_447 = arith.constant 0 : index
    %swap3A_448 = arith.constant 16 : index
    %swap3A_449 = vector.load %arg6[%swap3A_446, %swap3A_447, %swap3A_448] : memref<1x128x32xi32, #tpu.memory_space<vmem>>, vector<1x128x1xi32>
    %swap3A_450 = vector.shape_cast %swap3A_449 : vector<1x128x1xi32> to vector<128x1xi32>
    %swap3A_451 = vector.shape_cast %convert_element_type3A_445 : vector<128x1xi32> to vector<1x128x1xi32>
    tpu.vector_store %arg6[%swap3A_446, %swap3A_447, %swap3A_448], %swap3A_451 {strides = array<i32>} : memref<1x128x32xi32, #tpu.memory_space<vmem>>, vector<1x128x1xi32>,
    %gt3A_452 = vector.broadcast %broadcast_in_dim3A_436 : vector<128x1xf32> to vector<128x2048xf32>
    %gt3A_453 = arith.cmpf ogt, %add3A_58, %gt3A_452 : vector<128x2048xf32>
    %jit3A_454 = arith.constant 0x7F800000 : f32
    %broadcast_in_dim3A_455 = vector.broadcast %jit3A_454 : f32 to vector<128x2048xf32>
    %select_n3A_456 = arith.select %gt3A_453, %add3A_58, %broadcast_in_dim3A_455 : vector<128x2048xi1>, vector<128x2048xf32>
    %reduce_min3A_457 = arith.constant dense<0x7F800000> : vector<128xf32>
    %reduce_min3A_458 = vector.multi_reduction <minimumf>, %select_n3A_456, %reduce_min3A_457 [1] : vector<128x2048xf32> to vector<128xf32>
    %broadcast_in_dim3A_459 = vector.shape_cast %reduce_min3A_458 : vector<128xf32> to vector<128x1xf32>
    %eq3A_460 = vector.broadcast %broadcast_in_dim3A_459 : vector<128x1xf32> to vector<128x2048xf32>
    %eq3A_461 = arith.cmpf oeq, %add3A_58, %eq3A_460 : vector<128x2048xf32>
    %jit3A_462 = arith.constant 3.000000e+38 : f32
    %broadcast_in_dim3A_463 = vector.broadcast %jit3A_462 : f32 to vector<128x2048xf32>
    %select_n3A_464 = arith.select %eq3A_461, %add3A_64, %broadcast_in_dim3A_463 : vector<128x2048xi1>, vector<128x2048xf32>
    %reduce_min3A_465 = arith.constant dense<0x7F800000> : vector<128xf32>
    %reduce_min3A_466 = vector.multi_reduction <minimumf>, %select_n3A_464, %reduce_min3A_465 [1] : vector<128x2048xf32> to vector<128xf32>
    %broadcast_in_dim3A_467 = vector.shape_cast %reduce_min3A_466 : vector<128xf32> to vector<128x1xf32>
    %convert_element_type3A_468 = arith.fptosi %broadcast_in_dim3A_467 : vector<128x1xf32> to vector<128x1xi32>
    %swap3A_469 = arith.constant 0 : index
    %swap3A_470 = arith.constant 0 : index
    %swap3A_471 = arith.constant 17 : index
    %swap3A_472 = vector.load %arg6[%swap3A_469, %swap3A_470, %swap3A_471] : memref<1x128x32xi32, #tpu.memory_space<vmem>>, vector<1x128x1xi32>
    %swap3A_473 = vector.shape_cast %swap3A_472 : vector<1x128x1xi32> to vector<128x1xi32>
    %swap3A_474 = vector.shape_cast %convert_element_type3A_468 : vector<128x1xi32> to vector<1x128x1xi32>
    tpu.vector_store %arg6[%swap3A_469, %swap3A_470, %swap3A_471], %swap3A_474 {strides = array<i32>} : memref<1x128x32xi32, #tpu.memory_space<vmem>>, vector<1x128x1xi32>,
    %gt3A_475 = vector.broadcast %broadcast_in_dim3A_459 : vector<128x1xf32> to vector<128x2048xf32>
    %gt3A_476 = arith.cmpf ogt, %add3A_58, %gt3A_475 : vector<128x2048xf32>
    %jit3A_477 = arith.constant 0x7F800000 : f32
    %broadcast_in_dim3A_478 = vector.broadcast %jit3A_477 : f32 to vector<128x2048xf32>
    %select_n3A_479 = arith.select %gt3A_476, %add3A_58, %broadcast_in_dim3A_478 : vector<128x2048xi1>, vector<128x2048xf32>
    %reduce_min3A_480 = arith.constant dense<0x7F800000> : vector<128xf32>
    %reduce_min3A_481 = vector.multi_reduction <minimumf>, %select_n3A_479, %reduce_min3A_480 [1] : vector<128x2048xf32> to vector<128xf32>
    %broadcast_in_dim3A_482 = vector.shape_cast %reduce_min3A_481 : vector<128xf32> to vector<128x1xf32>
    %eq3A_483 = vector.broadcast %broadcast_in_dim3A_482 : vector<128x1xf32> to vector<128x2048xf32>
    %eq3A_484 = arith.cmpf oeq, %add3A_58, %eq3A_483 : vector<128x2048xf32>
    %jit3A_485 = arith.constant 3.000000e+38 : f32
    %broadcast_in_dim3A_486 = vector.broadcast %jit3A_485 : f32 to vector<128x2048xf32>
    %select_n3A_487 = arith.select %eq3A_484, %add3A_64, %broadcast_in_dim3A_486 : vector<128x2048xi1>, vector<128x2048xf32>
    %reduce_min3A_488 = arith.constant dense<0x7F800000> : vector<128xf32>
    %reduce_min3A_489 = vector.multi_reduction <minimumf>, %select_n3A_487, %reduce_min3A_488 [1] : vector<128x2048xf32> to vector<128xf32>
    %broadcast_in_dim3A_490 = vector.shape_cast %reduce_min3A_489 : vector<128xf32> to vector<128x1xf32>
    %convert_element_type3A_491 = arith.fptosi %broadcast_in_dim3A_490 : vector<128x1xf32> to vector<128x1xi32>
    %swap3A_492 = arith.constant 0 : index
    %swap3A_493 = arith.constant 0 : index
    %swap3A_494 = arith.constant 18 : index
    %swap3A_495 = vector.load %arg6[%swap3A_492, %swap3A_493, %swap3A_494] : memref<1x128x32xi32, #tpu.memory_space<vmem>>, vector<1x128x1xi32>
    %swap3A_496 = vector.shape_cast %swap3A_495 : vector<1x128x1xi32> to vector<128x1xi32>
    %swap3A_497 = vector.shape_cast %convert_element_type3A_491 : vector<128x1xi32> to vector<1x128x1xi32>
    tpu.vector_store %arg6[%swap3A_492, %swap3A_493, %swap3A_494], %swap3A_497 {strides = array<i32>} : memref<1x128x32xi32, #tpu.memory_space<vmem>>, vector<1x128x1xi32>,
    %gt3A_498 = vector.broadcast %broadcast_in_dim3A_482 : vector<128x1xf32> to vector<128x2048xf32>
    %gt3A_499 = arith.cmpf ogt, %add3A_58, %gt3A_498 : vector<128x2048xf32>
    %jit3A_500 = arith.constant 0x7F800000 : f32
    %broadcast_in_dim3A_501 = vector.broadcast %jit3A_500 : f32 to vector<128x2048xf32>
    %select_n3A_502 = arith.select %gt3A_499, %add3A_58, %broadcast_in_dim3A_501 : vector<128x2048xi1>, vector<128x2048xf32>
    %reduce_min3A_503 = arith.constant dense<0x7F800000> : vector<128xf32>
    %reduce_min3A_504 = vector.multi_reduction <minimumf>, %select_n3A_502, %reduce_min3A_503 [1] : vector<128x2048xf32> to vector<128xf32>
    %broadcast_in_dim3A_505 = vector.shape_cast %reduce_min3A_504 : vector<128xf32> to vector<128x1xf32>
    %eq3A_506 = vector.broadcast %broadcast_in_dim3A_505 : vector<128x1xf32> to vector<128x2048xf32>
    %eq3A_507 = arith.cmpf oeq, %add3A_58, %eq3A_506 : vector<128x2048xf32>
    %jit3A_508 = arith.constant 3.000000e+38 : f32
    %broadcast_in_dim3A_509 = vector.broadcast %jit3A_508 : f32 to vector<128x2048xf32>
    %select_n3A_510 = arith.select %eq3A_507, %add3A_64, %broadcast_in_dim3A_509 : vector<128x2048xi1>, vector<128x2048xf32>
    %reduce_min3A_511 = arith.constant dense<0x7F800000> : vector<128xf32>
    %reduce_min3A_512 = vector.multi_reduction <minimumf>, %select_n3A_510, %reduce_min3A_511 [1] : vector<128x2048xf32> to vector<128xf32>
    %broadcast_in_dim3A_513 = vector.shape_cast %reduce_min3A_512 : vector<128xf32> to vector<128x1xf32>
    %convert_element_type3A_514 = arith.fptosi %broadcast_in_dim3A_513 : vector<128x1xf32> to vector<128x1xi32>
    %swap3A_515 = arith.constant 0 : index
    %swap3A_516 = arith.constant 0 : index
    %swap3A_517 = arith.constant 19 : index
    %swap3A_518 = vector.load %arg6[%swap3A_515, %swap3A_516, %swap3A_517] : memref<1x128x32xi32, #tpu.memory_space<vmem>>, vector<1x128x1xi32>
    %swap3A_519 = vector.shape_cast %swap3A_518 : vector<1x128x1xi32> to vector<128x1xi32>
    %swap3A_520 = vector.shape_cast %convert_element_type3A_514 : vector<128x1xi32> to vector<1x128x1xi32>
    tpu.vector_store %arg6[%swap3A_515, %swap3A_516, %swap3A_517], %swap3A_520 {strides = array<i32>} : memref<1x128x32xi32, #tpu.memory_space<vmem>>, vector<1x128x1xi32>,
    %gt3A_521 = vector.broadcast %broadcast_in_dim3A_505 : vector<128x1xf32> to vector<128x2048xf32>
    %gt3A_522 = arith.cmpf ogt, %add3A_58, %gt3A_521 : vector<128x2048xf32>
    %jit3A_523 = arith.constant 0x7F800000 : f32
    %broadcast_in_dim3A_524 = vector.broadcast %jit3A_523 : f32 to vector<128x2048xf32>
    %select_n3A_525 = arith.select %gt3A_522, %add3A_58, %broadcast_in_dim3A_524 : vector<128x2048xi1>, vector<128x2048xf32>
    %reduce_min3A_526 = arith.constant dense<0x7F800000> : vector<128xf32>
    %reduce_min3A_527 = vector.multi_reduction <minimumf>, %select_n3A_525, %reduce_min3A_526 [1] : vector<128x2048xf32> to vector<128xf32>
    %broadcast_in_dim3A_528 = vector.shape_cast %reduce_min3A_527 : vector<128xf32> to vector<128x1xf32>
    %eq3A_529 = vector.broadcast %broadcast_in_dim3A_528 : vector<128x1xf32> to vector<128x2048xf32>
    %eq3A_530 = arith.cmpf oeq, %add3A_58, %eq3A_529 : vector<128x2048xf32>
    %jit3A_531 = arith.constant 3.000000e+38 : f32
    %broadcast_in_dim3A_532 = vector.broadcast %jit3A_531 : f32 to vector<128x2048xf32>
    %select_n3A_533 = arith.select %eq3A_530, %add3A_64, %broadcast_in_dim3A_532 : vector<128x2048xi1>, vector<128x2048xf32>
    %reduce_min3A_534 = arith.constant dense<0x7F800000> : vector<128xf32>
    %reduce_min3A_535 = vector.multi_reduction <minimumf>, %select_n3A_533, %reduce_min3A_534 [1] : vector<128x2048xf32> to vector<128xf32>
    %broadcast_in_dim3A_536 = vector.shape_cast %reduce_min3A_535 : vector<128xf32> to vector<128x1xf32>
    %convert_element_type3A_537 = arith.fptosi %broadcast_in_dim3A_536 : vector<128x1xf32> to vector<128x1xi32>
    %swap3A_538 = arith.constant 0 : index
    %swap3A_539 = arith.constant 0 : index
    %swap3A_540 = arith.constant 20 : index
    %swap3A_541 = vector.load %arg6[%swap3A_538, %swap3A_539, %swap3A_540] : memref<1x128x32xi32, #tpu.memory_space<vmem>>, vector<1x128x1xi32>
    %swap3A_542 = vector.shape_cast %swap3A_541 : vector<1x128x1xi32> to vector<128x1xi32>
    %swap3A_543 = vector.shape_cast %convert_element_type3A_537 : vector<128x1xi32> to vector<1x128x1xi32>
    tpu.vector_store %arg6[%swap3A_538, %swap3A_539, %swap3A_540], %swap3A_543 {strides = array<i32>} : memref<1x128x32xi32, #tpu.memory_space<vmem>>, vector<1x128x1xi32>,
    %gt3A_544 = vector.broadcast %broadcast_in_dim3A_528 : vector<128x1xf32> to vector<128x2048xf32>
    %gt3A_545 = arith.cmpf ogt, %add3A_58, %gt3A_544 : vector<128x2048xf32>
    %jit3A_546 = arith.constant 0x7F800000 : f32
    %broadcast_in_dim3A_547 = vector.broadcast %jit3A_546 : f32 to vector<128x2048xf32>
    %select_n3A_548 = arith.select %gt3A_545, %add3A_58, %broadcast_in_dim3A_547 : vector<128x2048xi1>, vector<128x2048xf32>
    %reduce_min3A_549 = arith.constant dense<0x7F800000> : vector<128xf32>
    %reduce_min3A_550 = vector.multi_reduction <minimumf>, %select_n3A_548, %reduce_min3A_549 [1] : vector<128x2048xf32> to vector<128xf32>
    %broadcast_in_dim3A_551 = vector.shape_cast %reduce_min3A_550 : vector<128xf32> to vector<128x1xf32>
    %eq3A_552 = vector.broadcast %broadcast_in_dim3A_551 : vector<128x1xf32> to vector<128x2048xf32>
    %eq3A_553 = arith.cmpf oeq, %add3A_58, %eq3A_552 : vector<128x2048xf32>
    %jit3A_554 = arith.constant 3.000000e+38 : f32
    %broadcast_in_dim3A_555 = vector.broadcast %jit3A_554 : f32 to vector<128x2048xf32>
    %select_n3A_556 = arith.select %eq3A_553, %add3A_64, %broadcast_in_dim3A_555 : vector<128x2048xi1>, vector<128x2048xf32>
    %reduce_min3A_557 = arith.constant dense<0x7F800000> : vector<128xf32>
    %reduce_min3A_558 = vector.multi_reduction <minimumf>, %select_n3A_556, %reduce_min3A_557 [1] : vector<128x2048xf32> to vector<128xf32>
    %broadcast_in_dim3A_559 = vector.shape_cast %reduce_min3A_558 : vector<128xf32> to vector<128x1xf32>
    %convert_element_type3A_560 = arith.fptosi %broadcast_in_dim3A_559 : vector<128x1xf32> to vector<128x1xi32>
    %swap3A_561 = arith.constant 0 : index
    %swap3A_562 = arith.constant 0 : index
    %swap3A_563 = arith.constant 21 : index
    %swap3A_564 = vector.load %arg6[%swap3A_561, %swap3A_562, %swap3A_563] : memref<1x128x32xi32, #tpu.memory_space<vmem>>, vector<1x128x1xi32>
    %swap3A_565 = vector.shape_cast %swap3A_564 : vector<1x128x1xi32> to vector<128x1xi32>
    %swap3A_566 = vector.shape_cast %convert_element_type3A_560 : vector<128x1xi32> to vector<1x128x1xi32>
    tpu.vector_store %arg6[%swap3A_561, %swap3A_562, %swap3A_563], %swap3A_566 {strides = array<i32>} : memref<1x128x32xi32, #tpu.memory_space<vmem>>, vector<1x128x1xi32>,
    %gt3A_567 = vector.broadcast %broadcast_in_dim3A_551 : vector<128x1xf32> to vector<128x2048xf32>
    %gt3A_568 = arith.cmpf ogt, %add3A_58, %gt3A_567 : vector<128x2048xf32>
    %jit3A_569 = arith.constant 0x7F800000 : f32
    %broadcast_in_dim3A_570 = vector.broadcast %jit3A_569 : f32 to vector<128x2048xf32>
    %select_n3A_571 = arith.select %gt3A_568, %add3A_58, %broadcast_in_dim3A_570 : vector<128x2048xi1>, vector<128x2048xf32>
    %reduce_min3A_572 = arith.constant dense<0x7F800000> : vector<128xf32>
    %reduce_min3A_573 = vector.multi_reduction <minimumf>, %select_n3A_571, %reduce_min3A_572 [1] : vector<128x2048xf32> to vector<128xf32>
    %broadcast_in_dim3A_574 = vector.shape_cast %reduce_min3A_573 : vector<128xf32> to vector<128x1xf32>
    %eq3A_575 = vector.broadcast %broadcast_in_dim3A_574 : vector<128x1xf32> to vector<128x2048xf32>
    %eq3A_576 = arith.cmpf oeq, %add3A_58, %eq3A_575 : vector<128x2048xf32>
    %jit3A_577 = arith.constant 3.000000e+38 : f32
    %broadcast_in_dim3A_578 = vector.broadcast %jit3A_577 : f32 to vector<128x2048xf32>
    %select_n3A_579 = arith.select %eq3A_576, %add3A_64, %broadcast_in_dim3A_578 : vector<128x2048xi1>, vector<128x2048xf32>
    %reduce_min3A_580 = arith.constant dense<0x7F800000> : vector<128xf32>
    %reduce_min3A_581 = vector.multi_reduction <minimumf>, %select_n3A_579, %reduce_min3A_580 [1] : vector<128x2048xf32> to vector<128xf32>
    %broadcast_in_dim3A_582 = vector.shape_cast %reduce_min3A_581 : vector<128xf32> to vector<128x1xf32>
    %convert_element_type3A_583 = arith.fptosi %broadcast_in_dim3A_582 : vector<128x1xf32> to vector<128x1xi32>
    %swap3A_584 = arith.constant 0 : index
    %swap3A_585 = arith.constant 0 : index
    %swap3A_586 = arith.constant 22 : index
    %swap3A_587 = vector.load %arg6[%swap3A_584, %swap3A_585, %swap3A_586] : memref<1x128x32xi32, #tpu.memory_space<vmem>>, vector<1x128x1xi32>
    %swap3A_588 = vector.shape_cast %swap3A_587 : vector<1x128x1xi32> to vector<128x1xi32>
    %swap3A_589 = vector.shape_cast %convert_element_type3A_583 : vector<128x1xi32> to vector<1x128x1xi32>
    tpu.vector_store %arg6[%swap3A_584, %swap3A_585, %swap3A_586], %swap3A_589 {strides = array<i32>} : memref<1x128x32xi32, #tpu.memory_space<vmem>>, vector<1x128x1xi32>,
    %gt3A_590 = vector.broadcast %broadcast_in_dim3A_574 : vector<128x1xf32> to vector<128x2048xf32>
    %gt3A_591 = arith.cmpf ogt, %add3A_58, %gt3A_590 : vector<128x2048xf32>
    %jit3A_592 = arith.constant 0x7F800000 : f32
    %broadcast_in_dim3A_593 = vector.broadcast %jit3A_592 : f32 to vector<128x2048xf32>
    %select_n3A_594 = arith.select %gt3A_591, %add3A_58, %broadcast_in_dim3A_593 : vector<128x2048xi1>, vector<128x2048xf32>
    %reduce_min3A_595 = arith.constant dense<0x7F800000> : vector<128xf32>
    %reduce_min3A_596 = vector.multi_reduction <minimumf>, %select_n3A_594, %reduce_min3A_595 [1] : vector<128x2048xf32> to vector<128xf32>
    %broadcast_in_dim3A_597 = vector.shape_cast %reduce_min3A_596 : vector<128xf32> to vector<128x1xf32>
    %eq3A_598 = vector.broadcast %broadcast_in_dim3A_597 : vector<128x1xf32> to vector<128x2048xf32>
    %eq3A_599 = arith.cmpf oeq, %add3A_58, %eq3A_598 : vector<128x2048xf32>
    %jit3A_600 = arith.constant 3.000000e+38 : f32
    %broadcast_in_dim3A_601 = vector.broadcast %jit3A_600 : f32 to vector<128x2048xf32>
    %select_n3A_602 = arith.select %eq3A_599, %add3A_64, %broadcast_in_dim3A_601 : vector<128x2048xi1>, vector<128x2048xf32>
    %reduce_min3A_603 = arith.constant dense<0x7F800000> : vector<128xf32>
    %reduce_min3A_604 = vector.multi_reduction <minimumf>, %select_n3A_602, %reduce_min3A_603 [1] : vector<128x2048xf32> to vector<128xf32>
    %broadcast_in_dim3A_605 = vector.shape_cast %reduce_min3A_604 : vector<128xf32> to vector<128x1xf32>
    %convert_element_type3A_606 = arith.fptosi %broadcast_in_dim3A_605 : vector<128x1xf32> to vector<128x1xi32>
    %swap3A_607 = arith.constant 0 : index
    %swap3A_608 = arith.constant 0 : index
    %swap3A_609 = arith.constant 23 : index
    %swap3A_610 = vector.load %arg6[%swap3A_607, %swap3A_608, %swap3A_609] : memref<1x128x32xi32, #tpu.memory_space<vmem>>, vector<1x128x1xi32>
    %swap3A_611 = vector.shape_cast %swap3A_610 : vector<1x128x1xi32> to vector<128x1xi32>
    %swap3A_612 = vector.shape_cast %convert_element_type3A_606 : vector<128x1xi32> to vector<1x128x1xi32>
    tpu.vector_store %arg6[%swap3A_607, %swap3A_608, %swap3A_609], %swap3A_612 {strides = array<i32>} : memref<1x128x32xi32, #tpu.memory_space<vmem>>, vector<1x128x1xi32>,
    %gt3A_613 = vector.broadcast %broadcast_in_dim3A_597 : vector<128x1xf32> to vector<128x2048xf32>
    %gt3A_614 = arith.cmpf ogt, %add3A_58, %gt3A_613 : vector<128x2048xf32>
    %jit3A_615 = arith.constant 0x7F800000 : f32
    %broadcast_in_dim3A_616 = vector.broadcast %jit3A_615 : f32 to vector<128x2048xf32>
    %select_n3A_617 = arith.select %gt3A_614, %add3A_58, %broadcast_in_dim3A_616 : vector<128x2048xi1>, vector<128x2048xf32>
    %reduce_min3A_618 = arith.constant dense<0x7F800000> : vector<128xf32>
    %reduce_min3A_619 = vector.multi_reduction <minimumf>, %select_n3A_617, %reduce_min3A_618 [1] : vector<128x2048xf32> to vector<128xf32>
    %broadcast_in_dim3A_620 = vector.shape_cast %reduce_min3A_619 : vector<128xf32> to vector<128x1xf32>
    %eq3A_621 = vector.broadcast %broadcast_in_dim3A_620 : vector<128x1xf32> to vector<128x2048xf32>
    %eq3A_622 = arith.cmpf oeq, %add3A_58, %eq3A_621 : vector<128x2048xf32>
    %jit3A_623 = arith.constant 3.000000e+38 : f32
    %broadcast_in_dim3A_624 = vector.broadcast %jit3A_623 : f32 to vector<128x2048xf32>
    %select_n3A_625 = arith.select %eq3A_622, %add3A_64, %broadcast_in_dim3A_624 : vector<128x2048xi1>, vector<128x2048xf32>
    %reduce_min3A_626 = arith.constant dense<0x7F800000> : vector<128xf32>
    %reduce_min3A_627 = vector.multi_reduction <minimumf>, %select_n3A_625, %reduce_min3A_626 [1] : vector<128x2048xf32> to vector<128xf32>
    %broadcast_in_dim3A_628 = vector.shape_cast %reduce_min3A_627 : vector<128xf32> to vector<128x1xf32>
    %convert_element_type3A_629 = arith.fptosi %broadcast_in_dim3A_628 : vector<128x1xf32> to vector<128x1xi32>
    %swap3A_630 = arith.constant 0 : index
    %swap3A_631 = arith.constant 0 : index
    %swap3A_632 = arith.constant 24 : index
    %swap3A_633 = vector.load %arg6[%swap3A_630, %swap3A_631, %swap3A_632] : memref<1x128x32xi32, #tpu.memory_space<vmem>>, vector<1x128x1xi32>
    %swap3A_634 = vector.shape_cast %swap3A_633 : vector<1x128x1xi32> to vector<128x1xi32>
    %swap3A_635 = vector.shape_cast %convert_element_type3A_629 : vector<128x1xi32> to vector<1x128x1xi32>
    tpu.vector_store %arg6[%swap3A_630, %swap3A_631, %swap3A_632], %swap3A_635 {strides = array<i32>} : memref<1x128x32xi32, #tpu.memory_space<vmem>>, vector<1x128x1xi32>,
    %gt3A_636 = vector.broadcast %broadcast_in_dim3A_620 : vector<128x1xf32> to vector<128x2048xf32>
    %gt3A_637 = arith.cmpf ogt, %add3A_58, %gt3A_636 : vector<128x2048xf32>
    %jit3A_638 = arith.constant 0x7F800000 : f32
    %broadcast_in_dim3A_639 = vector.broadcast %jit3A_638 : f32 to vector<128x2048xf32>
    %select_n3A_640 = arith.select %gt3A_637, %add3A_58, %broadcast_in_dim3A_639 : vector<128x2048xi1>, vector<128x2048xf32>
    %reduce_min3A_641 = arith.constant dense<0x7F800000> : vector<128xf32>
    %reduce_min3A_642 = vector.multi_reduction <minimumf>, %select_n3A_640, %reduce_min3A_641 [1] : vector<128x2048xf32> to vector<128xf32>
    %broadcast_in_dim3A_643 = vector.shape_cast %reduce_min3A_642 : vector<128xf32> to vector<128x1xf32>
    %eq3A_644 = vector.broadcast %broadcast_in_dim3A_643 : vector<128x1xf32> to vector<128x2048xf32>
    %eq3A_645 = arith.cmpf oeq, %add3A_58, %eq3A_644 : vector<128x2048xf32>
    %jit3A_646 = arith.constant 3.000000e+38 : f32
    %broadcast_in_dim3A_647 = vector.broadcast %jit3A_646 : f32 to vector<128x2048xf32>
    %select_n3A_648 = arith.select %eq3A_645, %add3A_64, %broadcast_in_dim3A_647 : vector<128x2048xi1>, vector<128x2048xf32>
    %reduce_min3A_649 = arith.constant dense<0x7F800000> : vector<128xf32>
    %reduce_min3A_650 = vector.multi_reduction <minimumf>, %select_n3A_648, %reduce_min3A_649 [1] : vector<128x2048xf32> to vector<128xf32>
    %broadcast_in_dim3A_651 = vector.shape_cast %reduce_min3A_650 : vector<128xf32> to vector<128x1xf32>
    %convert_element_type3A_652 = arith.fptosi %broadcast_in_dim3A_651 : vector<128x1xf32> to vector<128x1xi32>
    %swap3A_653 = arith.constant 0 : index
    %swap3A_654 = arith.constant 0 : index
    %swap3A_655 = arith.constant 25 : index
    %swap3A_656 = vector.load %arg6[%swap3A_653, %swap3A_654, %swap3A_655] : memref<1x128x32xi32, #tpu.memory_space<vmem>>, vector<1x128x1xi32>
    %swap3A_657 = vector.shape_cast %swap3A_656 : vector<1x128x1xi32> to vector<128x1xi32>
    %swap3A_658 = vector.shape_cast %convert_element_type3A_652 : vector<128x1xi32> to vector<1x128x1xi32>
    tpu.vector_store %arg6[%swap3A_653, %swap3A_654, %swap3A_655], %swap3A_658 {strides = array<i32>} : memref<1x128x32xi32, #tpu.memory_space<vmem>>, vector<1x128x1xi32>,
    %gt3A_659 = vector.broadcast %broadcast_in_dim3A_643 : vector<128x1xf32> to vector<128x2048xf32>
    %gt3A_660 = arith.cmpf ogt, %add3A_58, %gt3A_659 : vector<128x2048xf32>
    %jit3A_661 = arith.constant 0x7F800000 : f32
    %broadcast_in_dim3A_662 = vector.broadcast %jit3A_661 : f32 to vector<128x2048xf32>
    %select_n3A_663 = arith.select %gt3A_660, %add3A_58, %broadcast_in_dim3A_662 : vector<128x2048xi1>, vector<128x2048xf32>
    %reduce_min3A_664 = arith.constant dense<0x7F800000> : vector<128xf32>
    %reduce_min3A_665 = vector.multi_reduction <minimumf>, %select_n3A_663, %reduce_min3A_664 [1] : vector<128x2048xf32> to vector<128xf32>
    %broadcast_in_dim3A_666 = vector.shape_cast %reduce_min3A_665 : vector<128xf32> to vector<128x1xf32>
    %eq3A_667 = vector.broadcast %broadcast_in_dim3A_666 : vector<128x1xf32> to vector<128x2048xf32>
    %eq3A_668 = arith.cmpf oeq, %add3A_58, %eq3A_667 : vector<128x2048xf32>
    %jit3A_669 = arith.constant 3.000000e+38 : f32
    %broadcast_in_dim3A_670 = vector.broadcast %jit3A_669 : f32 to vector<128x2048xf32>
    %select_n3A_671 = arith.select %eq3A_668, %add3A_64, %broadcast_in_dim3A_670 : vector<128x2048xi1>, vector<128x2048xf32>
    %reduce_min3A_672 = arith.constant dense<0x7F800000> : vector<128xf32>
    %reduce_min3A_673 = vector.multi_reduction <minimumf>, %select_n3A_671, %reduce_min3A_672 [1] : vector<128x2048xf32> to vector<128xf32>
    %broadcast_in_dim3A_674 = vector.shape_cast %reduce_min3A_673 : vector<128xf32> to vector<128x1xf32>
    %convert_element_type3A_675 = arith.fptosi %broadcast_in_dim3A_674 : vector<128x1xf32> to vector<128x1xi32>
    %swap3A_676 = arith.constant 0 : index
    %swap3A_677 = arith.constant 0 : index
    %swap3A_678 = arith.constant 26 : index
    %swap3A_679 = vector.load %arg6[%swap3A_676, %swap3A_677, %swap3A_678] : memref<1x128x32xi32, #tpu.memory_space<vmem>>, vector<1x128x1xi32>
    %swap3A_680 = vector.shape_cast %swap3A_679 : vector<1x128x1xi32> to vector<128x1xi32>
    %swap3A_681 = vector.shape_cast %convert_element_type3A_675 : vector<128x1xi32> to vector<1x128x1xi32>
    tpu.vector_store %arg6[%swap3A_676, %swap3A_677, %swap3A_678], %swap3A_681 {strides = array<i32>} : memref<1x128x32xi32, #tpu.memory_space<vmem>>, vector<1x128x1xi32>,
    %gt3A_682 = vector.broadcast %broadcast_in_dim3A_666 : vector<128x1xf32> to vector<128x2048xf32>
    %gt3A_683 = arith.cmpf ogt, %add3A_58, %gt3A_682 : vector<128x2048xf32>
    %jit3A_684 = arith.constant 0x7F800000 : f32
    %broadcast_in_dim3A_685 = vector.broadcast %jit3A_684 : f32 to vector<128x2048xf32>
    %select_n3A_686 = arith.select %gt3A_683, %add3A_58, %broadcast_in_dim3A_685 : vector<128x2048xi1>, vector<128x2048xf32>
    %reduce_min3A_687 = arith.constant dense<0x7F800000> : vector<128xf32>
    %reduce_min3A_688 = vector.multi_reduction <minimumf>, %select_n3A_686, %reduce_min3A_687 [1] : vector<128x2048xf32> to vector<128xf32>
    %broadcast_in_dim3A_689 = vector.shape_cast %reduce_min3A_688 : vector<128xf32> to vector<128x1xf32>
    %eq3A_690 = vector.broadcast %broadcast_in_dim3A_689 : vector<128x1xf32> to vector<128x2048xf32>
    %eq3A_691 = arith.cmpf oeq, %add3A_58, %eq3A_690 : vector<128x2048xf32>
    %jit3A_692 = arith.constant 3.000000e+38 : f32
    %broadcast_in_dim3A_693 = vector.broadcast %jit3A_692 : f32 to vector<128x2048xf32>
    %select_n3A_694 = arith.select %eq3A_691, %add3A_64, %broadcast_in_dim3A_693 : vector<128x2048xi1>, vector<128x2048xf32>
    %reduce_min3A_695 = arith.constant dense<0x7F800000> : vector<128xf32>
    %reduce_min3A_696 = vector.multi_reduction <minimumf>, %select_n3A_694, %reduce_min3A_695 [1] : vector<128x2048xf32> to vector<128xf32>
    %broadcast_in_dim3A_697 = vector.shape_cast %reduce_min3A_696 : vector<128xf32> to vector<128x1xf32>
    %convert_element_type3A_698 = arith.fptosi %broadcast_in_dim3A_697 : vector<128x1xf32> to vector<128x1xi32>
    %swap3A_699 = arith.constant 0 : index
    %swap3A_700 = arith.constant 0 : index
    %swap3A_701 = arith.constant 27 : index
    %swap3A_702 = vector.load %arg6[%swap3A_699, %swap3A_700, %swap3A_701] : memref<1x128x32xi32, #tpu.memory_space<vmem>>, vector<1x128x1xi32>
    %swap3A_703 = vector.shape_cast %swap3A_702 : vector<1x128x1xi32> to vector<128x1xi32>
    %swap3A_704 = vector.shape_cast %convert_element_type3A_698 : vector<128x1xi32> to vector<1x128x1xi32>
    tpu.vector_store %arg6[%swap3A_699, %swap3A_700, %swap3A_701], %swap3A_704 {strides = array<i32>} : memref<1x128x32xi32, #tpu.memory_space<vmem>>, vector<1x128x1xi32>,
    %gt3A_705 = vector.broadcast %broadcast_in_dim3A_689 : vector<128x1xf32> to vector<128x2048xf32>
    %gt3A_706 = arith.cmpf ogt, %add3A_58, %gt3A_705 : vector<128x2048xf32>
    %jit3A_707 = arith.constant 0x7F800000 : f32
    %broadcast_in_dim3A_708 = vector.broadcast %jit3A_707 : f32 to vector<128x2048xf32>
    %select_n3A_709 = arith.select %gt3A_706, %add3A_58, %broadcast_in_dim3A_708 : vector<128x2048xi1>, vector<128x2048xf32>
    %reduce_min3A_710 = arith.constant dense<0x7F800000> : vector<128xf32>
    %reduce_min3A_711 = vector.multi_reduction <minimumf>, %select_n3A_709, %reduce_min3A_710 [1] : vector<128x2048xf32> to vector<128xf32>
    %broadcast_in_dim3A_712 = vector.shape_cast %reduce_min3A_711 : vector<128xf32> to vector<128x1xf32>
    %eq3A_713 = vector.broadcast %broadcast_in_dim3A_712 : vector<128x1xf32> to vector<128x2048xf32>
    %eq3A_714 = arith.cmpf oeq, %add3A_58, %eq3A_713 : vector<128x2048xf32>
    %jit3A_715 = arith.constant 3.000000e+38 : f32
    %broadcast_in_dim3A_716 = vector.broadcast %jit3A_715 : f32 to vector<128x2048xf32>
    %select_n3A_717 = arith.select %eq3A_714, %add3A_64, %broadcast_in_dim3A_716 : vector<128x2048xi1>, vector<128x2048xf32>
    %reduce_min3A_718 = arith.constant dense<0x7F800000> : vector<128xf32>
    %reduce_min3A_719 = vector.multi_reduction <minimumf>, %select_n3A_717, %reduce_min3A_718 [1] : vector<128x2048xf32> to vector<128xf32>
    %broadcast_in_dim3A_720 = vector.shape_cast %reduce_min3A_719 : vector<128xf32> to vector<128x1xf32>
    %convert_element_type3A_721 = arith.fptosi %broadcast_in_dim3A_720 : vector<128x1xf32> to vector<128x1xi32>
    %swap3A_722 = arith.constant 0 : index
    %swap3A_723 = arith.constant 0 : index
    %swap3A_724 = arith.constant 28 : index
    %swap3A_725 = vector.load %arg6[%swap3A_722, %swap3A_723, %swap3A_724] : memref<1x128x32xi32, #tpu.memory_space<vmem>>, vector<1x128x1xi32>
    %swap3A_726 = vector.shape_cast %swap3A_725 : vector<1x128x1xi32> to vector<128x1xi32>
    %swap3A_727 = vector.shape_cast %convert_element_type3A_721 : vector<128x1xi32> to vector<1x128x1xi32>
    tpu.vector_store %arg6[%swap3A_722, %swap3A_723, %swap3A_724], %swap3A_727 {strides = array<i32>} : memref<1x128x32xi32, #tpu.memory_space<vmem>>, vector<1x128x1xi32>,
    %gt3A_728 = vector.broadcast %broadcast_in_dim3A_712 : vector<128x1xf32> to vector<128x2048xf32>
    %gt3A_729 = arith.cmpf ogt, %add3A_58, %gt3A_728 : vector<128x2048xf32>
    %jit3A_730 = arith.constant 0x7F800000 : f32
    %broadcast_in_dim3A_731 = vector.broadcast %jit3A_730 : f32 to vector<128x2048xf32>
    %select_n3A_732 = arith.select %gt3A_729, %add3A_58, %broadcast_in_dim3A_731 : vector<128x2048xi1>, vector<128x2048xf32>
    %reduce_min3A_733 = arith.constant dense<0x7F800000> : vector<128xf32>
    %reduce_min3A_734 = vector.multi_reduction <minimumf>, %select_n3A_732, %reduce_min3A_733 [1] : vector<128x2048xf32> to vector<128xf32>
    %broadcast_in_dim3A_735 = vector.shape_cast %reduce_min3A_734 : vector<128xf32> to vector<128x1xf32>
    %eq3A_736 = vector.broadcast %broadcast_in_dim3A_735 : vector<128x1xf32> to vector<128x2048xf32>
    %eq3A_737 = arith.cmpf oeq, %add3A_58, %eq3A_736 : vector<128x2048xf32>
    %jit3A_738 = arith.constant 3.000000e+38 : f32
    %broadcast_in_dim3A_739 = vector.broadcast %jit3A_738 : f32 to vector<128x2048xf32>
    %select_n3A_740 = arith.select %eq3A_737, %add3A_64, %broadcast_in_dim3A_739 : vector<128x2048xi1>, vector<128x2048xf32>
    %reduce_min3A_741 = arith.constant dense<0x7F800000> : vector<128xf32>
    %reduce_min3A_742 = vector.multi_reduction <minimumf>, %select_n3A_740, %reduce_min3A_741 [1] : vector<128x2048xf32> to vector<128xf32>
    %broadcast_in_dim3A_743 = vector.shape_cast %reduce_min3A_742 : vector<128xf32> to vector<128x1xf32>
    %convert_element_type3A_744 = arith.fptosi %broadcast_in_dim3A_743 : vector<128x1xf32> to vector<128x1xi32>
    %swap3A_745 = arith.constant 0 : index
    %swap3A_746 = arith.constant 0 : index
    %swap3A_747 = arith.constant 29 : index
    %swap3A_748 = vector.load %arg6[%swap3A_745, %swap3A_746, %swap3A_747] : memref<1x128x32xi32, #tpu.memory_space<vmem>>, vector<1x128x1xi32>
    %swap3A_749 = vector.shape_cast %swap3A_748 : vector<1x128x1xi32> to vector<128x1xi32>
    %swap3A_750 = vector.shape_cast %convert_element_type3A_744 : vector<128x1xi32> to vector<1x128x1xi32>
    tpu.vector_store %arg6[%swap3A_745, %swap3A_746, %swap3A_747], %swap3A_750 {strides = array<i32>} : memref<1x128x32xi32, #tpu.memory_space<vmem>>, vector<1x128x1xi32>,
    %gt3A_751 = vector.broadcast %broadcast_in_dim3A_735 : vector<128x1xf32> to vector<128x2048xf32>
    %gt3A_752 = arith.cmpf ogt, %add3A_58, %gt3A_751 : vector<128x2048xf32>
    %jit3A_753 = arith.constant 0x7F800000 : f32
    %broadcast_in_dim3A_754 = vector.broadcast %jit3A_753 : f32 to vector<128x2048xf32>
    %select_n3A_755 = arith.select %gt3A_752, %add3A_58, %broadcast_in_dim3A_754 : vector<128x2048xi1>, vector<128x2048xf32>
    %reduce_min3A_756 = arith.constant dense<0x7F800000> : vector<128xf32>
    %reduce_min3A_757 = vector.multi_reduction <minimumf>, %select_n3A_755, %reduce_min3A_756 [1] : vector<128x2048xf32> to vector<128xf32>
    %broadcast_in_dim3A_758 = vector.shape_cast %reduce_min3A_757 : vector<128xf32> to vector<128x1xf32>
    %eq3A_759 = vector.broadcast %broadcast_in_dim3A_758 : vector<128x1xf32> to vector<128x2048xf32>
    %eq3A_760 = arith.cmpf oeq, %add3A_58, %eq3A_759 : vector<128x2048xf32>
    %jit3A_761 = arith.constant 3.000000e+38 : f32
    %broadcast_in_dim3A_762 = vector.broadcast %jit3A_761 : f32 to vector<128x2048xf32>
    %select_n3A_763 = arith.select %eq3A_760, %add3A_64, %broadcast_in_dim3A_762 : vector<128x2048xi1>, vector<128x2048xf32>
    %reduce_min3A_764 = arith.constant dense<0x7F800000> : vector<128xf32>
    %reduce_min3A_765 = vector.multi_reduction <minimumf>, %select_n3A_763, %reduce_min3A_764 [1] : vector<128x2048xf32> to vector<128xf32>
    %broadcast_in_dim3A_766 = vector.shape_cast %reduce_min3A_765 : vector<128xf32> to vector<128x1xf32>
    %convert_element_type3A_767 = arith.fptosi %broadcast_in_dim3A_766 : vector<128x1xf32> to vector<128x1xi32>
    %swap3A_768 = arith.constant 0 : index
    %swap3A_769 = arith.constant 0 : index
    %swap3A_770 = arith.constant 30 : index
    %swap3A_771 = vector.load %arg6[%swap3A_768, %swap3A_769, %swap3A_770] : memref<1x128x32xi32, #tpu.memory_space<vmem>>, vector<1x128x1xi32>
    %swap3A_772 = vector.shape_cast %swap3A_771 : vector<1x128x1xi32> to vector<128x1xi32>
    %swap3A_773 = vector.shape_cast %convert_element_type3A_767 : vector<128x1xi32> to vector<1x128x1xi32>
    tpu.vector_store %arg6[%swap3A_768, %swap3A_769, %swap3A_770], %swap3A_773 {strides = array<i32>} : memref<1x128x32xi32, #tpu.memory_space<vmem>>, vector<1x128x1xi32>,
    %gt3A_774 = vector.broadcast %broadcast_in_dim3A_758 : vector<128x1xf32> to vector<128x2048xf32>
    %gt3A_775 = arith.cmpf ogt, %add3A_58, %gt3A_774 : vector<128x2048xf32>
    %jit3A_776 = arith.constant 0x7F800000 : f32
    %broadcast_in_dim3A_777 = vector.broadcast %jit3A_776 : f32 to vector<128x2048xf32>
    %select_n3A_778 = arith.select %gt3A_775, %add3A_58, %broadcast_in_dim3A_777 : vector<128x2048xi1>, vector<128x2048xf32>
    %reduce_min3A_779 = arith.constant dense<0x7F800000> : vector<128xf32>
    %reduce_min3A_780 = vector.multi_reduction <minimumf>, %select_n3A_778, %reduce_min3A_779 [1] : vector<128x2048xf32> to vector<128xf32>
    %broadcast_in_dim3A_781 = vector.shape_cast %reduce_min3A_780 : vector<128xf32> to vector<128x1xf32>
    %eq3A_782 = vector.broadcast %broadcast_in_dim3A_781 : vector<128x1xf32> to vector<128x2048xf32>
    %eq3A_783 = arith.cmpf oeq, %add3A_58, %eq3A_782 : vector<128x2048xf32>
    %jit3A_784 = arith.constant 3.000000e+38 : f32
    %broadcast_in_dim3A_785 = vector.broadcast %jit3A_784 : f32 to vector<128x2048xf32>
    %select_n3A_786 = arith.select %eq3A_783, %add3A_64, %broadcast_in_dim3A_785 : vector<128x2048xi1>, vector<128x2048xf32>
    %reduce_min3A_787 = arith.constant dense<0x7F800000> : vector<128xf32>
    %reduce_min3A_788 = vector.multi_reduction <minimumf>, %select_n3A_786, %reduce_min3A_787 [1] : vector<128x2048xf32> to vector<128xf32>
    %broadcast_in_dim3A_789 = vector.shape_cast %reduce_min3A_788 : vector<128xf32> to vector<128x1xf32>
    %convert_element_type3A_790 = arith.fptosi %broadcast_in_dim3A_789 : vector<128x1xf32> to vector<128x1xi32>
    %swap3A_791 = arith.constant 0 : index
    %swap3A_792 = arith.constant 0 : index
    %swap3A_793 = arith.constant 31 : index
    %swap3A_794 = vector.load %arg6[%swap3A_791, %swap3A_792, %swap3A_793] : memref<1x128x32xi32, #tpu.memory_space<vmem>>, vector<1x128x1xi32>
    %swap3A_795 = vector.shape_cast %swap3A_794 : vector<1x128x1xi32> to vector<128x1xi32>
    %swap3A_796 = vector.shape_cast %convert_element_type3A_790 : vector<128x1xi32> to vector<1x128x1xi32>
    tpu.vector_store %arg6[%swap3A_791, %swap3A_792, %swap3A_793], %swap3A_796 {strides = array<i32>} : memref<1x128x32xi32, #tpu.memory_space<vmem>>, vector<1x128x1xi32>,
    return
  }
  func.func @transform_0(%arg0: i32, %arg1: i32) -> (i32, i32, i32) {
    %c0_i32 = arith.constant 0 : i32
    %c0_i32_0 = arith.constant 0 : i32
    %c0_i32_1 = arith.constant 0 : i32
    return %arg0, %c0_i32, %c0_i32_0 : i32, i32, i32
  }
  func.func @transform_1(%arg0: i32, %arg1: i32) -> (i32, i32, i32) {
    %c0_i32 = arith.constant 0 : i32
    %c0_i32_0 = arith.constant 0 : i32
    %c0_i32_1 = arith.constant 0 : i32
    return %arg0, %c0_i32, %c0_i32_0 : i32, i32, i32
  }
  func.func @transform_2(%arg0: i32, %arg1: i32) -> (i32, i32, i32) {
    %c0_i32 = arith.constant 0 : i32
    %c0_i32_0 = arith.constant 0 : i32
    %c0_i32_1 = arith.constant 0 : i32
    return %arg0, %c0_i32, %c0_i32_0 : i32, i32, i32
  }
  func.func @transform_3(%arg0: i32, %arg1: i32) -> (i32, i32, i32) {
    %c0_i32 = arith.constant 0 : i32
    %c0_i32_0 = arith.constant 0 : i32
    return %arg0, %arg1, %c0_i32 : i32, i32, i32
  }
  func.func @transform_4(%arg0: i32, %arg1: i32) -> (i32, i32, i32) {
    %c0_i32 = arith.constant 0 : i32
    %c0_i32_0 = arith.constant 0 : i32
    return %arg0, %arg1, %c0_i32 : i32, i32, i32
  }
}

module attributes {stable_mosaic.version = 14 : i64} {
  func.func @_mm_body(%arg0: i32, %arg1: memref<2048x128xf32, #tpu.memory_space<vmem>>, %arg2: memref<64x128xf32, #tpu.memory_space<vmem>>, %arg3: memref<128x512xf32, #tpu.memory_space<vmem>>, %arg4: memref<128x512xf32, #tpu.memory_space<vmem>>, %arg5: memref<64x2048xf32, #tpu.memory_space<vmem>>, %arg6: memref<64x512xf32, #tpu.memory_space<vmem>>, %arg7: memref<8x512xf32, #tpu.memory_space<vmem>>) attributes {dimension_semantics = [#tpu.dimension_semantics<arbitrary>], iteration_bounds = array<i64: 64>, scalar_prefetch = 0 : i64, scratch_operands = 0 : i64, tpu.core_type = #tpu.core_type<tc>, window_params = [{transform_indices = @transform_0, window_bounds = array<i64: 2048, 128>}, {transform_indices = @transform_1, window_bounds = array<i64: 64, 128>}, {pipeline_mode = #tpu.pipeline_mode<synchronous>, transform_indices = @transform_2, window_bounds = array<i64: 128, 512>}, {pipeline_mode = #tpu.pipeline_mode<synchronous>, transform_indices = @transform_3, window_bounds = array<i64: 128, 512>}, {pipeline_mode = #tpu.pipeline_mode<synchronous>, transform_indices = @transform_4, window_bounds = array<i64: 64, 2048>}, {transform_indices = @transform_5, window_bounds = array<i64: 64, 512>}, {pipeline_mode = #tpu.pipeline_mode<synchronous>, transform_indices = @transform_6, window_bounds = array<i64: 8, 512>}]} {
    %get3A = arith.constant 0 : index
    %get3A_0 = arith.constant 0 : index
    %get3A_1 = vector.load %arg1[%get3A, %get3A_0] : memref<2048x128xf32, #tpu.memory_space<vmem>>, vector<2048x128xf32>
    %get3A_2 = arith.constant 0 : index
    %get3A_3 = arith.constant 0 : index
    %get3A_4 = vector.load %arg3[%get3A_2, %get3A_3] : memref<128x512xf32, #tpu.memory_space<vmem>>, vector<128x512xf32>
    %dot_general3A = arith.constant dense<0.000000e+00> : vector<2048x512xf32>
    %dot_general3A_5 = tpu.matmul %get3A_1, %get3A_4, %dot_general3A {dimension_numbers = #tpu.dot_dimension_numbers<[1], [0], [0], [1], [0, 0, 1, 1], [], []>, transpose_lhs_hint = false} : vector<2048x128xf32>, vector<128x512xf32>, vector<2048x512xf32> -> vector<2048x512xf32>
    %get3A_6 = arith.constant 0 : index
    %get3A_7 = arith.constant 0 : index
    %get3A_8 = vector.load %arg2[%get3A_6, %get3A_7] : memref<64x128xf32, #tpu.memory_space<vmem>>, vector<64x128xf32>
    %get3A_9 = arith.constant 0 : index
    %get3A_10 = arith.constant 0 : index
    %get3A_11 = vector.load %arg4[%get3A_9, %get3A_10] : memref<128x512xf32, #tpu.memory_space<vmem>>, vector<128x512xf32>
    %dot_general3A_12 = arith.constant dense<0.000000e+00> : vector<64x512xf32>
    %dot_general3A_13 = tpu.matmul %get3A_8, %get3A_11, %dot_general3A_12 {dimension_numbers = #tpu.dot_dimension_numbers<[1], [0], [0], [1], [0, 0, 1, 1], [], []>, transpose_lhs_hint = false} : vector<64x128xf32>, vector<128x512xf32>, vector<64x512xf32> -> vector<64x512xf32>
    %reshape3A = vector.shape_cast %dot_general3A_5 : vector<2048x512xf32> to vector<64x32x512xf32>
    %reduce_max3A = arith.constant dense<0xFF800000> : vector<64x512xf32>
    %reduce_max3A_14 = vector.multi_reduction <maximumf>, %reshape3A, %reduce_max3A [1] : vector<64x32x512xf32> to vector<64x512xf32>
    %add3A = arith.addf %reduce_max3A_14, %dot_general3A_13 : vector<64x512xf32>
    %get3A_15 = arith.constant 0 : index
    %get3A_16 = arith.constant 0 : index
    %get3A_17 = vector.load %arg5[%get3A_15, %get3A_16] : memref<64x2048xf32, #tpu.memory_space<vmem>>, vector<64x2048xf32>
    %dot_general3A_18 = arith.constant dense<0.000000e+00> : vector<64x128xf32>
    %dot_general3A_19 = tpu.matmul %get3A_17, %get3A_1, %dot_general3A_18 {dimension_numbers = #tpu.dot_dimension_numbers<[1], [0], [0], [1], [0, 0, 1, 1], [], []>, transpose_lhs_hint = false} : vector<64x2048xf32>, vector<2048x128xf32>, vector<64x128xf32> -> vector<64x128xf32>
    %get3A_20 = arith.constant 0 : index
    %get3A_21 = arith.constant 0 : index
    %get3A_22 = vector.load %arg3[%get3A_20, %get3A_21] : memref<128x512xf32, #tpu.memory_space<vmem>>, vector<128x512xf32>
    %dot_general3A_23 = arith.constant dense<0.000000e+00> : vector<64x512xf32>
    %dot_general3A_24 = tpu.matmul %dot_general3A_19, %get3A_22, %dot_general3A_23 {dimension_numbers = #tpu.dot_dimension_numbers<[1], [0], [0], [1], [0, 0, 1, 1], [], []>, transpose_lhs_hint = false} : vector<64x128xf32>, vector<128x512xf32>, vector<64x512xf32> -> vector<64x512xf32>
    %mul3A = arith.constant 3.200000e+01 : f32
    %mul3A_25 = vector.broadcast %mul3A : f32 to vector<64x512xf32>
    %mul3A_26 = arith.mulf %mul3A_25, %dot_general3A_13 : vector<64x512xf32>
    %add3A_27 = arith.addf %dot_general3A_24, %mul3A_26 : vector<64x512xf32>
    %reduce_sum3A = arith.constant dense<0.000000e+00> : vector<512xf32>
    %reduce_sum3A_28 = vector.multi_reduction <add>, %add3A_27, %reduce_sum3A [0] : vector<64x512xf32> to vector<512xf32>
    %broadcast_in_dim3A = vector.shape_cast %reduce_sum3A_28 : vector<512xf32> to vector<1x512xf32>
    %mul3A_29 = arith.mulf %dot_general3A_5, %dot_general3A_5 : vector<2048x512xf32>
    %reduce_sum3A_30 = arith.constant dense<0.000000e+00> : vector<512xf32>
    %reduce_sum3A_31 = vector.multi_reduction <add>, %mul3A_29, %reduce_sum3A_30 [0] : vector<2048x512xf32> to vector<512xf32>
    %broadcast_in_dim3A_32 = vector.shape_cast %reduce_sum3A_31 : vector<512xf32> to vector<1x512xf32>
    %mul3A_33 = arith.constant 2.000000e+00 : f32
    %mul3A_34 = vector.broadcast %mul3A_33 : f32 to vector<64x512xf32>
    %mul3A_35 = arith.mulf %mul3A_34, %dot_general3A_24 : vector<64x512xf32>
    %mul3A_36 = arith.constant 3.200000e+01 : f32
    %mul3A_37 = vector.broadcast %mul3A_36 : f32 to vector<64x512xf32>
    %mul3A_38 = arith.mulf %mul3A_37, %dot_general3A_13 : vector<64x512xf32>
    %add3A_39 = arith.addf %mul3A_35, %mul3A_38 : vector<64x512xf32>
    %mul3A_40 = arith.mulf %add3A_39, %dot_general3A_13 : vector<64x512xf32>
    %reduce_sum3A_41 = arith.constant dense<0.000000e+00> : vector<512xf32>
    %reduce_sum3A_42 = vector.multi_reduction <add>, %mul3A_40, %reduce_sum3A_41 [0] : vector<64x512xf32> to vector<512xf32>
    %broadcast_in_dim3A_43 = vector.shape_cast %reduce_sum3A_42 : vector<512xf32> to vector<1x512xf32>
    %add3A_44 = arith.addf %broadcast_in_dim3A_32, %broadcast_in_dim3A_43 : vector<1x512xf32>
    %swap3A = arith.constant 0 : index
    %swap3A_45 = arith.constant 0 : index
    %swap3A_46 = vector.load %arg6[%swap3A, %swap3A_45] : memref<64x512xf32, #tpu.memory_space<vmem>>, vector<64x512xf32>
    tpu.vector_store %arg6[%swap3A, %swap3A_45], %add3A {strides = array<i32>} : memref<64x512xf32, #tpu.memory_space<vmem>>, vector<64x512xf32>,
    %eq3A = arith.constant 0 : i32
    %eq3A_47 = arith.cmpi eq, %arg0, %eq3A : i32
    %convert_element_type3A = arith.extui %eq3A_47 : i1 to i32
    %cond3A = arith.constant 0 : i32
    %cond3A_48 = arith.cmpi ne, %convert_element_type3A, %cond3A : i32
    scf.if %cond3A_48 {
      %broadcast_in_dim3A_63 = arith.constant 0.000000e+00 : f32
      %broadcast_in_dim3A_64 = vector.broadcast %broadcast_in_dim3A_63 : f32 to vector<8x512xf32>
      %swap3A_65 = arith.constant 0 : index
      %swap3A_66 = arith.constant 0 : index
      %swap3A_67 = vector.load %arg7[%swap3A_65, %swap3A_66] : memref<8x512xf32, #tpu.memory_space<vmem>>, vector<8x512xf32>
      tpu.vector_store %arg7[%swap3A_65, %swap3A_66], %broadcast_in_dim3A_64 {strides = array<i32>} : memref<8x512xf32, #tpu.memory_space<vmem>>, vector<8x512xf32>,
    } else {
    }
    %get3A_49 = arith.constant 0 : index
    %get3A_50 = arith.constant 0 : index
    %get3A_51 = vector.load %arg7[%get3A_49, %get3A_50] : memref<8x512xf32, #tpu.memory_space<vmem>>, vector<1x512xf32>
    %add3A_52 = arith.addf %get3A_51, %broadcast_in_dim3A : vector<1x512xf32>
    %swap3A_53 = arith.constant 0 : index
    %swap3A_54 = arith.constant 0 : index
    %swap3A_55 = vector.load %arg7[%swap3A_53, %swap3A_54] : memref<8x512xf32, #tpu.memory_space<vmem>>, vector<1x512xf32>
    tpu.vector_store %arg7[%swap3A_53, %swap3A_54], %add3A_52 {strides = array<i32>} : memref<8x512xf32, #tpu.memory_space<vmem>>, vector<1x512xf32>,
    %get3A_56 = arith.constant 1 : index
    %get3A_57 = arith.constant 0 : index
    %get3A_58 = vector.load %arg7[%get3A_56, %get3A_57] : memref<8x512xf32, #tpu.memory_space<vmem>>, vector<1x512xf32>
    %add3A_59 = arith.addf %get3A_58, %add3A_44 : vector<1x512xf32>
    %swap3A_60 = arith.constant 1 : index
    %swap3A_61 = arith.constant 0 : index
    %swap3A_62 = vector.load %arg7[%swap3A_60, %swap3A_61] : memref<8x512xf32, #tpu.memory_space<vmem>>, vector<1x512xf32>
    tpu.vector_store %arg7[%swap3A_60, %swap3A_61], %add3A_59 {strides = array<i32>} : memref<8x512xf32, #tpu.memory_space<vmem>>, vector<1x512xf32>,
    return
  }
  func.func @transform_0(%arg0: i32) -> (i32, i32) {
    %c0_i32 = arith.constant 0 : i32
    %c0_i32_0 = arith.constant 0 : i32
    return %arg0, %c0_i32 : i32, i32
  }
  func.func @transform_1(%arg0: i32) -> (i32, i32) {
    %c0_i32 = arith.constant 0 : i32
    %c0_i32_0 = arith.constant 0 : i32
    return %arg0, %c0_i32 : i32, i32
  }
  func.func @transform_2(%arg0: i32) -> (i32, i32) {
    %c0_i32 = arith.constant 0 : i32
    %c0_i32_0 = arith.constant 0 : i32
    %c0_i32_1 = arith.constant 0 : i32
    return %c0_i32, %c0_i32_0 : i32, i32
  }
  func.func @transform_3(%arg0: i32) -> (i32, i32) {
    %c0_i32 = arith.constant 0 : i32
    %c0_i32_0 = arith.constant 0 : i32
    %c0_i32_1 = arith.constant 0 : i32
    return %c0_i32, %c0_i32_0 : i32, i32
  }
  func.func @transform_4(%arg0: i32) -> (i32, i32) {
    %c0_i32 = arith.constant 0 : i32
    %c0_i32_0 = arith.constant 0 : i32
    %c0_i32_1 = arith.constant 0 : i32
    return %c0_i32, %c0_i32_0 : i32, i32
  }
  func.func @transform_5(%arg0: i32) -> (i32, i32) {
    %c0_i32 = arith.constant 0 : i32
    %c0_i32_0 = arith.constant 0 : i32
    return %arg0, %c0_i32 : i32, i32
  }
  func.func @transform_6(%arg0: i32) -> (i32, i32) {
    %c0_i32 = arith.constant 0 : i32
    %c0_i32_0 = arith.constant 0 : i32
    %c0_i32_1 = arith.constant 0 : i32
    return %c0_i32, %c0_i32_0 : i32, i32
  }
}

module attributes {stable_mosaic.version = 14 : i64} {
  func.func @_epi_body(%arg0: i32, %arg1: memref<512x512xf32, #tpu.memory_space<vmem>>, %arg2: memref<8x512xf32, #tpu.memory_space<vmem>>, %arg3: memref<8x512xf32, #tpu.memory_space<vmem>>, %arg4: memref<1x512xf32, #tpu.memory_space<vmem>>, %arg5: memref<1x512xf32, #tpu.memory_space<vmem>>, %arg6: memref<1x512x512xf32, #tpu.memory_space<vmem>>) attributes {dimension_semantics = [#tpu.dimension_semantics<arbitrary>], iteration_bounds = array<i64: 8>, scalar_prefetch = 0 : i64, scratch_operands = 0 : i64, tpu.core_type = #tpu.core_type<tc>, window_params = [{transform_indices = @transform_0, window_bounds = array<i64: 512, 512>}, {pipeline_mode = #tpu.pipeline_mode<synchronous>, transform_indices = @transform_1, window_bounds = array<i64: 8, 512>}, {pipeline_mode = #tpu.pipeline_mode<synchronous>, transform_indices = @transform_2, window_bounds = array<i64: 8, 512>}, {pipeline_mode = #tpu.pipeline_mode<synchronous>, transform_indices = @transform_3, window_bounds = array<i64: 1, 512>}, {pipeline_mode = #tpu.pipeline_mode<synchronous>, transform_indices = @transform_4, window_bounds = array<i64: 1, 512>}, {transform_indices = @transform_5, window_bounds = array<i64: 1, 512, 512>}]} {
    %get3A = arith.constant 0 : index
    %get3A_0 = arith.constant 0 : index
    %get3A_1 = vector.load %arg2[%get3A, %get3A_0] : memref<8x512xf32, #tpu.memory_space<vmem>>, vector<1x512xf32>
    %get3A_2 = arith.constant 0 : index
    %get3A_3 = arith.constant 0 : index
    %get3A_4 = vector.load %arg3[%get3A_2, %get3A_3] : memref<8x512xf32, #tpu.memory_space<vmem>>, vector<1x512xf32>
    %add3A = arith.addf %get3A_1, %get3A_4 : vector<1x512xf32>
    %get3A_5 = arith.constant 1 : index
    %get3A_6 = arith.constant 0 : index
    %get3A_7 = vector.load %arg2[%get3A_5, %get3A_6] : memref<8x512xf32, #tpu.memory_space<vmem>>, vector<1x512xf32>
    %get3A_8 = arith.constant 1 : index
    %get3A_9 = arith.constant 0 : index
    %get3A_10 = vector.load %arg3[%get3A_8, %get3A_9] : memref<8x512xf32, #tpu.memory_space<vmem>>, vector<1x512xf32>
    %add3A_11 = arith.addf %get3A_7, %get3A_10 : vector<1x512xf32>
    %div3A = arith.constant 2.621440e+05 : f32
    %div3A_12 = vector.broadcast %div3A : f32 to vector<1x512xf32>
    %div3A_13 = arith.divf %add3A, %div3A_12 : vector<1x512xf32>
    %div3A_14 = arith.constant 2.621440e+05 : f32
    %div3A_15 = vector.broadcast %div3A_14 : f32 to vector<1x512xf32>
    %div3A_16 = arith.divf %add3A_11, %div3A_15 : vector<1x512xf32>
    %mul3A = arith.mulf %div3A_13, %div3A_13 : vector<1x512xf32>
    %sub3A = arith.subf %div3A_16, %mul3A : vector<1x512xf32>
    %add3A_17 = arith.constant 9.99999974E-6 : f32
    %add3A_18 = vector.broadcast %add3A_17 : f32 to vector<1x512xf32>
    %add3A_19 = arith.addf %sub3A, %add3A_18 : vector<1x512xf32>
    %rsqrt3A = math.rsqrt %add3A_19 : vector<1x512xf32>
    %get3A_20 = arith.constant 0 : index
    %get3A_21 = arith.constant 0 : index
    %get3A_22 = vector.load %arg4[%get3A_20, %get3A_21] : memref<1x512xf32, #tpu.memory_space<vmem>>, vector<1x512xf32>
    %mul3A_23 = arith.mulf %get3A_22, %rsqrt3A : vector<1x512xf32>
    %get3A_24 = arith.constant 0 : index
    %get3A_25 = arith.constant 0 : index
    %get3A_26 = vector.load %arg5[%get3A_24, %get3A_25] : memref<1x512xf32, #tpu.memory_space<vmem>>, vector<1x512xf32>
    %mul3A_27 = arith.mulf %div3A_13, %mul3A_23 : vector<1x512xf32>
    %sub3A_28 = arith.subf %get3A_26, %mul3A_27 : vector<1x512xf32>
    %get3A_29 = arith.constant 0 : index
    %get3A_30 = arith.constant 0 : index
    %get3A_31 = vector.load %arg1[%get3A_29, %get3A_30] : memref<512x512xf32, #tpu.memory_space<vmem>>, vector<512x512xf32>
    %mul3A_32 = vector.broadcast %mul3A_23 : vector<1x512xf32> to vector<512x512xf32>
    %mul3A_33 = arith.mulf %get3A_31, %mul3A_32 : vector<512x512xf32>
    %add3A_34 = vector.broadcast %sub3A_28 : vector<1x512xf32> to vector<512x512xf32>
    %add3A_35 = arith.addf %mul3A_33, %add3A_34 : vector<512x512xf32>
    %max3A = arith.constant 0.000000e+00 : f32
    %max3A_36 = vector.broadcast %max3A : f32 to vector<512x512xf32>
    %max3A_37 = arith.maximumf %add3A_35, %max3A_36 : vector<512x512xf32>
    %transpose3A = tpu.transpose %max3A_37, [1, 0] : vector<512x512xf32> -> vector<512x512xf32>
    %swap3A = arith.constant 0 : index
    %swap3A_38 = arith.constant 0 : index
    %swap3A_39 = arith.constant 0 : index
    %swap3A_40 = vector.load %arg6[%swap3A, %swap3A_38, %swap3A_39] : memref<1x512x512xf32, #tpu.memory_space<vmem>>, vector<1x512x512xf32>
    %swap3A_41 = vector.shape_cast %swap3A_40 : vector<1x512x512xf32> to vector<512x512xf32>
    %swap3A_42 = vector.shape_cast %transpose3A : vector<512x512xf32> to vector<1x512x512xf32>
    tpu.vector_store %arg6[%swap3A, %swap3A_38, %swap3A_39], %swap3A_42 {strides = array<i32>} : memref<1x512x512xf32, #tpu.memory_space<vmem>>, vector<1x512x512xf32>,
    return
  }
  func.func @transform_0(%arg0: i32) -> (i32, i32) {
    %c0_i32 = arith.constant 0 : i32
    %c0_i32_0 = arith.constant 0 : i32
    return %arg0, %c0_i32 : i32, i32
  }
  func.func @transform_1(%arg0: i32) -> (i32, i32) {
    %c0_i32 = arith.constant 0 : i32
    %c0_i32_0 = arith.constant 0 : i32
    %c0_i32_1 = arith.constant 0 : i32
    return %c0_i32, %c0_i32_0 : i32, i32
  }
  func.func @transform_2(%arg0: i32) -> (i32, i32) {
    %c0_i32 = arith.constant 0 : i32
    %c0_i32_0 = arith.constant 0 : i32
    %c0_i32_1 = arith.constant 0 : i32
    return %c0_i32, %c0_i32_0 : i32, i32
  }
  func.func @transform_3(%arg0: i32) -> (i32, i32) {
    %c0_i32 = arith.constant 0 : i32
    %c0_i32_0 = arith.constant 0 : i32
    %c0_i32_1 = arith.constant 0 : i32
    return %c0_i32, %c0_i32_0 : i32, i32
  }
  func.func @transform_4(%arg0: i32) -> (i32, i32) {
    %c0_i32 = arith.constant 0 : i32
    %c0_i32_0 = arith.constant 0 : i32
    %c0_i32_1 = arith.constant 0 : i32
    return %c0_i32, %c0_i32_0 : i32, i32
  }
  func.func @transform_5(%arg0: i32) -> (i32, i32, i32) {
    %c0_i32 = arith.constant 0 : i32
    %c0_i32_0 = arith.constant 0 : i32
    %c0_i32_1 = arith.constant 0 : i32
    return %arg0, %c0_i32, %c0_i32_0 : i32, i32, i32
  }
}

</mosaic_0001>

<sc_bundles>
// kernel: kernel.11.cloned.1.call-start
scs
__scs_entry_jumppad:
0x0: {  	(pc) =	sbr.rel $0x88, $3  }
0x1: {  	(tag) =	ssettag $0x0;
	lr =	simm.s32 $0x1  }
0x2: {  	[smem:$0x3F9C] =	sst lr;
	_ =	strace $0xD0000000  }
0x3: {  	_ = 	snop  }
0x4: {  	_ = 	snop  }
0x5: {  	_ = 	snop  }
0x6: {  	_ = 	snop  }
0x7: {  	_ = 	snop  }
__scs_overlays_trampoline_lowered:
0x8: {  	[smem:$0x3FAB] =	sst s0  }
0x9: {  	[smem:$0x3FAC] =	sst s1  }
0xa: {  	[smem:$0x3FAD] =	sst s2  }
0xb: {  	[smem:$0x3FAE] =	sst s3  }
0xc: {  	[smem:$0x3FAF] =	sst s4  }
0xd: {  	[smem:$0x3FB0] =	sst s5  }
0xe: {  	[smem:$0x3FB1] =	sst s6  }
0xf: {  	[smem:$0x3FB2] =	sst s7  }
0x10: {  	[smem:$0x3FB3] =	sst s8  }
0x11: {  	[smem:$0x3FB4] =	sst s9;
	s0 =	simm.s32 @!p0 $0x0  }
0x12: {  	s1 =	sld [smem:$0x3F9A];
	s0 =	simm.s32 @p0 $0x1  }
0x13: {  	[smem:$0x3FB5] =	sst s0;
	s0 =	simm.s32 @!p1 $0x0  }
0x14: {  	s2 =	sld [smem:$0x3F99];
	s0 =	simm.s32 @p1 $0x1  }
0x15: {  	[smem:$0x3FB6] =	sst s0;
	s0 =	simm.s32 @!p2 $0x0  }
0x16: {  	s3 =	sld [smem:$0x3FDB];
	s0 =	simm.s32 @p2 $0x1  }
0x17: {  	s4 =	simm.s32 $0x1BF5;
	[smem:$0x3FB8] =	sst s0  }
0x18: {  	s0 =	sld [smem:$0x3F9B];
	_ =	swait.ge [sflag:s4], $0x0  }
0x19: {  	s7 =	sld [smem:$0x3F9C]  }
0x1a: {  	s8 =	sadd.s32 $0xFFFFE003, lr  }
0x1b: {  	s9 =	sadd.s32 $0xFFFFFEF7, lr;
	s5 =	simm.s32 $0xFFFFFFFF;
	p2 =	slt.u32 s8, $0xFFFFF086  }
0x1c: {  	p1 =	slt.u32 s9, $0xF7A;
	s5 =	simm.s32 @!p2 $0x0  }
0x1d: {  	s5 =	simm.s32 @p1 $0x1;
	p0 =	seq.s32 s7, s2  }
0x1e: {  	s7 =	smul.u32 @!p0 $0xF7A, s2;
	p2 =	seq.s32 @!p0 s5, $0x0  }
0x1f: {  	s9 =	smul.u32 $0xF7A, s1;
	s8 =	simm.s32 @!p0 $0x1BF5;
	p2 =	por !p2, p0  }
0x20: {  	[sflag:s8] =	ssyncset.s32 @!p0 $0xFFFFF086;
	s6 =	sadd.s32 @!p0 s3, s7;
	s7 =	simm.s32 @!p0 $0x108  }
0x21: {  	s3 =	sadd.s32 s3, s9;
	s6 =	sadd.s32 @!p0 $0x88, s6;
	s7 =	simm.s32 @p2 $0x1082  }
0x22: {  	[simem:s7], [sflag:s8] =	dma.local @!p0 [hbm:s6], $0xF7A  }
0x23: {  	s9 =	sor.u32 $0xD0000000, s2;
	s6 =	simm.s32 $0x108;
	_ =	swait.ge @!p0 [sflag:s8], $0x0  }
0x24: {  	s3 =	sadd.s32 $0x88, s3;
	s6 =	simm.s32 @!p1 $0x1082;
	[sflag:s4] =	ssyncset.s32 $0xFFFFF086  }
0x25: {  	[simem:s6], [sflag:s4] =	dma.local [hbm:s3], $0xF7A  }
0x26: {  	[smem:$0x3F9C] =	sst s1;
	(tag) =	ssettag s2;
	_ =	strace s9  }
0x27: {  	s1 =	sld [smem:$0x3FAC]  }
0x28: {  	s2 =	sld [smem:$0x3FAD]  }
0x29: {  	s4 =	sld [smem:$0x3FAF]  }
0x2a: {  	p0 =	seq.s32 s5, $0x0;
	s5 =	sld [smem:$0x3FB0]  }
0x2b: {  	s6 =	sld [smem:$0x3FB1]  }
0x2c: {  	s7 =	sld [smem:$0x3FB2]  }
0x2d: {  	s3 =	simm.s32 $0x108;
	s8 =	sld [smem:$0x3FB3]  }
0x2e: {  	s3 =	simm.s32 @!p0 $0x1082;
	s9 =	sld [smem:$0x3FB4]  }
0x2f: {  	lr =	sadd.s32 s0, s3;
	s0 =	sld [smem:$0x3FAB]  }
0x30: {  	s3 =	sld [smem:$0x3FAE]  }
0x31: {  	[smem:$0x3FB7] =	sst s10  }
0x32: {  	s10 =	sld [smem:$0x3FB5];
	_ =	sdelay $0x3  }
0x33: {  	p0 =	seq.s32 s10, $0x1;
	s10 =	sld [smem:$0x3FB7];
	_ =	sdelay $0x3  }
0x34: {  	[smem:$0x3FB7] =	sst s10  }
0x35: {  	s10 =	sld [smem:$0x3FB6];
	_ =	sdelay $0x3  }
0x36: {  	p1 =	seq.s32 s10, $0x1;
	s10 =	sld [smem:$0x3FB7];
	_ =	sdelay $0x3  }
0x37: {  	[smem:$0x3FB7] =	sst s10  }
0x38: {  	s10 =	sld [smem:$0x3FB8]  }
0x39: {  	_ = 	snop;
	(pc) =	sbr.ind lr, $3  }
0x3a: {  	_ = 	snop  }
0x3b: {  	_ = 	snop  }
0x3c: {  	p2 =	seq.s32 s10, $0x1;
	s10 =	sld [smem:$0x3FB7]  }
0x3d: {  	_ =	shalt  }
0x3e: {  	_ =	shalt  }
0x3f: {  	_ =	shalt  }
0x40: {  	_ =	shalt  }
0x41: {  	_ =	shalt  }
0x42: {  	_ =	shalt  }
0x43: {  	_ =	shalt  }
0x44: {  	_ =	shalt  }
0x45: {  	_ =	shalt  }
0x46: {  	_ =	shalt  }
0x47: {  	_ =	shalt  }
0x48: {  	_ =	shalt  }
0x49: {  	_ =	shalt  }
0x4a: {  	_ =	shalt  }
0x4b: {  	_ =	shalt  }
0x4c: {  	_ =	shalt  }
0x4d: {  	_ =	shalt  }
0x4e: {  	_ =	shalt  }
0x4f: {  	_ =	shalt  }
0x50: {  	_ =	shalt  }
0x51: {  	_ =	shalt  }
0x52: {  	_ =	shalt  }
0x53: {  	_ =	shalt  }
0x54: {  	_ =	shalt  }
0x55: {  	_ =	shalt  }
0x56: {  	_ =	shalt  }
0x57: {  	_ =	shalt  }
0x58: {  	_ =	shalt  }
0x59: {  	_ =	shalt  }
0x5a: {  	_ =	shalt  }
0x5b: {  	_ =	shalt  }
0x5c: {  	_ =	shalt  }
0x5d: {  	_ =	shalt  }
0x5e: {  	_ =	shalt  }
0x5f: {  	_ =	shalt  }
0x60: {  	_ =	shalt  }
0x61: {  	_ =	shalt  }
0x62: {  	_ =	shalt  }
0x63: {  	_ =	shalt  }
0x64: {  	_ =	shalt  }
0x65: {  	_ =	shalt  }
0x66: {  	_ =	shalt  }
0x67: {  	_ =	shalt  }
0x68: {  	_ =	shalt  }
0x69: {  	_ =	shalt  }
0x6a: {  	_ =	shalt  }
0x6b: {  	_ =	shalt  }
0x6c: {  	_ =	shalt  }
0x6d: {  	_ =	shalt  }
0x6e: {  	_ =	shalt  }
0x6f: {  	_ =	shalt  }
0x70: {  	_ =	shalt  }
0x71: {  	_ =	shalt  }
0x72: {  	_ =	shalt  }
0x73: {  	_ =	shalt  }
0x74: {  	_ =	shalt  }
0x75: {  	_ =	shalt  }
0x76: {  	_ =	shalt  }
0x77: {  	_ =	shalt  }
0x78: {  	_ =	shalt  }
0x79: {  	_ =	shalt  }
0x7a: {  	_ =	shalt  }
0x7b: {  	_ =	shalt  }
0x7c: {  	_ =	shalt  }
0x7d: {  	_ =	shalt  }
0x7e: {  	_ =	shalt  }
0x7f: {  	_ =	shalt  }
0x80: {  	_ =	shalt  }
0x81: {  	_ =	shalt  }
0x82: {  	_ =	shalt  }
0x83: {  	_ =	shalt  }
0x84: {  	_ =	shalt  }
0x85: {  	_ =	shalt  }
0x86: {  	_ =	shalt  }
0x87: {  	_ =	shalt  }
.Lfunc_end0:
.L_simem_size_0:
called_computation_lowered:
.L_overlay_start_0:
0x88: {  	s2 =	sld [smem:$0x3FD9]  }
0x89: {  	s3 =	sld [smem:$0x3FFE];
	_ =	sdelay $0x1  }
0x8a: {  	s1 =	srdreg.scid  }
0x8b: {  	s0 =	sand.u32 $0x1, s1  }
0x8c: {  	s15 =	sshll.u32 s0, $0xA;
	s2 =	sadd.s32 s3, s2  }
0x8d: {  	s2 =	sadd.s32 s2, s15  }
0x8e: {  	[smem:$0x3FC3] =	sst s2  }
0x8f: {  	_ = 	snop  }
0x90: {  	s2 =	sld [smem:$0x3FD0];
	_ =	sdelay $0x2  }
0x91: {  	s16 =	simm.s32 $0xB;
	s4 =	simm.s32 $0x10  }
0x92: {  	[smem:s4], [sflag:s16] =	dma.local [hbm:s2], $0x1  }
0x93: {  	_ =	swait.eq [sflag:s16], $0x1  }
0x94: {  	[sflag:s16] =	ssyncset.done $0x0  }
0x95: {  	[sflag:s16] =	ssyncadd.s32 $0xFFFFFFFF  }
0x96: {  	s17 =	sld [smem:$0x11];
	(tm) =	ssettm $0x1  }
0x97: {  	s18 =	sld [smem:$0x3FFB];
	_ =	sdelay $0x3  }
0x98: {  	_ =	strace s18  }
0x99: {  	s2 =	sld [smem:$0x3FFC];
	_ =	sdelay $0x3  }
0x9a: {  	_ =	strace s2  }
0x9b: {  	s2 =	sld [smem:$0x3FFD];
	_ =	sdelay $0x3  }
0x9c: {  	_ =	strace s2  }
0x9d: {  	_ =	strace $0x8FFFFFFF  }
0x9e: {  	s19 =	sld [smem:$0x3FDB];
	_ =	sdelay $0x1  }
0x9f: {  	s20 =	simm.s32 $_scs_section_size  }
0xa0: {  	s5 =	simm.s32 $_size__tile_overlayer_lowered;
	s6 =	simm.s32 $_tile_overlayer_lowered  }
0xa1: {  	s7 =	simm.s32 $0x1BFF;
	s21 =	sshll.u32 s6, $0x1;
	s4 =	sadd.s32 s20, s19  }
0xa2: {  	s22 =	simm.s32 $0x0;
	s5 =	sshll.u32 s5, $0x1;
	s6 =	sadd.s32 s21, s4  }
0xa3: {  	[timem:s22], [sflag:s7] =	dma.local [hbm:s6], s5  }
0xa4: {  	_ =	swait.ge [sflag:s7], s5  }
0xa5: {  	s5 =	ssub.s32 $0x0, s5;
	[sflag:s7] =	ssyncset.done $0x0  }
0xa6: {  	[sflag:s7] =	ssyncadd.s32 s5;
	_ =	sdelay $0x1  }
0xa7: {  	s23 =	simm.s32 $0x1B8B  }
0xa8: {  	_ =	swait.ge [sflag:s23], $0x1  }
0xa9: {  	[sflag:s23] =	ssyncset.done $0x0  }
0xaa: {  	[sflag:s23] =	ssyncadd.s32 $0xFFFFFFFF  }
0xab: {  	s5 =	sld [smem:$0x0]  }
0xac: {  	s6 =	sand.u32 $0xFFFFFFFE, s1  }
0xad: {  	p0 =	sne.s32 s1, s6  }
0xae: {  	s6 =	sshll.u32 @p0 s6, $0xE  }
0xaf: {  	s6 =	sadd.s32 @p0 $0x11B8D, s6;
	s7 =	sshll.u32 @p0 s5, $0x11  }
0xb0: {  	s6 =	sor.u32 @p0 s7, s6  }
0xb1: {  	[sflag:s6] =	ssyncadd.remote.s32 @p0 $0x1;
	_ =	sdelay $0x1  }
0xb2: {  	s6 =	simm.s32 @p0 $0x1B8D  }
0xb3: {  	_ =	swait.eq @p0 [sflag:s6], $0x1  }
0xb4: {  	[sflag:s6] =	ssyncadd.s32 @p0 $0xFFFFFFFF  }
0xb5: {  	s7 =	sshll.u32 @!p0 s1, $0xE  }
0xb6: {  	s7 =	sor.u32 @!p0 $0x4000, s7;
	s6 =	simm.s32 @!p0 $0x1B8D  }
0xb7: {  	s5 =	sshll.u32 @!p0 s5, $0x11;
	s7 =	sadd.s32 @!p0 $0x11B8D, s7;
	_ =	swait.eq @!p0 [sflag:s6], $0x1  }
0xb8: {  	s5 =	sor.u32 @!p0 s5, s7;
	[sflag:s6] =	ssyncadd.s32 @!p0 $0xFFFFFFFF  }
0xb9: {  	s25 =	simm.s32 $0x1B8E;
	s24 =	sld [smem:$0x3FFE];
	[sflag:s5] =	ssyncadd.remote.s32 @!p0 $0x1  }
0xba: {  	s26 =	simm.s32 $execute0_lowered;
	[smem:$0x3FD2] =	sst s25  }
0xbb: {  	s6 =	sshll.u32 s26, $0x1;
	_ =	strace $0x80000049;
	[dreg:$0x1] =	wrdreg $0xFFFFFFFF  }
0xbc: {  	s28 =	simm.s32 $_size_execute0_lowered;
	s4 =	sadd.s32 s4, s6;
	[dreg:$0x0] =	wrdreg $0x0  }
0xbd: {  	s6 =	sshll.u32 s28, $0x1;
	[dreg:$0x2] =	wrdreg s4  }
0xbe: {  	[dreg:$0x3] =	wrdreg s6  }
0xbf: {  	[dreg:$0x4] =	wrdreg $0xC0  }
0xc0: {  	_ =	task [dreg:s22], $0x5FFFF  }
0xc1: {  	[dreg:$0x1] =	wrdreg $0xFFFFFFFF  }
0xc2: {  	[dreg:$0x0] =	wrdreg $0x60  }
0xc3: {  	[dreg:$0x2] =	wrdreg s24  }
0xc4: {  	[dreg:$0x3] =	wrdreg s17  }
0xc5: {  	[dreg:$0x4] =	wrdreg $0x9  }
0xc6: {  	_ =	task.clear_ibuf [dreg:s22], $0x5FFFF;
	_ =	strace $0x90000049  }
0xc7: {  	s29 =	simm.s32 $0x9;
	_ =	strace $0x8000004B  }
0xc8: {  	_ =	swait.ge [sflag:s29], $0x1  }
0xc9: {  	[sflag:s29] =	ssyncadd.s32 $0xFFFFFFFF  }
0xca: {  	_ =	strace $0x9000004B  }
0xcb: {  	_ =	sfence  }
0xcc: {  	s30 =	sld [smem:$0x0];
	_ =	sdelay $0x2  }
0xcd: {  	s31 =	sshll.u32 s1, $0xD;
	s1 =	sshrl.u32 s1, $0x2  }
0xce: {  	s4 =	sand.u32 $0x4000, s31;
	s1 =	sadd.s32 s1, s30  }
0xcf: {  	s0 =	sor.u32 s4, s0;
	s1 =	sshll.u32 s1, $0x11  }
0xd0: {  	s0 =	sor.u32 s1, s0  }
0xd1: {  	s0 =	sadd.s32 $0x8F2B, s0  }
0xd2: {  	[sflag:s0] =	ssyncadd.remote.s32 $0x1  }
0xd3: {  	_ =	sfence.sel $0xFFFF  }
0xd4: {  	[dreg:$0x0] =	wrdreg $0xFFFFFFFF;
	(pc) =	sbr.abs _section_cstart, $3  }
0xd5: {  	[dreg:$0x1] =	wrdreg $0xFFFFFFFF  }
0xd6: {  	_ =	task.clear_ibuf [dreg:s22], $0x2FFFF;
	_ =	strace $0x9FFFFFFF  }
0xd7: {  	(tm) =	ssettm $0x7FFFFFFF  }
tec
execute0_lowered:
.L_overlay_start_1:
0x0: {  	(tag) =	ssettag $0x1  }
0x1: {  	s4 =	rddreg [dreg:$0x0]  }
0x2: {  	s1 =	srdreg.scid;
	s0 =	stileid.u32  }
0x3: {  	s2 =	rddreg [dreg:$0x1];
	s3 =	simm.s32 $0x0;
	s18 =	simm.s32 $0x1  }
0x4: {  	s19 =	simm.s32 $0x4100;
	s20 =	simm.s32 $0x2;
	s21 =	simm.s32 $0x3  }
0x5: {  	s22 =	simm.s32 $0x4;
	s23 =	simm.s32 $0x0;
	s12 =	sand.u32 $0x1, s1  }
0x6: {  	s5 =	sshll.u32 s0, $0x1;
	s1 =	rddreg [dreg:$0x2];
	s14 =	sadd.s32 $0x217E00, s4  }
0x7: {  	[smem:$0x7FF] =	sst s3;
	s13 =	sadd.s32 $0x22BE00, s4;
	s11 =	sshll.u32 s0, $0xD  }
0x8: {  	s17 =	sshll.u32 s0, $0x11;
	s5 =	sor.u32 s12, s5;
	_ =	strace $0x8000004A  }
0x9: {  	s8 =	ssub.s32 $0x2, s12;
	s15 =	sshll.u32 s12, $0xC;
	s12 =	sshll.u32 s12, $0x10  }
0xa: {  	s6 =	sshll.u32 s5, $0x4;
	s7 =	sshll.u32 s5, $0xB;
	s31 =	sshrl.u32 s8, $0x1  }
0xb: {  	s9 =	sshll.u32 s5, $0x9;
	s5 =	sshll.u32 s5, $0x10;
	s15 =	sor.u32 s15, s11  }
0xc: {  	s6 =	sadd.s32 s6, s4;
	s7 =	sadd.s32 s7, s4;
	s8 =	ssub.s32 s8, s31  }
0xd: {  	s4 =	sadd.s32 s14, s9;
	s5 =	sadd.s32 s13, s5;
	s16 =	sor.u32 $0x200, s15  }
0xe: {  	s13 =	sadd.s32 s17, s13;
	s15 =	sor.u32 $0x180, s15;
	s6 =	sadd.s32 $0x217C00, s6  }
.Ltmp0:
0xf: {  	s17 =	simm.s32 $0x100;
	s7 =	sadd.s32 $0x21BE00, s7;
	(pc) =	sbr.rel .LBB2_1-.Ltmp0, $4  }
0x10: {  	s8 =	smax.u32 s8, $0x1;
	s9 =	sadd.s32 $0x10, s4;
	s10 =	sadd.s32 $0x800, s5  }
0x11: {  	s11 =	sadd.s32 $0x20, s4;
	s16 =	sshrl.u32 s16, $0x3;
	s13 =	sadd.s32 s12, s13  }
0x12: {  	s15 =	sshrl.u32 s15, $0x3;
	s12 =	sadd.s32 s16, s14;
	s13 =	sadd.s32 $0x1000, s13  }
0x13: {  	s14 =	sadd.s32 s15, s14;
	s15 =	simm.s32 $0x5;
	s16 =	simm.s32 $0x80  }
.LBB2_4:
0x14: {  	_ =	swait.ge [sflag:s22], $0x4000  }
0x15: {  	[sflag:s22] =	ssyncset.done $0x0  }
0x16: {  	[sflag:s22] =	ssyncadd.s32 $0xFFFFC000  }
0x17: {  	[tilespmem:s3], [sflag:$0x5] =	stream.linear.gather [hbm4b:s6+s3], $0x80, $0x38;
	[tilespmem:$0x8100] =	vst v63  }
0x18: {  	_ =	swait.ge [sflag:s15], $0x80  }
0x19: {  	[sflag:s15] =	ssyncset.done $0x0  }
0x1a: {  	[sflag:s15] =	ssyncadd.s32 $0xFFFFFF80  }
0x1b: {  	[tilespmem:s17], [sflag:$0x1] =	stream.indirect.gather [hbm4b:s2+s16], $0x80, s3, s16, $0xb8;
	[tilespmem:$0x8100] =	vst v63  }
0x1c: {  	s23 =	sadd.s32 $0x1, s23;
	_ =	swait.ge [sflag:s18], $0x4000  }
0x1d: {  	p0 =	sne.s32 s23, s8;
	[sflag:s18] =	ssyncset.done $0x0  }
.Ltmp1:
0x1e: {  	[sflag:s18] =	ssyncadd.s32 $0xFFFFC000;
	(pc) =	sbr.rel @!p0 .LBB2_5-.Ltmp1, $4  }
0x1f: {  	[hbm4b:s7+s3] =	stream.linear.scatter [tilespmem:s17], [sflag:$0x5], $0x4000, $0x38;
	[tilespmem:$0x8100] =	vst v63  }
0x20: {  	_ =	swait.ge [sflag:s15], $0x4000  }
0x21: {  	[sflag:s15] =	ssyncset.done $0x0  }
0x22: {  	[sflag:s15] =	ssyncadd.s32 $0xFFFFC000  }
.LBB2_1:
0x23: {  	[tilespmem:s3], [sflag:$0x5] =	stream.linear.gather [hbm4b:s4+s3], $0x80, $0x38;
	[tilespmem:$0x8100] =	vst v63  }
0x24: {  	_ =	swait.ge [sflag:s15], $0x80  }
0x25: {  	[sflag:s15] =	ssyncset.done $0x0  }
0x26: {  	[sflag:s15] =	ssyncadd.s32 $0xFFFFFF80  }
0x27: {  	[tilespmem:s17], [sflag:$0x1] =	stream.indirect.gather [hbm4b:s2+s16], $0x80, s3, s16, $0xb8;
	[tilespmem:$0x8100] =	vst v63  }
0x28: {  	_ =	swait.ge [sflag:s18], $0x4000  }
0x29: {  	[sflag:s18] =	ssyncset.done $0x0  }
0x2a: {  	[sflag:s18] =	ssyncadd.s32 $0xFFFFC000  }
0x2b: {  	[hbm4b:s5+s3] =	stream.linear.scatter [tilespmem:s17], [sflag:$0x3], $0x4000, $0x38;
	[tilespmem:$0x8100] =	vst v63  }
0x2c: {  	_ = 	snop  }
0x2d: {  	[tilespmem:s16], [sflag:$0x5] =	stream.linear.gather [hbm4b:s9+s3], $0x80, $0x38;
	[tilespmem:$0x8100] =	vst v63  }
0x2e: {  	_ =	swait.ge [sflag:s15], $0x80  }
0x2f: {  	[sflag:s15] =	ssyncset.done $0x0  }
0x30: {  	[sflag:s15] =	ssyncadd.s32 $0xFFFFFF80  }
0x31: {  	[tilespmem:s19], [sflag:$0x2] =	stream.indirect.gather [hbm4b:s2+s16], $0x80, s16, s16, $0xb8;
	[tilespmem:$0x8100] =	vst v63  }
0x32: {  	_ =	swait.ge [sflag:s20], $0x4000  }
0x33: {  	[sflag:s20] =	ssyncset.done $0x0  }
0x34: {  	[sflag:s20] =	ssyncadd.s32 $0xFFFFC000  }
0x35: {  	[hbm4b:s10+s3] =	stream.linear.scatter [tilespmem:s19], [sflag:$0x4], $0x4000, $0x38;
	[tilespmem:$0x8100] =	vst v63  }
0x36: {  	_ =	swait.ge [sflag:s21], $0x4000  }
0x37: {  	[sflag:s21] =	ssyncset.done $0x0  }
0x38: {  	[sflag:s21] =	ssyncadd.s32 $0xFFFFC000  }
0x39: {  	[tilespmem:s3], [sflag:$0x5] =	stream.linear.gather [hbm4b:s11+s3], $0x80, $0x38;
	[tilespmem:$0x8100] =	vst v63  }
0x3a: {  	_ =	swait.ge [sflag:s15], $0x80  }
0x3b: {  	[sflag:s15] =	ssyncset.done $0x0  }
0x3c: {  	s24 =	smov.u32 s13;
	s25 =	simm.s32 $0x0;
	[sflag:s15] =	ssyncadd.s32 $0xFFFFFF80  }
0x3d: {  	[tilespmem:s17], [sflag:$0x1] =	stream.indirect.gather [hbm4b:s2+s16], $0x80, s3, s16, $0xb8;
	[tilespmem:$0x8100] =	vst v63  }
.LBB2_2:
0x3e: {  	_ =	swait.ge [sflag:s18], $0x4000  }
0x3f: {  	[sflag:s18] =	ssyncset.done $0x0  }
0x40: {  	[sflag:s18] =	ssyncadd.s32 $0xFFFFC000  }
0x41: {  	[hbm4b:s24+s3] =	stream.linear.scatter [tilespmem:s17], [sflag:$0x3], $0x4000, $0x38;
	[tilespmem:$0x8100] =	vst v63  }
0x42: {  	_ =	swait.ge [sflag:s22], $0x4000  }
0x43: {  	[sflag:s22] =	ssyncset.done $0x0  }
0x44: {  	s26 =	sadd.s32 s25, s14;
	[sflag:s22] =	ssyncadd.s32 $0xFFFFC000  }
0x45: {  	[tilespmem:s16], [sflag:$0x5] =	stream.linear.gather [hbm4b:s26+s3], $0x80, $0x38;
	[tilespmem:$0x8100] =	vst v63  }
0x46: {  	_ =	swait.ge [sflag:s15], $0x80  }
0x47: {  	[sflag:s15] =	ssyncset.done $0x0  }
0x48: {  	[sflag:s15] =	ssyncadd.s32 $0xFFFFFF80  }
0x49: {  	[tilespmem:s19], [sflag:$0x2] =	stream.indirect.gather [hbm4b:s2+s16], $0x80, s16, s16, $0xb8;
	[tilespmem:$0x8100] =	vst v63  }
0x4a: {  	_ =	swait.ge [sflag:s20], $0x4000  }
0x4b: {  	p0 =	seq.s32 s25, $0x1C0;
	[sflag:s20] =	ssyncset.done $0x0  }
.Ltmp2:
0x4c: {  	s31 =	sadd.s32 $0x800, s24;
	[sflag:s20] =	ssyncadd.s32 $0xFFFFC000;
	(pc) =	sbr.rel @p0 .LBB2_4-.Ltmp2, $4  }
0x4d: {  	[hbm4b:s31+s3] =	stream.linear.scatter [tilespmem:s19], [sflag:$0x4], $0x4000, $0x38;
	[tilespmem:$0x8100] =	vst v63  }
0x4e: {  	_ =	swait.ge [sflag:s21], $0x4000  }
0x4f: {  	[sflag:s21] =	ssyncset.done $0x0  }
0x50: {  	[sflag:s21] =	ssyncadd.s32 $0xFFFFC000  }
0x51: {  	s26 =	sadd.s32 s25, s12  }
0x52: {  	[tilespmem:s3], [sflag:$0x5] =	stream.linear.gather [hbm4b:s26+s3], $0x80, $0x38;
	[tilespmem:$0x8100] =	vst v63  }
.Ltmp3:
0x53: {  	_ = 	snop;
	(pc) =	sbr.rel .LBB2_2-.Ltmp3, $4  }
0x54: {  	_ =	swait.ge [sflag:s15], $0x80  }
0x55: {  	[sflag:s15] =	ssyncset.done $0x0  }
0x56: {  	s25 =	sadd.s32 $0x20, s25;
	s24 =	sadd.s32 $0x1000, s24;
	[sflag:s15] =	ssyncadd.s32 $0xFFFFFF80  }
0x57: {  	[tilespmem:s17], [sflag:$0x1] =	stream.indirect.gather [hbm4b:s2+s16], $0x80, s3, s16, $0xb8;
	[tilespmem:$0x8100] =	vst v63  }
.LBB2_5:
0x58: {  	_ =	sfence.sel $0x180000  }
0x59: {  	[bflag:$0x0] =	sbarrier.arrive $0xFFFF  }
0x5a: {  	p0 =	sne.s32 s0, $0x0;
	_ =	strace $0x9000004A  }
0x5b: {  	s0 =	sadd.s32 @!p0 $0x100000, s1;
	[bflag:$0x2] =	sbarrier.arrive $0xFFFF  }
0x5c: {  	[sflag:s0] =	ssyncadd.tile.s32 @!p0 $0x1;
	_ =	shalt  }
.Lfunc_end2:
_tile_overlayer_lowered:
.L_overlay_start_2:
0x5d: {  	(tag) =	ssettag $0x2  }
0x5e: {  	s0 =	rddreg [dreg:$0x0];
	s2 =	stileid.u32  }
0x5f: {  	s1 =	rddreg [dreg:$0x1];
	p0 =	sne.s32 s2, $0x0  }
0x60: {  	s3 =	rddreg [dreg:$0x2];
	[bflag:$0x3] =	sbarrier.arrive $0xFFFF;
	s2 =	simm.s32 @!p0 $0x1C05  }
0x61: {  	[timem:s3], [sflag:s2] =	dma.local @!p0 [hbm:s0], s1  }
0x62: {  	s0 =	simm.s32 @!p0 $0x5  }
0x63: {  	_ =	swait.ge @!p0 [sflag:s0], s1  }
0x64: {  	s1 =	ssub.s32 @!p0 $0x0, s1;
	[sflag:s0] =	ssyncset.done @!p0 $0x0  }
0x65: {  	[sflag:s0] =	ssyncadd.s32 @!p0 s1  }
0x66: {  	[bflag:$0x3] =	sbarrier.arrive $0xFFFF  }
0x67: {  	_ =	shalt  }

// kernel: kernel.14.cloned.1.call-start
scs
__scs_entry_jumppad:
0x0: {  	(pc) =	sbr.rel $0x88, $3  }
0x1: {  	(tag) =	ssettag $0x0;
	lr =	simm.s32 $0x1  }
0x2: {  	[smem:$0x3F9C] =	sst lr;
	_ =	strace $0xD0000000  }
0x3: {  	_ = 	snop  }
0x4: {  	_ = 	snop  }
0x5: {  	_ = 	snop  }
0x6: {  	_ = 	snop  }
0x7: {  	_ = 	snop  }
__scs_overlays_trampoline_lowered:
0x8: {  	[smem:$0x3FAB] =	sst s0  }
0x9: {  	[smem:$0x3FAC] =	sst s1  }
0xa: {  	[smem:$0x3FAD] =	sst s2  }
0xb: {  	[smem:$0x3FAE] =	sst s3  }
0xc: {  	[smem:$0x3FAF] =	sst s4  }
0xd: {  	[smem:$0x3FB0] =	sst s5  }
0xe: {  	[smem:$0x3FB1] =	sst s6  }
0xf: {  	[smem:$0x3FB2] =	sst s7  }
0x10: {  	[smem:$0x3FB3] =	sst s8  }
0x11: {  	[smem:$0x3FB4] =	sst s9;
	s0 =	simm.s32 @!p0 $0x0  }
0x12: {  	s1 =	sld [smem:$0x3F9A];
	s0 =	simm.s32 @p0 $0x1  }
0x13: {  	[smem:$0x3FB5] =	sst s0;
	s0 =	simm.s32 @!p1 $0x0  }
0x14: {  	s2 =	sld [smem:$0x3F99];
	s0 =	simm.s32 @p1 $0x1  }
0x15: {  	[smem:$0x3FB6] =	sst s0;
	s0 =	simm.s32 @!p2 $0x0  }
0x16: {  	s3 =	sld [smem:$0x3FDB];
	s0 =	simm.s32 @p2 $0x1  }
0x17: {  	s4 =	simm.s32 $0x1BF5;
	[smem:$0x3FB8] =	sst s0  }
0x18: {  	s0 =	sld [smem:$0x3F9B];
	_ =	swait.ge [sflag:s4], $0x0  }
0x19: {  	s7 =	sld [smem:$0x3F9C]  }
0x1a: {  	s8 =	sadd.s32 $0xFFFFE003, lr  }
0x1b: {  	s9 =	sadd.s32 $0xFFFFFEF7, lr;
	s5 =	simm.s32 $0xFFFFFFFF;
	p2 =	slt.u32 s8, $0xFFFFF086  }
0x1c: {  	p1 =	slt.u32 s9, $0xF7A;
	s5 =	simm.s32 @!p2 $0x0  }
0x1d: {  	s5 =	simm.s32 @p1 $0x1;
	p0 =	seq.s32 s7, s2  }
0x1e: {  	s7 =	smul.u32 @!p0 $0xF7A, s2;
	p2 =	seq.s32 @!p0 s5, $0x0  }
0x1f: {  	s9 =	smul.u32 $0xF7A, s1;
	s8 =	simm.s32 @!p0 $0x1BF5;
	p2 =	por !p2, p0  }
0x20: {  	[sflag:s8] =	ssyncset.s32 @!p0 $0xFFFFF086;
	s6 =	sadd.s32 @!p0 s3, s7;
	s7 =	simm.s32 @!p0 $0x108  }
0x21: {  	s3 =	sadd.s32 s3, s9;
	s6 =	sadd.s32 @!p0 $0x88, s6;
	s7 =	simm.s32 @p2 $0x1082  }
0x22: {  	[simem:s7], [sflag:s8] =	dma.local @!p0 [hbm:s6], $0xF7A  }
0x23: {  	s9 =	sor.u32 $0xD0000000, s2;
	s6 =	simm.s32 $0x108;
	_ =	swait.ge @!p0 [sflag:s8], $0x0  }
0x24: {  	s3 =	sadd.s32 $0x88, s3;
	s6 =	simm.s32 @!p1 $0x1082;
	[sflag:s4] =	ssyncset.s32 $0xFFFFF086  }
0x25: {  	[simem:s6], [sflag:s4] =	dma.local [hbm:s3], $0xF7A  }
0x26: {  	[smem:$0x3F9C] =	sst s1;
	(tag) =	ssettag s2;
	_ =	strace s9  }
0x27: {  	s1 =	sld [smem:$0x3FAC]  }
0x28: {  	s2 =	sld [smem:$0x3FAD]  }
0x29: {  	s4 =	sld [smem:$0x3FAF]  }
0x2a: {  	p0 =	seq.s32 s5, $0x0;
	s5 =	sld [smem:$0x3FB0]  }
0x2b: {  	s6 =	sld [smem:$0x3FB1]  }
0x2c: {  	s7 =	sld [smem:$0x3FB2]  }
0x2d: {  	s3 =	simm.s32 $0x108;
	s8 =	sld [smem:$0x3FB3]  }
0x2e: {  	s3 =	simm.s32 @!p0 $0x1082;
	s9 =	sld [smem:$0x3FB4]  }
0x2f: {  	lr =	sadd.s32 s0, s3;
	s0 =	sld [smem:$0x3FAB]  }
0x30: {  	s3 =	sld [smem:$0x3FAE]  }
0x31: {  	[smem:$0x3FB7] =	sst s10  }
0x32: {  	s10 =	sld [smem:$0x3FB5];
	_ =	sdelay $0x3  }
0x33: {  	p0 =	seq.s32 s10, $0x1;
	s10 =	sld [smem:$0x3FB7];
	_ =	sdelay $0x3  }
0x34: {  	[smem:$0x3FB7] =	sst s10  }
0x35: {  	s10 =	sld [smem:$0x3FB6];
	_ =	sdelay $0x3  }
0x36: {  	p1 =	seq.s32 s10, $0x1;
	s10 =	sld [smem:$0x3FB7];
	_ =	sdelay $0x3  }
0x37: {  	[smem:$0x3FB7] =	sst s10  }
0x38: {  	s10 =	sld [smem:$0x3FB8]  }
0x39: {  	_ = 	snop;
	(pc) =	sbr.ind lr, $3  }
0x3a: {  	_ = 	snop  }
0x3b: {  	_ = 	snop  }
0x3c: {  	p2 =	seq.s32 s10, $0x1;
	s10 =	sld [smem:$0x3FB7]  }
0x3d: {  	_ =	shalt  }
0x3e: {  	_ =	shalt  }
0x3f: {  	_ =	shalt  }
0x40: {  	_ =	shalt  }
0x41: {  	_ =	shalt  }
0x42: {  	_ =	shalt  }
0x43: {  	_ =	shalt  }
0x44: {  	_ =	shalt  }
0x45: {  	_ =	shalt  }
0x46: {  	_ =	shalt  }
0x47: {  	_ =	shalt  }
0x48: {  	_ =	shalt  }
0x49: {  	_ =	shalt  }
0x4a: {  	_ =	shalt  }
0x4b: {  	_ =	shalt  }
0x4c: {  	_ =	shalt  }
0x4d: {  	_ =	shalt  }
0x4e: {  	_ =	shalt  }
0x4f: {  	_ =	shalt  }
0x50: {  	_ =	shalt  }
0x51: {  	_ =	shalt  }
0x52: {  	_ =	shalt  }
0x53: {  	_ =	shalt  }
0x54: {  	_ =	shalt  }
0x55: {  	_ =	shalt  }
0x56: {  	_ =	shalt  }
0x57: {  	_ =	shalt  }
0x58: {  	_ =	shalt  }
0x59: {  	_ =	shalt  }
0x5a: {  	_ =	shalt  }
0x5b: {  	_ =	shalt  }
0x5c: {  	_ =	shalt  }
0x5d: {  	_ =	shalt  }
0x5e: {  	_ =	shalt  }
0x5f: {  	_ =	shalt  }
0x60: {  	_ =	shalt  }
0x61: {  	_ =	shalt  }
0x62: {  	_ =	shalt  }
0x63: {  	_ =	shalt  }
0x64: {  	_ =	shalt  }
0x65: {  	_ =	shalt  }
0x66: {  	_ =	shalt  }
0x67: {  	_ =	shalt  }
0x68: {  	_ =	shalt  }
0x69: {  	_ =	shalt  }
0x6a: {  	_ =	shalt  }
0x6b: {  	_ =	shalt  }
0x6c: {  	_ =	shalt  }
0x6d: {  	_ =	shalt  }
0x6e: {  	_ =	shalt  }
0x6f: {  	_ =	shalt  }
0x70: {  	_ =	shalt  }
0x71: {  	_ =	shalt  }
0x72: {  	_ =	shalt  }
0x73: {  	_ =	shalt  }
0x74: {  	_ =	shalt  }
0x75: {  	_ =	shalt  }
0x76: {  	_ =	shalt  }
0x77: {  	_ =	shalt  }
0x78: {  	_ =	shalt  }
0x79: {  	_ =	shalt  }
0x7a: {  	_ =	shalt  }
0x7b: {  	_ =	shalt  }
0x7c: {  	_ =	shalt  }
0x7d: {  	_ =	shalt  }
0x7e: {  	_ =	shalt  }
0x7f: {  	_ =	shalt  }
0x80: {  	_ =	shalt  }
0x81: {  	_ =	shalt  }
0x82: {  	_ =	shalt  }
0x83: {  	_ =	shalt  }
0x84: {  	_ =	shalt  }
0x85: {  	_ =	shalt  }
0x86: {  	_ =	shalt  }
0x87: {  	_ =	shalt  }
.Lfunc_end0:
.L_simem_size_0:
called_computation.1_lowered:
.L_overlay_start_0:
0x88: {  	s2 =	sld [smem:$0x3FD9]  }
0x89: {  	s3 =	sld [smem:$0x3FFE];
	_ =	sdelay $0x1  }
0x8a: {  	s1 =	srdreg.scid  }
0x8b: {  	s0 =	sand.u32 $0x1, s1  }
0x8c: {  	s14 =	sshll.u32 s0, $0xA;
	s2 =	sadd.s32 s3, s2  }
0x8d: {  	s2 =	sadd.s32 s2, s14  }
0x8e: {  	[smem:$0x3FC3] =	sst s2  }
0x8f: {  	_ = 	snop  }
0x90: {  	s2 =	sld [smem:$0x3FD0];
	_ =	sdelay $0x2  }
0x91: {  	s15 =	simm.s32 $0xB;
	s4 =	simm.s32 $0x10  }
0x92: {  	[smem:s4], [sflag:s15] =	dma.local [hbm:s2], $0x1  }
0x93: {  	_ =	swait.eq [sflag:s15], $0x1  }
0x94: {  	[sflag:s15] =	ssyncset.done $0x0  }
0x95: {  	[sflag:s15] =	ssyncadd.s32 $0xFFFFFFFF  }
0x96: {  	s16 =	sld [smem:$0x11];
	(tm) =	ssettm $0x1  }
0x97: {  	s17 =	sld [smem:$0x3FFB];
	_ =	sdelay $0x3  }
0x98: {  	_ =	strace s17  }
0x99: {  	s3 =	sld [smem:$0x3FFC];
	_ =	sdelay $0x3  }
0x9a: {  	_ =	strace s3  }
0x9b: {  	s3 =	sld [smem:$0x3FFD];
	_ =	sdelay $0x3  }
0x9c: {  	_ =	strace s3  }
0x9d: {  	_ =	strace $0x8FFFFFFF  }
0x9e: {  	s18 =	sld [smem:$0x3FDB];
	_ =	sdelay $0x1  }
0x9f: {  	s19 =	simm.s32 $_scs_section_size  }
0xa0: {  	s5 =	simm.s32 $_size__tile_overlayer_lowered;
	s6 =	simm.s32 $_tile_overlayer_lowered  }
0xa1: {  	s22 =	simm.s32 $0x1BFF;
	s21 =	sshll.u32 s6, $0x1;
	s3 =	sadd.s32 s19, s18  }
0xa2: {  	s7 =	simm.s32 $0x0;
	s20 =	sshll.u32 s5, $0x1;
	s5 =	sadd.s32 s21, s3  }
0xa3: {  	[timem:s7], [sflag:s22] =	dma.local [hbm:s5], s20  }
0xa4: {  	_ =	swait.ge [sflag:s22], s20  }
0xa5: {  	s4 =	ssub.s32 $0x0, s20;
	[sflag:s22] =	ssyncset.done $0x0  }
0xa6: {  	[sflag:s22] =	ssyncadd.s32 s4;
	_ =	sdelay $0x1  }
0xa7: {  	s23 =	simm.s32 $0x1B8B  }
0xa8: {  	_ =	swait.ge [sflag:s23], $0x1  }
0xa9: {  	[sflag:s23] =	ssyncset.done $0x0  }
0xaa: {  	s25 =	simm.s32 $0x1B8E;
	s24 =	sld [smem:$0x3FFE];
	[sflag:s23] =	ssyncadd.s32 $0xFFFFFFFF  }
0xab: {  	s26 =	simm.s32 $execute0_lowered;
	[smem:$0x3FD2] =	sst s25  }
0xac: {  	s5 =	sshll.u32 s26, $0x1;
	_ =	strace $0x80000046;
	[dreg:$0x1] =	wrdreg $0xFFFFFFFF  }
0xad: {  	s28 =	simm.s32 $_size_execute0_lowered;
	s3 =	sadd.s32 s3, s5;
	[dreg:$0x0] =	wrdreg $0x0  }
0xae: {  	s5 =	sshll.u32 s28, $0x1;
	[dreg:$0x2] =	wrdreg s3  }
0xaf: {  	[dreg:$0x3] =	wrdreg s5  }
0xb0: {  	[dreg:$0x4] =	wrdreg $0xC0  }
0xb1: {  	_ =	task [dreg:s7], $0x5FFFF  }
0xb2: {  	[dreg:$0x1] =	wrdreg $0xFFFFFFFF  }
0xb3: {  	[dreg:$0x0] =	wrdreg $0x60  }
0xb4: {  	[dreg:$0x2] =	wrdreg s24  }
0xb5: {  	[dreg:$0x3] =	wrdreg s16  }
0xb6: {  	[dreg:$0x4] =	wrdreg $0xA  }
0xb7: {  	_ =	task.clear_ibuf [dreg:s7], $0x5FFFF;
	_ =	strace $0x90000046  }
0xb8: {  	s29 =	simm.s32 $0xA;
	_ =	strace $0x80000048  }
0xb9: {  	_ =	swait.ge [sflag:s29], $0x1  }
0xba: {  	[sflag:s29] =	ssyncadd.s32 $0xFFFFFFFF  }
0xbb: {  	_ =	strace $0x90000048  }
0xbc: {  	_ =	sfence  }
0xbd: {  	s30 =	sld [smem:$0x0];
	_ =	sdelay $0x2  }
0xbe: {  	s31 =	sshll.u32 s1, $0xD;
	s1 =	sshrl.u32 s1, $0x2  }
0xbf: {  	s3 =	sand.u32 $0x4000, s31;
	s1 =	sadd.s32 s1, s30  }
0xc0: {  	s0 =	sor.u32 s3, s0;
	s1 =	sshll.u32 s1, $0x11  }
0xc1: {  	s0 =	sor.u32 s1, s0  }
0xc2: {  	s0 =	sadd.s32 $0x8F2B, s0  }
0xc3: {  	[sflag:s0] =	ssyncadd.remote.s32 $0x1  }
0xc4: {  	_ =	sfence.sel $0xFFFF  }
0xc5: {  	[dreg:$0x0] =	wrdreg $0xFFFFFFFF;
	(pc) =	sbr.abs _section_cstart, $3  }
0xc6: {  	[dreg:$0x1] =	wrdreg $0xFFFFFFFF  }
0xc7: {  	_ =	task.clear_ibuf [dreg:s7], $0x2FFFF;
	_ =	strace $0x9FFFFFFF  }
0xc8: {  	(tm) =	ssettm $0x7FFFFFFF  }
0xc9: {  	_ =	shalt  }
tec
execute0_lowered:
.L_overlay_start_1:
0x0: {  	(tag) =	ssettag $0x1  }
0x1: {  	s4 =	rddreg [dreg:$0x0]  }
0x2: {  	s1 =	srdreg.scid;
	s0 =	stileid.u32  }
0x3: {  	s2 =	rddreg [dreg:$0x1];
	s3 =	simm.s32 $0x0;
	s18 =	simm.s32 $0x1  }
0x4: {  	s19 =	simm.s32 $0x4100;
	s20 =	simm.s32 $0x2;
	s21 =	simm.s32 $0x3  }
0x5: {  	s22 =	simm.s32 $0x4;
	s12 =	sand.u32 $0x1, s1;
	s1 =	rddreg [dreg:$0x2]  }
0x6: {  	s23 =	simm.s32 $0x0;
	s5 =	sshll.u32 s0, $0x1;
	[smem:$0x7FF] =	sst s3  }
0x7: {  	s14 =	sadd.s32 $0x3C00, s4;
	s13 =	sadd.s32 $0x17C00, s4;
	s11 =	sshll.u32 s0, $0xD  }
0x8: {  	s17 =	sshll.u32 s0, $0x11;
	s5 =	sor.u32 s12, s5;
	_ =	strace $0x80000047  }
0x9: {  	s8 =	ssub.s32 $0x2, s12;
	s15 =	sshll.u32 s12, $0xC;
	s12 =	sshll.u32 s12, $0x10  }
0xa: {  	s6 =	sshll.u32 s5, $0x4;
	s7 =	sshll.u32 s5, $0xB;
	s31 =	sshrl.u32 s8, $0x1  }
0xb: {  	s9 =	sshll.u32 s5, $0x9;
	s5 =	sshll.u32 s5, $0x10;
	s15 =	sor.u32 s15, s11  }
0xc: {  	s6 =	sadd.s32 s6, s4;
	s7 =	sadd.s32 s7, s4;
	s8 =	ssub.s32 s8, s31  }
0xd: {  	s4 =	sadd.s32 s14, s9;
	s5 =	sadd.s32 s13, s5;
	s16 =	sor.u32 $0x200, s15  }
0xe: {  	s13 =	sadd.s32 s17, s13;
	s15 =	sor.u32 $0x180, s15;
	s17 =	simm.s32 $0x100  }
.Ltmp0:
0xf: {  	s6 =	sadd.s32 $0x3A00, s6;
	s7 =	sadd.s32 $0x7C00, s7;
	(pc) =	sbr.rel .LBB2_1-.Ltmp0, $4  }
0x10: {  	s8 =	smax.u32 s8, $0x1;
	s9 =	sadd.s32 $0x10, s4;
	s10 =	sadd.s32 $0x800, s5  }
0x11: {  	s11 =	sadd.s32 $0x20, s4;
	s16 =	sshrl.u32 s16, $0x3;
	s13 =	sadd.s32 s12, s13  }
0x12: {  	s15 =	sshrl.u32 s15, $0x3;
	s12 =	sadd.s32 s16, s14;
	s13 =	sadd.s32 $0x1000, s13  }
0x13: {  	s14 =	sadd.s32 s15, s14;
	s15 =	simm.s32 $0x5;
	s16 =	simm.s32 $0x80  }
.LBB2_4:
0x14: {  	_ =	swait.ge [sflag:s22], $0x4000  }
0x15: {  	[sflag:s22] =	ssyncset.done $0x0  }
0x16: {  	[sflag:s22] =	ssyncadd.s32 $0xFFFFC000  }
0x17: {  	[tilespmem:s3], [sflag:$0x5] =	stream.linear.gather [hbm4b:s6+s3], $0x80, $0x38;
	[tilespmem:$0x8100] =	vst v63  }
0x18: {  	_ =	swait.ge [sflag:s15], $0x80  }
0x19: {  	[sflag:s15] =	ssyncset.done $0x0  }
0x1a: {  	[sflag:s15] =	ssyncadd.s32 $0xFFFFFF80  }
0x1b: {  	[tilespmem:s17], [sflag:$0x1] =	stream.indirect.gather [hbm4b:s2+s16], $0x80, s3, s16, $0xb8;
	[tilespmem:$0x8100] =	vst v63  }
0x1c: {  	s23 =	sadd.s32 $0x1, s23;
	_ =	swait.ge [sflag:s18], $0x4000  }
0x1d: {  	p0 =	sne.s32 s23, s8;
	[sflag:s18] =	ssyncset.done $0x0  }
.Ltmp1:
0x1e: {  	[sflag:s18] =	ssyncadd.s32 $0xFFFFC000;
	(pc) =	sbr.rel @!p0 .LBB2_5-.Ltmp1, $4  }
0x1f: {  	[hbm4b:s7+s3] =	stream.linear.scatter [tilespmem:s17], [sflag:$0x5], $0x4000, $0x38;
	[tilespmem:$0x8100] =	vst v63  }
0x20: {  	_ =	swait.ge [sflag:s15], $0x4000  }
0x21: {  	[sflag:s15] =	ssyncset.done $0x0  }
0x22: {  	[sflag:s15] =	ssyncadd.s32 $0xFFFFC000  }
.LBB2_1:
0x23: {  	[tilespmem:s3], [sflag:$0x5] =	stream.linear.gather [hbm4b:s4+s3], $0x80, $0x38;
	[tilespmem:$0x8100] =	vst v63  }
0x24: {  	_ =	swait.ge [sflag:s15], $0x80  }
0x25: {  	[sflag:s15] =	ssyncset.done $0x0  }
0x26: {  	[sflag:s15] =	ssyncadd.s32 $0xFFFFFF80  }
0x27: {  	[tilespmem:s17], [sflag:$0x1] =	stream.indirect.gather [hbm4b:s2+s16], $0x80, s3, s16, $0xb8;
	[tilespmem:$0x8100] =	vst v63  }
0x28: {  	_ =	swait.ge [sflag:s18], $0x4000  }
0x29: {  	[sflag:s18] =	ssyncset.done $0x0  }
0x2a: {  	[sflag:s18] =	ssyncadd.s32 $0xFFFFC000  }
0x2b: {  	[hbm4b:s5+s3] =	stream.linear.scatter [tilespmem:s17], [sflag:$0x3], $0x4000, $0x38;
	[tilespmem:$0x8100] =	vst v63  }
0x2c: {  	_ = 	snop  }
0x2d: {  	[tilespmem:s16], [sflag:$0x5] =	stream.linear.gather [hbm4b:s9+s3], $0x80, $0x38;
	[tilespmem:$0x8100] =	vst v63  }
0x2e: {  	_ =	swait.ge [sflag:s15], $0x80  }
0x2f: {  	[sflag:s15] =	ssyncset.done $0x0  }
0x30: {  	[sflag:s15] =	ssyncadd.s32 $0xFFFFFF80  }
0x31: {  	[tilespmem:s19], [sflag:$0x2] =	stream.indirect.gather [hbm4b:s2+s16], $0x80, s16, s16, $0xb8;
	[tilespmem:$0x8100] =	vst v63  }
0x32: {  	_ =	swait.ge [sflag:s20], $0x4000  }
0x33: {  	[sflag:s20] =	ssyncset.done $0x0  }
0x34: {  	[sflag:s20] =	ssyncadd.s32 $0xFFFFC000  }
0x35: {  	[hbm4b:s10+s3] =	stream.linear.scatter [tilespmem:s19], [sflag:$0x4], $0x4000, $0x38;
	[tilespmem:$0x8100] =	vst v63  }
0x36: {  	_ =	swait.ge [sflag:s21], $0x4000  }
0x37: {  	[sflag:s21] =	ssyncset.done $0x0  }
0x38: {  	[sflag:s21] =	ssyncadd.s32 $0xFFFFC000  }
0x39: {  	[tilespmem:s3], [sflag:$0x5] =	stream.linear.gather [hbm4b:s11+s3], $0x80, $0x38;
	[tilespmem:$0x8100] =	vst v63  }
0x3a: {  	_ =	swait.ge [sflag:s15], $0x80  }
0x3b: {  	[sflag:s15] =	ssyncset.done $0x0  }
0x3c: {  	s24 =	smov.u32 s13;
	s25 =	simm.s32 $0x0;
	[sflag:s15] =	ssyncadd.s32 $0xFFFFFF80  }
0x3d: {  	[tilespmem:s17], [sflag:$0x1] =	stream.indirect.gather [hbm4b:s2+s16], $0x80, s3, s16, $0xb8;
	[tilespmem:$0x8100] =	vst v63  }
.LBB2_2:
0x3e: {  	_ =	swait.ge [sflag:s18], $0x4000  }
0x3f: {  	[sflag:s18] =	ssyncset.done $0x0  }
0x40: {  	[sflag:s18] =	ssyncadd.s32 $0xFFFFC000  }
0x41: {  	[hbm4b:s24+s3] =	stream.linear.scatter [tilespmem:s17], [sflag:$0x3], $0x4000, $0x38;
	[tilespmem:$0x8100] =	vst v63  }
0x42: {  	_ =	swait.ge [sflag:s22], $0x4000  }
0x43: {  	[sflag:s22] =	ssyncset.done $0x0  }
0x44: {  	s26 =	sadd.s32 s25, s14;
	[sflag:s22] =	ssyncadd.s32 $0xFFFFC000  }
0x45: {  	[tilespmem:s16], [sflag:$0x5] =	stream.linear.gather [hbm4b:s26+s3], $0x80, $0x38;
	[tilespmem:$0x8100] =	vst v63  }
0x46: {  	_ =	swait.ge [sflag:s15], $0x80  }
0x47: {  	[sflag:s15] =	ssyncset.done $0x0  }
0x48: {  	[sflag:s15] =	ssyncadd.s32 $0xFFFFFF80  }
0x49: {  	[tilespmem:s19], [sflag:$0x2] =	stream.indirect.gather [hbm4b:s2+s16], $0x80, s16, s16, $0xb8;
	[tilespmem:$0x8100] =	vst v63  }
0x4a: {  	_ =	swait.ge [sflag:s20], $0x4000  }
0x4b: {  	p0 =	seq.s32 s25, $0x1C0;
	[sflag:s20] =	ssyncset.done $0x0  }
.Ltmp2:
0x4c: {  	s31 =	sadd.s32 $0x800, s24;
	[sflag:s20] =	ssyncadd.s32 $0xFFFFC000;
	(pc) =	sbr.rel @p0 .LBB2_4-.Ltmp2, $4  }
0x4d: {  	[hbm4b:s31+s3] =	stream.linear.scatter [tilespmem:s19], [sflag:$0x4], $0x4000, $0x38;
	[tilespmem:$0x8100] =	vst v63  }
0x4e: {  	_ =	swait.ge [sflag:s21], $0x4000  }
0x4f: {  	[sflag:s21] =	ssyncset.done $0x0  }
0x50: {  	[sflag:s21] =	ssyncadd.s32 $0xFFFFC000  }
0x51: {  	s26 =	sadd.s32 s25, s12  }
0x52: {  	[tilespmem:s3], [sflag:$0x5] =	stream.linear.gather [hbm4b:s26+s3], $0x80, $0x38;
	[tilespmem:$0x8100] =	vst v63  }
.Ltmp3:
0x53: {  	_ = 	snop;
	(pc) =	sbr.rel .LBB2_2-.Ltmp3, $4  }
0x54: {  	_ =	swait.ge [sflag:s15], $0x80  }
0x55: {  	[sflag:s15] =	ssyncset.done $0x0  }
0x56: {  	s25 =	sadd.s32 $0x20, s25;
	s24 =	sadd.s32 $0x1000, s24;
	[sflag:s15] =	ssyncadd.s32 $0xFFFFFF80  }
0x57: {  	[tilespmem:s17], [sflag:$0x1] =	stream.indirect.gather [hbm4b:s2+s16], $0x80, s3, s16, $0xb8;
	[tilespmem:$0x8100] =	vst v63  }
.LBB2_5:
0x58: {  	_ =	sfence.sel $0x180000  }
0x59: {  	[bflag:$0x0] =	sbarrier.arrive $0xFFFF  }
0x5a: {  	p0 =	sne.s32 s0, $0x0;
	_ =	strace $0x90000047  }
0x5b: {  	s0 =	sadd.s32 @!p0 $0x100000, s1;
	[bflag:$0x2] =	sbarrier.arrive $0xFFFF  }
0x5c: {  	[sflag:s0] =	ssyncadd.tile.s32 @!p0 $0x1;
	_ =	shalt  }
.Lfunc_end2:
_tile_overlayer_lowered:
.L_overlay_start_2:
0x5d: {  	(tag) =	ssettag $0x2  }
0x5e: {  	s0 =	rddreg [dreg:$0x0];
	s2 =	stileid.u32  }
0x5f: {  	s1 =	rddreg [dreg:$0x1];
	p0 =	sne.s32 s2, $0x0  }
0x60: {  	s3 =	rddreg [dreg:$0x2];
	[bflag:$0x3] =	sbarrier.arrive $0xFFFF;
	s2 =	simm.s32 @!p0 $0x1C05  }
0x61: {  	[timem:s3], [sflag:s2] =	dma.local @!p0 [hbm:s0], s1  }
0x62: {  	s0 =	simm.s32 @!p0 $0x5  }
0x63: {  	_ =	swait.ge @!p0 [sflag:s0], s1  }
0x64: {  	s1 =	ssub.s32 @!p0 $0x0, s1;
	[sflag:s0] =	ssyncset.done @!p0 $0x0  }
0x65: {  	[sflag:s0] =	ssyncadd.s32 @!p0 s1  }
0x66: {  	[bflag:$0x3] =	sbarrier.arrive $0xFFFF  }
0x67: {  	_ =	shalt  }

</sc_bundles>
